<compile_context>
chip_gen: v7x
topology: tpu7x:2x2x1
jax: 0.10.2.dev20260603
libtpu: 0.0.44.dev20260713+nightly
codegen_flags: <defaults>
</compile_context>

<pallas_src>
import functools

import jax
import jax.numpy as jnp
from jax import lax
from jax.experimental import pallas as pl
from jax.experimental.pallas import tpu as pltpu
from jax.experimental.pallas import tpu_sc as plsc

B, L, C, F, V, D = 1024, 50, 26, 13, 100000, 32
N = B * L
OUT_C = C + F
VP = 100096
VB = VP // 128
NB = N // 128
RCH = 25
KCH = NB // RCH
UTOT = F * KCH

_info = plsc.get_sparse_core_info()
NC, NS = _info.num_cores, _info.num_subcores
NW = NC * NS


def _make_sc_kernel():
    mesh = plsc.VectorSubcoreMesh(core_axis_name="c", subcore_axis_name="s")

    @functools.partial(
        pl.kernel,
        mesh=mesh,
        compiler_params=pltpu.CompilerParams(
            use_tc_tiling_on_sc=False, needs_layout_passes=False),
        out_type=jax.ShapeDtypeStruct((OUT_C, 4, NB, 8, 128), jnp.float32),
        scratch_types=[
            pltpu.VMEM((VB, 128), jnp.float32),
            pltpu.VMEM((RCH, 128), jnp.int32),
            pltpu.VMEM((RCH, 128), jnp.int32),
            pltpu.VMEM((RCH, 128), jnp.float32),
            pltpu.VMEM((RCH, 128), jnp.float32),
            pltpu.VMEM((RCH, 128), jnp.float32),
            pltpu.VMEM((RCH, 128), jnp.float32),
            pltpu.VMEM((RCH, 128), jnp.float32),
            pltpu.VMEM((RCH, 128), jnp.float32),
            pltpu.VMEM((16, 16), jnp.float32),
            pltpu.VMEM((16, 16), jnp.float32),
            pltpu.VMEM((16,), jnp.float32),
            pltpu.VMEM((16,), jnp.float32),
            pltpu.SemaphoreType.DMA,
            pltpu.SemaphoreType.DMA,
            pltpu.SemaphoreType.DMA,
            pltpu.SemaphoreType.DMA,
            pltpu.SemaphoreType.DMA,
            pltpu.SemaphoreType.DMA,
            pltpu.SemaphoreType.DMA,
            pltpu.SemaphoreType.DMA,
            pltpu.SemaphoreType.DMA,
            pltpu.SemaphoreType.DMA,
        ],
    )
    def sc_kernel(cat_hbm, cont_hbm, tab_hbm, w_hbm, b_hbm, out_hbm,
                  src_v, i0_v, i1_v, x0_v, x1_v, oa0_v, oa1_v, of0_v, of1_v,
                  wsp_v, bsp_v, wr_v, br_v,
                  ss0, ss1, si0, si1, sx0, sx1, sa0, sa1, sf0, sf1):
        d = lax.axis_index("s") * NC + lax.axis_index("c")
        db = d // 8
        dm = d % 8

        pltpu.sync_copy(w_hbm.at[d], wr_v)
        pltpu.sync_copy(b_hbm.at[d], br_v)
        wrow = wr_v[...]
        brow = br_v[...]
        for f in range(F):
            wsp_v[f, :] = jnp.full((16,), wrow[f], dtype=jnp.float32)
            bsp_v[f, :] = jnp.full((16,), brow[f], dtype=jnp.float32)

        def idx_copy(c, k, buf, sem):
            return pltpu.make_async_copy(
                cat_hbm.at[c, pl.ds(k * RCH, RCH), :], buf, sem)

        def x_copy(u, buf, sem):
            return pltpu.make_async_copy(
                cont_hbm.at[u // KCH, pl.ds((u % KCH) * RCH, RCH), :],
                buf, sem)

        def out_copy(j, k, buf, sem):
            return pltpu.make_async_copy(
                buf, out_hbm.at[j, db, pl.ds(k * RCH, RCH), dm, :], sem)

        def lookup_chunk(ib, ob):
            def row(r, rc):
                for h in range(8):
                    iv = ib[r, pl.ds(h * 16, 16)]
                    vb = jax.lax.shift_right_logical(iv, 7)
                    vm = jax.lax.bitwise_and(iv, 127)
                    ob[r, pl.ds(h * 16, 16)] = plsc.load_gather(
                        src_v, [vb, vm])
                return rc
            lax.fori_loop(0, RCH, row, 0)

        def lin_unit(u, xb, ob):
            ws = wsp_v[u // KCH, :]
            bs = bsp_v[u // KCH, :]

            def row(r, rc):
                for h in range(8):
                    xv = xb[r, pl.ds(h * 16, 16)]
                    ob[r, pl.ds(h * 16, 16)] = xv * ws + bs
                return rc
            lax.fori_loop(0, RCH, row, 0)

        x_copy(0, x0_v, sx0).start()
        x_copy(1, x1_v, sx1).start()

        def cat_task(c, carry):
            src_cp = pltpu.make_async_copy(
                tab_hbm.at[c, db, :, dm, :], src_v, ss0)
            src_cp.start()
            idx_copy(c, 0, i0_v, si0).start()
            idx_copy(c, 1, i1_v, si1).start()

            def cont_ss(js, cc):
                u0 = js * 2
                x_copy(u0, x0_v, sx0).wait()

                @pl.when(js > 0)
                def _():
                    out_copy(C, 0, of0_v, sf0).wait()
                lin_unit(u0, x0_v, of0_v)
                out_copy(C + u0 // KCH, u0 % KCH, of0_v, sf0).start()

                @pl.when(u0 + 2 < UTOT)
                def _():
                    x_copy(u0 + 2, x0_v, sx0).start()

                x_copy(u0 + 1, x1_v, sx1).wait()

                @pl.when(js > 0)
                def _():
                    out_copy(C, 0, of1_v, sf1).wait()
                lin_unit(u0 + 1, x1_v, of1_v)
                out_copy(C + (u0 + 1) // KCH, (u0 + 1) % KCH, of1_v,
                         sf1).start()

                @pl.when(u0 + 3 < UTOT)
                def _():
                    x_copy(u0 + 3, x1_v, sx1).start()
                return cc
            lax.fori_loop(c * 4, c * 4 + 4, cont_ss, 0)

            src_cp.wait()

            def superstep(ks, cc):
                k0 = ks * 2
                idx_copy(c, k0, i0_v, si0).wait()

                @pl.when(ks > 0)
                def _():
                    out_copy(c, 0, oa0_v, sa0).wait()
                lookup_chunk(i0_v, oa0_v)
                out_copy(c, k0, oa0_v, sa0).start()

                idx_copy(c, k0 + 1, i1_v, si1).wait()

                @pl.when(ks < KCH // 2 - 1)
                def _():
                    idx_copy(c, k0 + 2, i0_v, si0).start()

                @pl.when(ks > 0)
                def _():
                    out_copy(c, 0, oa1_v, sa1).wait()
                lookup_chunk(i1_v, oa1_v)
                out_copy(c, k0 + 1, oa1_v, sa1).start()

                @pl.when(ks < KCH // 2 - 1)
                def _():
                    idx_copy(c, k0 + 3, i1_v, si1).start()
                return cc
            lax.fori_loop(0, KCH // 2, superstep, 0)
            out_copy(c, KCH - 2, oa0_v, sa0).wait()
            out_copy(c, KCH - 1, oa1_v, sa1).wait()
            return carry
        lax.fori_loop(0, C, cat_task, 0)

        out_copy(C, 0, of0_v, sf0).wait()
        out_copy(C, 0, of1_v, sf1).wait()

    return sc_kernel


_sc_kernel = _make_sc_kernel()


def kernel(cat, cont, emb_tables, cont_W, cont_b):
    catT = cat.reshape(N, C).T.reshape(C, NB, 128)
    contT = cont.reshape(N, F).T.reshape(F, NB, 128)
    tabT = emb_tables.transpose(0, 2, 1)
    tabP = jnp.pad(tabT, ((0, 0), (0, 0), (0, VP - V)))
    tab5 = tabP.reshape(C, 4, 8, VB, 128).transpose(0, 1, 3, 2, 4)
    wT = jnp.zeros((32, 16), jnp.float32).at[:, :F].set(cont_W.T)
    bT = jnp.zeros((32, 16), jnp.float32).at[:, :F].set(cont_b.T)
    out5 = _sc_kernel(catT, contT, tab5, wT, bT)
    return out5.transpose(2, 4, 0, 1, 3).reshape(N, OUT_C, D)

# --- scband reference (transcript-rebuilt; emitter-appended) ---
"""Pipeline reference for scband-embedding-layer-13615046328339 (READ-ONLY COPY).

The authoritative reference and input builder live on the scoring server;
editing this copy changes nothing except your own understanding.
"""

import jax, jax.numpy as jnp
import numpy as np

B, L, C, F, V, D = 1024, 50, 26, 13, 100000, 32
PAD = 0

def setup_inputs(seed: int = 0) -> dict:
    key = jax.random.key(seed)
    k1, k2, k3, k4, k5 = jax.random.split(key, 5)
    cat = jax.random.randint(k1, (B, L, C), 0, V, dtype=jnp.int32)
    cont = jax.random.normal(k2, (B, L, F), dtype=jnp.float32)
    emb_tables = jax.random.normal(k3, (C, V, D), dtype=jnp.float32) * 0.02
    emb_tables = emb_tables.at[:, PAD, :].set(0.0)  # padding_idx rows are zero
    cont_W = jax.random.normal(k4, (F, D), dtype=jnp.float32) * 0.1
    cont_b = jax.random.normal(k5, (F, D), dtype=jnp.float32) * 0.01
    return {"cat": cat, "cont": cont, "emb_tables": emb_tables, "cont_W": cont_W, "cont_b": cont_b}

def reference(cat, cont, emb_tables, cont_W, cont_b):
    # cat: [B, L, C] int; cont: [B, L, F] float
    # emb_tables: [C, V, D] stacked per-field embedding tables
    # cont_W/cont_b: [F, D] per-field Linear(1, D) weight/bias
    Bx, Lx, Cx = cat.shape
    Dx = emb_tables.shape[-1]
    # per-field embedding lookup: table_i[cat[:, :, i]] -> [B, L, C, D]
    gathered = emb_tables[jnp.arange(Cx)[None, None, :], cat]
    # padding_idx semantics: padded positions embed to zero
    cat_out = jnp.where((cat == PAD)[..., None], 0.0, gathered)
    # Linear(1, D) on each continuous feature: x * W_i + b_i -> [B, L, F, D]
    cont_out = cont[..., None] * cont_W[None, None, :, :] + cont_b[None, None, :, :]
    # dropout=0.0 -> identity
    out = jnp.concatenate([cat_out, cont_out], axis=2)  # [B, L, C+F, D]
    return out.reshape(Bx * Lx, -1, Dx)

if __name__ == "__main__":
    import jax
    _d = setup_inputs()
    print(jax.jit(kernel)(*tuple(_d.values())))

</pallas_src>

<mosaic_0001>
#map = affine_map<(d0, d1) -> (0, 0, 0)>
#map1 = affine_map<(d0, d1) -> (0, 0, 0, 0, 0)>
#map2 = affine_map<(d0, d1) -> (0, 0)>
module attributes {stable_mosaic.version = 14 : i64} {
  func.func @sc_kernel(%arg0: i32, %arg1: i32, %arg2: memref<26x400x128xi32, #tpu.memory_space<hbm>>, %arg3: memref<13x400x128xf32, #tpu.memory_space<hbm>>, %arg4: memref<26x4x782x8x128xf32, #tpu.memory_space<hbm>>, %arg5: memref<32x16xf32, #tpu.memory_space<hbm>>, %arg6: memref<32x16xf32, #tpu.memory_space<hbm>>, %arg7: memref<39x4x400x8x128xf32, #tpu.memory_space<hbm>>, %arg8: memref<782x128xf32, #tpu.memory_space<vmem>>, %arg9: memref<25x128xi32, #tpu.memory_space<vmem>>, %arg10: memref<25x128xi32, #tpu.memory_space<vmem>>, %arg11: memref<25x128xf32, #tpu.memory_space<vmem>>, %arg12: memref<25x128xf32, #tpu.memory_space<vmem>>, %arg13: memref<25x128xf32, #tpu.memory_space<vmem>>, %arg14: memref<25x128xf32, #tpu.memory_space<vmem>>, %arg15: memref<25x128xf32, #tpu.memory_space<vmem>>, %arg16: memref<25x128xf32, #tpu.memory_space<vmem>>, %arg17: memref<16x16xf32, #tpu.memory_space<vmem>>, %arg18: memref<16x16xf32, #tpu.memory_space<vmem>>, %arg19: memref<16xf32, #tpu.memory_space<vmem>>, %arg20: memref<16xf32, #tpu.memory_space<vmem>>, %arg21: memref<!tpu.dma_semaphore, #tpu.memory_space<semaphore_mem>>, %arg22: memref<!tpu.dma_semaphore, #tpu.memory_space<semaphore_mem>>, %arg23: memref<!tpu.dma_semaphore, #tpu.memory_space<semaphore_mem>>, %arg24: memref<!tpu.dma_semaphore, #tpu.memory_space<semaphore_mem>>, %arg25: memref<!tpu.dma_semaphore, #tpu.memory_space<semaphore_mem>>, %arg26: memref<!tpu.dma_semaphore, #tpu.memory_space<semaphore_mem>>, %arg27: memref<!tpu.dma_semaphore, #tpu.memory_space<semaphore_mem>>, %arg28: memref<!tpu.dma_semaphore, #tpu.memory_space<semaphore_mem>>, %arg29: memref<!tpu.dma_semaphore, #tpu.memory_space<semaphore_mem>>, %arg30: memref<!tpu.dma_semaphore, #tpu.memory_space<semaphore_mem>>) attributes {dimension_semantics = [#tpu.dimension_semantics<core_parallel>, #tpu.dimension_semantics<subcore_parallel>], iteration_bounds = array<i64: 2, 16>, scalar_prefetch = 0 : i64, scratch_operands = 23 : i64, tpu.core_type = #tpu.core_type<sc_vector_subcore>, window_params = [{transform_indices = #map}, {transform_indices = #map}, {transform_indices = #map1}, {transform_indices = #map2}, {transform_indices = #map2}, {transform_indices = #map1}]} {
    %mul3A = arith.constant 2 : i32
    %mul3A_0 = arith.muli %arg1, %mul3A : i32
    %add3A = arith.addi %mul3A_0, %arg0 : i32
    %jit3A = arith.constant 8 : i32
    %div3A = arith.divsi %add3A, %jit3A : i32
    %sign3A = arith.constant 0 : i32
    %sign3A_1 = arith.cmpi sgt, %add3A, %sign3A : i32
    %sign3A_2 = arith.extui %sign3A_1 : i1 to i32
    %sign3A_3 = arith.constant 0 : i32
    %sign3A_4 = arith.cmpi slt, %add3A, %sign3A_3 : i32
    %sign3A_5 = arith.extui %sign3A_4 : i1 to i32
    %sign3A_6 = arith.subi %sign3A_2, %sign3A_5 : i32
    %sign3A_7 = arith.constant 0 : i32
    %sign3A_8 = arith.cmpi sgt, %jit3A, %sign3A_7 : i32
    %sign3A_9 = arith.extui %sign3A_8 : i1 to i32
    %sign3A_10 = arith.constant 0 : i32
    %sign3A_11 = arith.cmpi slt, %jit3A, %sign3A_10 : i32
    %sign3A_12 = arith.extui %sign3A_11 : i1 to i32
    %sign3A_13 = arith.subi %sign3A_9, %sign3A_12 : i32
    %ne3A = arith.cmpi ne, %sign3A_6, %sign3A_13 : i32
    %rem3A = arith.remsi %add3A, %jit3A : i32
    %ne3A_14 = arith.constant 0 : i32
    %ne3A_15 = arith.cmpi ne, %rem3A, %ne3A_14 : i32
    %and3A = arith.andi %ne3A, %ne3A_15 : i1
    %sub3A = arith.constant 1 : i32
    %sub3A_16 = arith.subi %div3A, %sub3A : i32
    %select_n3A = arith.select %and3A, %sub3A_16, %div3A : i32
    %jit3A_17 = arith.constant 8 : i32
    %eq3A = arith.constant 0 : i32
    %eq3A_18 = arith.cmpi eq, %jit3A_17, %eq3A : i32
    %jit3A_19 = arith.constant 1 : i32
    %select_n3A_20 = arith.select %eq3A_18, %jit3A_19, %jit3A_17 : i32
    %rem3A_21 = arith.remsi %add3A, %select_n3A_20 : i32
    %ne3A_22 = arith.constant 0 : i32
    %ne3A_23 = arith.cmpi ne, %rem3A_21, %ne3A_22 : i32
    %lt3A = arith.constant 0 : i32
    %lt3A_24 = arith.cmpi slt, %rem3A_21, %lt3A : i32
    %lt3A_25 = arith.constant 0 : i32
    %lt3A_26 = arith.cmpi slt, %select_n3A_20, %lt3A_25 : i32
    %ne3A_27 = arith.xori %lt3A_24, %lt3A_26 : i1
    %and3A_28 = arith.andi %ne3A_27, %ne3A_23 : i1
    %add3A_29 = arith.addi %rem3A_21, %select_n3A_20 : i32
    %select_n3A_30 = arith.select %and3A_28, %add3A_29, %rem3A_21 : i32
    "tpu.region"() ({
      %run_scoped3A = tpu.sem_alloc : memref<!tpu.dma_semaphore, #tpu.memory_space<semaphore_mem>>
      %dma_start3A_251 = arith.constant 0 : i32
      %dma_start3A_252 = tpu.memref_slice %arg5[%add3A, %dma_start3A_251] : memref<32x16xf32, #tpu.memory_space<hbm>> -> memref<1x16xf32, #tpu.memory_space<hbm>>
      %dma_start3A_253 = tpu.memref_squeeze %dma_start3A_252 : memref<1x16xf32, #tpu.memory_space<hbm>> -> memref<16xf32, #tpu.memory_space<hbm>>
      %dma_start3A_254 = arith.constant 0 : i32
      %dma_start3A_255 = tpu.memref_slice %arg5[%add3A, %dma_start3A_254] : memref<32x16xf32, #tpu.memory_space<hbm>> -> memref<1x16xf32, #tpu.memory_space<hbm>>
      %dma_start3A_256 = tpu.memref_squeeze %dma_start3A_255 : memref<1x16xf32, #tpu.memory_space<hbm>> -> memref<16xf32, #tpu.memory_space<hbm>>
      tpu.enqueue_dma source(%dma_start3A_256 : memref<16xf32, #tpu.memory_space<hbm>>) target(%arg19 : memref<16xf32, #tpu.memory_space<vmem>>) target_semaphore(%run_scoped3A : memref<!tpu.dma_semaphore, #tpu.memory_space<semaphore_mem>>)
      %dma_wait3A_257 = arith.constant 0 : i32
      %dma_wait3A_258 = tpu.memref_slice %arg5[%add3A, %dma_wait3A_257] : memref<32x16xf32, #tpu.memory_space<hbm>> -> memref<1x16xf32, #tpu.memory_space<hbm>>
      %dma_wait3A_259 = tpu.memref_squeeze %dma_wait3A_258 : memref<1x16xf32, #tpu.memory_space<hbm>> -> memref<16xf32, #tpu.memory_space<hbm>>
      %dma_wait3A_260 = arith.constant 0 : i32
      %dma_wait3A_261 = tpu.memref_slice %arg5[%add3A, %dma_wait3A_260] : memref<32x16xf32, #tpu.memory_space<hbm>> -> memref<1x16xf32, #tpu.memory_space<hbm>>
      %dma_wait3A_262 = tpu.memref_squeeze %dma_wait3A_261 : memref<1x16xf32, #tpu.memory_space<hbm>> -> memref<16xf32, #tpu.memory_space<hbm>>
      tpu.wait_dma2 semaphore(%run_scoped3A : memref<!tpu.dma_semaphore, #tpu.memory_space<semaphore_mem>>) src(%dma_wait3A_262 : memref<16xf32, #tpu.memory_space<hbm>>) dst(%arg19 : memref<16xf32, #tpu.memory_space<vmem>>)
      tpu.yield
    }) : () -> ()
    "tpu.region"() ({
      %run_scoped3A = tpu.sem_alloc : memref<!tpu.dma_semaphore, #tpu.memory_space<semaphore_mem>>
      %dma_start3A_251 = arith.constant 0 : i32
      %dma_start3A_252 = tpu.memref_slice %arg6[%add3A, %dma_start3A_251] : memref<32x16xf32, #tpu.memory_space<hbm>> -> memref<1x16xf32, #tpu.memory_space<hbm>>
      %dma_start3A_253 = tpu.memref_squeeze %dma_start3A_252 : memref<1x16xf32, #tpu.memory_space<hbm>> -> memref<16xf32, #tpu.memory_space<hbm>>
      %dma_start3A_254 = arith.constant 0 : i32
      %dma_start3A_255 = tpu.memref_slice %arg6[%add3A, %dma_start3A_254] : memref<32x16xf32, #tpu.memory_space<hbm>> -> memref<1x16xf32, #tpu.memory_space<hbm>>
      %dma_start3A_256 = tpu.memref_squeeze %dma_start3A_255 : memref<1x16xf32, #tpu.memory_space<hbm>> -> memref<16xf32, #tpu.memory_space<hbm>>
      tpu.enqueue_dma source(%dma_start3A_256 : memref<16xf32, #tpu.memory_space<hbm>>) target(%arg20 : memref<16xf32, #tpu.memory_space<vmem>>) target_semaphore(%run_scoped3A : memref<!tpu.dma_semaphore, #tpu.memory_space<semaphore_mem>>)
      %dma_wait3A_257 = arith.constant 0 : i32
      %dma_wait3A_258 = tpu.memref_slice %arg6[%add3A, %dma_wait3A_257] : memref<32x16xf32, #tpu.memory_space<hbm>> -> memref<1x16xf32, #tpu.memory_space<hbm>>
      %dma_wait3A_259 = tpu.memref_squeeze %dma_wait3A_258 : memref<1x16xf32, #tpu.memory_space<hbm>> -> memref<16xf32, #tpu.memory_space<hbm>>
      %dma_wait3A_260 = arith.constant 0 : i32
      %dma_wait3A_261 = tpu.memref_slice %arg6[%add3A, %dma_wait3A_260] : memref<32x16xf32, #tpu.memory_space<hbm>> -> memref<1x16xf32, #tpu.memory_space<hbm>>
      %dma_wait3A_262 = tpu.memref_squeeze %dma_wait3A_261 : memref<1x16xf32, #tpu.memory_space<hbm>> -> memref<16xf32, #tpu.memory_space<hbm>>
      tpu.wait_dma2 semaphore(%run_scoped3A : memref<!tpu.dma_semaphore, #tpu.memory_space<semaphore_mem>>) src(%dma_wait3A_262 : memref<16xf32, #tpu.memory_space<hbm>>) dst(%arg20 : memref<16xf32, #tpu.memory_space<vmem>>)
      tpu.yield
    }) : () -> ()
    %get3A = arith.constant 0 : index
    %get3A_31 = tpu.vector_load %arg19[%get3A] {strides = array<i32>} : memref<16xf32, #tpu.memory_space<vmem>>, vector<16xf32>,
    %get3A_32 = arith.constant 0 : index
    %get3A_33 = tpu.vector_load %arg20[%get3A_32] {strides = array<i32>} : memref<16xf32, #tpu.memory_space<vmem>>, vector<16xf32>,
    %slice3A = vector.extract_strided_slice %get3A_31 {offsets = [0], sizes = [1], strides = [1]} : vector<16xf32> to vector<1xf32>
    %squeeze3A = vector.extract %slice3A[0] : f32 from vector<1xf32>
    %broadcast_in_dim3A = vector.broadcast %squeeze3A : f32 to vector<16xf32>
    %swap3A = arith.constant 0 : i32
    %swap3A_34 = arith.index_cast %swap3A : i32 to index
    %swap3A_35 = arith.constant 0 : index
    %swap3A_36 = tpu.vector_load %arg17[%swap3A_34, %swap3A_35] {strides = array<i32>} : memref<16x16xf32, #tpu.memory_space<vmem>>, vector<16xf32>,
    tpu.vector_store %arg17[%swap3A_34, %swap3A_35], %broadcast_in_dim3A {strides = array<i32>} : memref<16x16xf32, #tpu.memory_space<vmem>>, vector<16xf32>,
    %slice3A_37 = vector.extract_strided_slice %get3A_33 {offsets = [0], sizes = [1], strides = [1]} : vector<16xf32> to vector<1xf32>
    %squeeze3A_38 = vector.extract %slice3A_37[0] : f32 from vector<1xf32>
    %broadcast_in_dim3A_39 = vector.broadcast %squeeze3A_38 : f32 to vector<16xf32>
    %swap3A_40 = arith.constant 0 : i32
    %swap3A_41 = arith.index_cast %swap3A_40 : i32 to index
    %swap3A_42 = arith.constant 0 : index
    %swap3A_43 = tpu.vector_load %arg18[%swap3A_41, %swap3A_42] {strides = array<i32>} : memref<16x16xf32, #tpu.memory_space<vmem>>, vector<16xf32>,
    tpu.vector_store %arg18[%swap3A_41, %swap3A_42], %broadcast_in_dim3A_39 {strides = array<i32>} : memref<16x16xf32, #tpu.memory_space<vmem>>, vector<16xf32>,
    %slice3A_44 = vector.extract_strided_slice %get3A_31 {offsets = [1], sizes = [1], strides = [1]} : vector<16xf32> to vector<1xf32>
    %squeeze3A_45 = vector.extract %slice3A_44[0] : f32 from vector<1xf32>
    %broadcast_in_dim3A_46 = vector.broadcast %squeeze3A_45 : f32 to vector<16xf32>
    %swap3A_47 = arith.constant 1 : i32
    %swap3A_48 = arith.index_cast %swap3A_47 : i32 to index
    %swap3A_49 = arith.constant 0 : index
    %swap3A_50 = tpu.vector_load %arg17[%swap3A_48, %swap3A_49] {strides = array<i32>} : memref<16x16xf32, #tpu.memory_space<vmem>>, vector<16xf32>,
    tpu.vector_store %arg17[%swap3A_48, %swap3A_49], %broadcast_in_dim3A_46 {strides = array<i32>} : memref<16x16xf32, #tpu.memory_space<vmem>>, vector<16xf32>,
    %slice3A_51 = vector.extract_strided_slice %get3A_33 {offsets = [1], sizes = [1], strides = [1]} : vector<16xf32> to vector<1xf32>
    %squeeze3A_52 = vector.extract %slice3A_51[0] : f32 from vector<1xf32>
    %broadcast_in_dim3A_53 = vector.broadcast %squeeze3A_52 : f32 to vector<16xf32>
    %swap3A_54 = arith.constant 1 : i32
    %swap3A_55 = arith.index_cast %swap3A_54 : i32 to index
    %swap3A_56 = arith.constant 0 : index
    %swap3A_57 = tpu.vector_load %arg18[%swap3A_55, %swap3A_56] {strides = array<i32>} : memref<16x16xf32, #tpu.memory_space<vmem>>, vector<16xf32>,
    tpu.vector_store %arg18[%swap3A_55, %swap3A_56], %broadcast_in_dim3A_53 {strides = array<i32>} : memref<16x16xf32, #tpu.memory_space<vmem>>, vector<16xf32>,
    %slice3A_58 = vector.extract_strided_slice %get3A_31 {offsets = [2], sizes = [1], strides = [1]} : vector<16xf32> to vector<1xf32>
    %squeeze3A_59 = vector.extract %slice3A_58[0] : f32 from vector<1xf32>
    %broadcast_in_dim3A_60 = vector.broadcast %squeeze3A_59 : f32 to vector<16xf32>
    %swap3A_61 = arith.constant 2 : i32
    %swap3A_62 = arith.index_cast %swap3A_61 : i32 to index
    %swap3A_63 = arith.constant 0 : index
    %swap3A_64 = tpu.vector_load %arg17[%swap3A_62, %swap3A_63] {strides = array<i32>} : memref<16x16xf32, #tpu.memory_space<vmem>>, vector<16xf32>,
    tpu.vector_store %arg17[%swap3A_62, %swap3A_63], %broadcast_in_dim3A_60 {strides = array<i32>} : memref<16x16xf32, #tpu.memory_space<vmem>>, vector<16xf32>,
    %slice3A_65 = vector.extract_strided_slice %get3A_33 {offsets = [2], sizes = [1], strides = [1]} : vector<16xf32> to vector<1xf32>
    %squeeze3A_66 = vector.extract %slice3A_65[0] : f32 from vector<1xf32>
    %broadcast_in_dim3A_67 = vector.broadcast %squeeze3A_66 : f32 to vector<16xf32>
    %swap3A_68 = arith.constant 2 : i32
    %swap3A_69 = arith.index_cast %swap3A_68 : i32 to index
    %swap3A_70 = arith.constant 0 : index
    %swap3A_71 = tpu.vector_load %arg18[%swap3A_69, %swap3A_70] {strides = array<i32>} : memref<16x16xf32, #tpu.memory_space<vmem>>, vector<16xf32>,
    tpu.vector_store %arg18[%swap3A_69, %swap3A_70], %broadcast_in_dim3A_67 {strides = array<i32>} : memref<16x16xf32, #tpu.memory_space<vmem>>, vector<16xf32>,
    %slice3A_72 = vector.extract_strided_slice %get3A_31 {offsets = [3], sizes = [1], strides = [1]} : vector<16xf32> to vector<1xf32>
    %squeeze3A_73 = vector.extract %slice3A_72[0] : f32 from vector<1xf32>
    %broadcast_in_dim3A_74 = vector.broadcast %squeeze3A_73 : f32 to vector<16xf32>
    %swap3A_75 = arith.constant 3 : i32
    %swap3A_76 = arith.index_cast %swap3A_75 : i32 to index
    %swap3A_77 = arith.constant 0 : index
    %swap3A_78 = tpu.vector_load %arg17[%swap3A_76, %swap3A_77] {strides = array<i32>} : memref<16x16xf32, #tpu.memory_space<vmem>>, vector<16xf32>,
    tpu.vector_store %arg17[%swap3A_76, %swap3A_77], %broadcast_in_dim3A_74 {strides = array<i32>} : memref<16x16xf32, #tpu.memory_space<vmem>>, vector<16xf32>,
    %slice3A_79 = vector.extract_strided_slice %get3A_33 {offsets = [3], sizes = [1], strides = [1]} : vector<16xf32> to vector<1xf32>
    %squeeze3A_80 = vector.extract %slice3A_79[0] : f32 from vector<1xf32>
    %broadcast_in_dim3A_81 = vector.broadcast %squeeze3A_80 : f32 to vector<16xf32>
    %swap3A_82 = arith.constant 3 : i32
    %swap3A_83 = arith.index_cast %swap3A_82 : i32 to index
    %swap3A_84 = arith.constant 0 : index
    %swap3A_85 = tpu.vector_load %arg18[%swap3A_83, %swap3A_84] {strides = array<i32>} : memref<16x16xf32, #tpu.memory_space<vmem>>, vector<16xf32>,
    tpu.vector_store %arg18[%swap3A_83, %swap3A_84], %broadcast_in_dim3A_81 {strides = array<i32>} : memref<16x16xf32, #tpu.memory_space<vmem>>, vector<16xf32>,
    %slice3A_86 = vector.extract_strided_slice %get3A_31 {offsets = [4], sizes = [1], strides = [1]} : vector<16xf32> to vector<1xf32>
    %squeeze3A_87 = vector.extract %slice3A_86[0] : f32 from vector<1xf32>
    %broadcast_in_dim3A_88 = vector.broadcast %squeeze3A_87 : f32 to vector<16xf32>
    %swap3A_89 = arith.constant 4 : i32
    %swap3A_90 = arith.index_cast %swap3A_89 : i32 to index
    %swap3A_91 = arith.constant 0 : index
    %swap3A_92 = tpu.vector_load %arg17[%swap3A_90, %swap3A_91] {strides = array<i32>} : memref<16x16xf32, #tpu.memory_space<vmem>>, vector<16xf32>,
    tpu.vector_store %arg17[%swap3A_90, %swap3A_91], %broadcast_in_dim3A_88 {strides = array<i32>} : memref<16x16xf32, #tpu.memory_space<vmem>>, vector<16xf32>,
    %slice3A_93 = vector.extract_strided_slice %get3A_33 {offsets = [4], sizes = [1], strides = [1]} : vector<16xf32> to vector<1xf32>
    %squeeze3A_94 = vector.extract %slice3A_93[0] : f32 from vector<1xf32>
    %broadcast_in_dim3A_95 = vector.broadcast %squeeze3A_94 : f32 to vector<16xf32>
    %swap3A_96 = arith.constant 4 : i32
    %swap3A_97 = arith.index_cast %swap3A_96 : i32 to index
    %swap3A_98 = arith.constant 0 : index
    %swap3A_99 = tpu.vector_load %arg18[%swap3A_97, %swap3A_98] {strides = array<i32>} : memref<16x16xf32, #tpu.memory_space<vmem>>, vector<16xf32>,
    tpu.vector_store %arg18[%swap3A_97, %swap3A_98], %broadcast_in_dim3A_95 {strides = array<i32>} : memref<16x16xf32, #tpu.memory_space<vmem>>, vector<16xf32>,
    %slice3A_100 = vector.extract_strided_slice %get3A_31 {offsets = [5], sizes = [1], strides = [1]} : vector<16xf32> to vector<1xf32>
    %squeeze3A_101 = vector.extract %slice3A_100[0] : f32 from vector<1xf32>
    %broadcast_in_dim3A_102 = vector.broadcast %squeeze3A_101 : f32 to vector<16xf32>
    %swap3A_103 = arith.constant 5 : i32
    %swap3A_104 = arith.index_cast %swap3A_103 : i32 to index
    %swap3A_105 = arith.constant 0 : index
    %swap3A_106 = tpu.vector_load %arg17[%swap3A_104, %swap3A_105] {strides = array<i32>} : memref<16x16xf32, #tpu.memory_space<vmem>>, vector<16xf32>,
    tpu.vector_store %arg17[%swap3A_104, %swap3A_105], %broadcast_in_dim3A_102 {strides = array<i32>} : memref<16x16xf32, #tpu.memory_space<vmem>>, vector<16xf32>,
    %slice3A_107 = vector.extract_strided_slice %get3A_33 {offsets = [5], sizes = [1], strides = [1]} : vector<16xf32> to vector<1xf32>
    %squeeze3A_108 = vector.extract %slice3A_107[0] : f32 from vector<1xf32>
    %broadcast_in_dim3A_109 = vector.broadcast %squeeze3A_108 : f32 to vector<16xf32>
    %swap3A_110 = arith.constant 5 : i32
    %swap3A_111 = arith.index_cast %swap3A_110 : i32 to index
    %swap3A_112 = arith.constant 0 : index
    %swap3A_113 = tpu.vector_load %arg18[%swap3A_111, %swap3A_112] {strides = array<i32>} : memref<16x16xf32, #tpu.memory_space<vmem>>, vector<16xf32>,
    tpu.vector_store %arg18[%swap3A_111, %swap3A_112], %broadcast_in_dim3A_109 {strides = array<i32>} : memref<16x16xf32, #tpu.memory_space<vmem>>, vector<16xf32>,
    %slice3A_114 = vector.extract_strided_slice %get3A_31 {offsets = [6], sizes = [1], strides = [1]} : vector<16xf32> to vector<1xf32>
    %squeeze3A_115 = vector.extract %slice3A_114[0] : f32 from vector<1xf32>
    %broadcast_in_dim3A_116 = vector.broadcast %squeeze3A_115 : f32 to vector<16xf32>
    %swap3A_117 = arith.constant 6 : i32
    %swap3A_118 = arith.index_cast %swap3A_117 : i32 to index
    %swap3A_119 = arith.constant 0 : index
    %swap3A_120 = tpu.vector_load %arg17[%swap3A_118, %swap3A_119] {strides = array<i32>} : memref<16x16xf32, #tpu.memory_space<vmem>>, vector<16xf32>,
    tpu.vector_store %arg17[%swap3A_118, %swap3A_119], %broadcast_in_dim3A_116 {strides = array<i32>} : memref<16x16xf32, #tpu.memory_space<vmem>>, vector<16xf32>,
    %slice3A_121 = vector.extract_strided_slice %get3A_33 {offsets = [6], sizes = [1], strides = [1]} : vector<16xf32> to vector<1xf32>
    %squeeze3A_122 = vector.extract %slice3A_121[0] : f32 from vector<1xf32>
    %broadcast_in_dim3A_123 = vector.broadcast %squeeze3A_122 : f32 to vector<16xf32>
    %swap3A_124 = arith.constant 6 : i32
    %swap3A_125 = arith.index_cast %swap3A_124 : i32 to index
    %swap3A_126 = arith.constant 0 : index
    %swap3A_127 = tpu.vector_load %arg18[%swap3A_125, %swap3A_126] {strides = array<i32>} : memref<16x16xf32, #tpu.memory_space<vmem>>, vector<16xf32>,
    tpu.vector_store %arg18[%swap3A_125, %swap3A_126], %broadcast_in_dim3A_123 {strides = array<i32>} : memref<16x16xf32, #tpu.memory_space<vmem>>, vector<16xf32>,
    %slice3A_128 = vector.extract_strided_slice %get3A_31 {offsets = [7], sizes = [1], strides = [1]} : vector<16xf32> to vector<1xf32>
    %squeeze3A_129 = vector.extract %slice3A_128[0] : f32 from vector<1xf32>
    %broadcast_in_dim3A_130 = vector.broadcast %squeeze3A_129 : f32 to vector<16xf32>
    %swap3A_131 = arith.constant 7 : i32
    %swap3A_132 = arith.index_cast %swap3A_131 : i32 to index
    %swap3A_133 = arith.constant 0 : index
    %swap3A_134 = tpu.vector_load %arg17[%swap3A_132, %swap3A_133] {strides = array<i32>} : memref<16x16xf32, #tpu.memory_space<vmem>>, vector<16xf32>,
    tpu.vector_store %arg17[%swap3A_132, %swap3A_133], %broadcast_in_dim3A_130 {strides = array<i32>} : memref<16x16xf32, #tpu.memory_space<vmem>>, vector<16xf32>,
    %slice3A_135 = vector.extract_strided_slice %get3A_33 {offsets = [7], sizes = [1], strides = [1]} : vector<16xf32> to vector<1xf32>
    %squeeze3A_136 = vector.extract %slice3A_135[0] : f32 from vector<1xf32>
    %broadcast_in_dim3A_137 = vector.broadcast %squeeze3A_136 : f32 to vector<16xf32>
    %swap3A_138 = arith.constant 7 : i32
    %swap3A_139 = arith.index_cast %swap3A_138 : i32 to index
    %swap3A_140 = arith.constant 0 : index
    %swap3A_141 = tpu.vector_load %arg18[%swap3A_139, %swap3A_140] {strides = array<i32>} : memref<16x16xf32, #tpu.memory_space<vmem>>, vector<16xf32>,
    tpu.vector_store %arg18[%swap3A_139, %swap3A_140], %broadcast_in_dim3A_137 {strides = array<i32>} : memref<16x16xf32, #tpu.memory_space<vmem>>, vector<16xf32>,
    %slice3A_142 = vector.extract_strided_slice %get3A_31 {offsets = [8], sizes = [1], strides = [1]} : vector<16xf32> to vector<1xf32>
    %squeeze3A_143 = vector.extract %slice3A_142[0] : f32 from vector<1xf32>
    %broadcast_in_dim3A_144 = vector.broadcast %squeeze3A_143 : f32 to vector<16xf32>
    %swap3A_145 = arith.constant 8 : i32
    %swap3A_146 = arith.index_cast %swap3A_145 : i32 to index
    %swap3A_147 = arith.constant 0 : index
    %swap3A_148 = tpu.vector_load %arg17[%swap3A_146, %swap3A_147] {strides = array<i32>} : memref<16x16xf32, #tpu.memory_space<vmem>>, vector<16xf32>,
    tpu.vector_store %arg17[%swap3A_146, %swap3A_147], %broadcast_in_dim3A_144 {strides = array<i32>} : memref<16x16xf32, #tpu.memory_space<vmem>>, vector<16xf32>,
    %slice3A_149 = vector.extract_strided_slice %get3A_33 {offsets = [8], sizes = [1], strides = [1]} : vector<16xf32> to vector<1xf32>
    %squeeze3A_150 = vector.extract %slice3A_149[0] : f32 from vector<1xf32>
    %broadcast_in_dim3A_151 = vector.broadcast %squeeze3A_150 : f32 to vector<16xf32>
    %swap3A_152 = arith.constant 8 : i32
    %swap3A_153 = arith.index_cast %swap3A_152 : i32 to index
    %swap3A_154 = arith.constant 0 : index
    %swap3A_155 = tpu.vector_load %arg18[%swap3A_153, %swap3A_154] {strides = array<i32>} : memref<16x16xf32, #tpu.memory_space<vmem>>, vector<16xf32>,
    tpu.vector_store %arg18[%swap3A_153, %swap3A_154], %broadcast_in_dim3A_151 {strides = array<i32>} : memref<16x16xf32, #tpu.memory_space<vmem>>, vector<16xf32>,
    %slice3A_156 = vector.extract_strided_slice %get3A_31 {offsets = [9], sizes = [1], strides = [1]} : vector<16xf32> to vector<1xf32>
    %squeeze3A_157 = vector.extract %slice3A_156[0] : f32 from vector<1xf32>
    %broadcast_in_dim3A_158 = vector.broadcast %squeeze3A_157 : f32 to vector<16xf32>
    %swap3A_159 = arith.constant 9 : i32
    %swap3A_160 = arith.index_cast %swap3A_159 : i32 to index
    %swap3A_161 = arith.constant 0 : index
    %swap3A_162 = tpu.vector_load %arg17[%swap3A_160, %swap3A_161] {strides = array<i32>} : memref<16x16xf32, #tpu.memory_space<vmem>>, vector<16xf32>,
    tpu.vector_store %arg17[%swap3A_160, %swap3A_161], %broadcast_in_dim3A_158 {strides = array<i32>} : memref<16x16xf32, #tpu.memory_space<vmem>>, vector<16xf32>,
    %slice3A_163 = vector.extract_strided_slice %get3A_33 {offsets = [9], sizes = [1], strides = [1]} : vector<16xf32> to vector<1xf32>
    %squeeze3A_164 = vector.extract %slice3A_163[0] : f32 from vector<1xf32>
    %broadcast_in_dim3A_165 = vector.broadcast %squeeze3A_164 : f32 to vector<16xf32>
    %swap3A_166 = arith.constant 9 : i32
    %swap3A_167 = arith.index_cast %swap3A_166 : i32 to index
    %swap3A_168 = arith.constant 0 : index
    %swap3A_169 = tpu.vector_load %arg18[%swap3A_167, %swap3A_168] {strides = array<i32>} : memref<16x16xf32, #tpu.memory_space<vmem>>, vector<16xf32>,
    tpu.vector_store %arg18[%swap3A_167, %swap3A_168], %broadcast_in_dim3A_165 {strides = array<i32>} : memref<16x16xf32, #tpu.memory_space<vmem>>, vector<16xf32>,
    %slice3A_170 = vector.extract_strided_slice %get3A_31 {offsets = [10], sizes = [1], strides = [1]} : vector<16xf32> to vector<1xf32>
    %squeeze3A_171 = vector.extract %slice3A_170[0] : f32 from vector<1xf32>
    %broadcast_in_dim3A_172 = vector.broadcast %squeeze3A_171 : f32 to vector<16xf32>
    %swap3A_173 = arith.constant 10 : i32
    %swap3A_174 = arith.index_cast %swap3A_173 : i32 to index
    %swap3A_175 = arith.constant 0 : index
    %swap3A_176 = tpu.vector_load %arg17[%swap3A_174, %swap3A_175] {strides = array<i32>} : memref<16x16xf32, #tpu.memory_space<vmem>>, vector<16xf32>,
    tpu.vector_store %arg17[%swap3A_174, %swap3A_175], %broadcast_in_dim3A_172 {strides = array<i32>} : memref<16x16xf32, #tpu.memory_space<vmem>>, vector<16xf32>,
    %slice3A_177 = vector.extract_strided_slice %get3A_33 {offsets = [10], sizes = [1], strides = [1]} : vector<16xf32> to vector<1xf32>
    %squeeze3A_178 = vector.extract %slice3A_177[0] : f32 from vector<1xf32>
    %broadcast_in_dim3A_179 = vector.broadcast %squeeze3A_178 : f32 to vector<16xf32>
    %swap3A_180 = arith.constant 10 : i32
    %swap3A_181 = arith.index_cast %swap3A_180 : i32 to index
    %swap3A_182 = arith.constant 0 : index
    %swap3A_183 = tpu.vector_load %arg18[%swap3A_181, %swap3A_182] {strides = array<i32>} : memref<16x16xf32, #tpu.memory_space<vmem>>, vector<16xf32>,
    tpu.vector_store %arg18[%swap3A_181, %swap3A_182], %broadcast_in_dim3A_179 {strides = array<i32>} : memref<16x16xf32, #tpu.memory_space<vmem>>, vector<16xf32>,
    %slice3A_184 = vector.extract_strided_slice %get3A_31 {offsets = [11], sizes = [1], strides = [1]} : vector<16xf32> to vector<1xf32>
    %squeeze3A_185 = vector.extract %slice3A_184[0] : f32 from vector<1xf32>
    %broadcast_in_dim3A_186 = vector.broadcast %squeeze3A_185 : f32 to vector<16xf32>
    %swap3A_187 = arith.constant 11 : i32
    %swap3A_188 = arith.index_cast %swap3A_187 : i32 to index
    %swap3A_189 = arith.constant 0 : index
    %swap3A_190 = tpu.vector_load %arg17[%swap3A_188, %swap3A_189] {strides = array<i32>} : memref<16x16xf32, #tpu.memory_space<vmem>>, vector<16xf32>,
    tpu.vector_store %arg17[%swap3A_188, %swap3A_189], %broadcast_in_dim3A_186 {strides = array<i32>} : memref<16x16xf32, #tpu.memory_space<vmem>>, vector<16xf32>,
    %slice3A_191 = vector.extract_strided_slice %get3A_33 {offsets = [11], sizes = [1], strides = [1]} : vector<16xf32> to vector<1xf32>
    %squeeze3A_192 = vector.extract %slice3A_191[0] : f32 from vector<1xf32>
    %broadcast_in_dim3A_193 = vector.broadcast %squeeze3A_192 : f32 to vector<16xf32>
    %swap3A_194 = arith.constant 11 : i32
    %swap3A_195 = arith.index_cast %swap3A_194 : i32 to index
    %swap3A_196 = arith.constant 0 : index
    %swap3A_197 = tpu.vector_load %arg18[%swap3A_195, %swap3A_196] {strides = array<i32>} : memref<16x16xf32, #tpu.memory_space<vmem>>, vector<16xf32>,
    tpu.vector_store %arg18[%swap3A_195, %swap3A_196], %broadcast_in_dim3A_193 {strides = array<i32>} : memref<16x16xf32, #tpu.memory_space<vmem>>, vector<16xf32>,
    %slice3A_198 = vector.extract_strided_slice %get3A_31 {offsets = [12], sizes = [1], strides = [1]} : vector<16xf32> to vector<1xf32>
    %squeeze3A_199 = vector.extract %slice3A_198[0] : f32 from vector<1xf32>
    %broadcast_in_dim3A_200 = vector.broadcast %squeeze3A_199 : f32 to vector<16xf32>
    %swap3A_201 = arith.constant 12 : i32
    %swap3A_202 = arith.index_cast %swap3A_201 : i32 to index
    %swap3A_203 = arith.constant 0 : index
    %swap3A_204 = tpu.vector_load %arg17[%swap3A_202, %swap3A_203] {strides = array<i32>} : memref<16x16xf32, #tpu.memory_space<vmem>>, vector<16xf32>,
    tpu.vector_store %arg17[%swap3A_202, %swap3A_203], %broadcast_in_dim3A_200 {strides = array<i32>} : memref<16x16xf32, #tpu.memory_space<vmem>>, vector<16xf32>,
    %slice3A_205 = vector.extract_strided_slice %get3A_33 {offsets = [12], sizes = [1], strides = [1]} : vector<16xf32> to vector<1xf32>
    %squeeze3A_206 = vector.extract %slice3A_205[0] : f32 from vector<1xf32>
    %broadcast_in_dim3A_207 = vector.broadcast %squeeze3A_206 : f32 to vector<16xf32>
    %swap3A_208 = arith.constant 12 : i32
    %swap3A_209 = arith.index_cast %swap3A_208 : i32 to index
    %swap3A_210 = arith.constant 0 : index
    %swap3A_211 = tpu.vector_load %arg18[%swap3A_209, %swap3A_210] {strides = array<i32>} : memref<16x16xf32, #tpu.memory_space<vmem>>, vector<16xf32>,
    tpu.vector_store %arg18[%swap3A_209, %swap3A_210], %broadcast_in_dim3A_207 {strides = array<i32>} : memref<16x16xf32, #tpu.memory_space<vmem>>, vector<16xf32>,
    %dma_start3A = arith.constant 0 : i32
    %dma_start3A_212 = arith.constant 0 : i32
    %dma_start3A_213 = arith.constant 0 : i32
    %dma_start3A_214 = tpu.memref_slice %arg3[%dma_start3A, %dma_start3A_212, %dma_start3A_213] : memref<13x400x128xf32, #tpu.memory_space<hbm>> -> memref<1x25x128xf32, #tpu.memory_space<hbm>>
    %dma_start3A_215 = tpu.memref_squeeze %dma_start3A_214 : memref<1x25x128xf32, #tpu.memory_space<hbm>> -> memref<25x128xf32, #tpu.memory_space<hbm>>
    %dma_start3A_216 = arith.constant 0 : i32
    %dma_start3A_217 = arith.constant 0 : i32
    %dma_start3A_218 = tpu.memref_slice %arg3[%dma_start3A, %dma_start3A_216, %dma_start3A_217] : memref<13x400x128xf32, #tpu.memory_space<hbm>> -> memref<1x25x128xf32, #tpu.memory_space<hbm>>
    %dma_start3A_219 = tpu.memref_squeeze %dma_start3A_218 : memref<1x25x128xf32, #tpu.memory_space<hbm>> -> memref<25x128xf32, #tpu.memory_space<hbm>>
    tpu.enqueue_dma source(%dma_start3A_219 : memref<25x128xf32, #tpu.memory_space<hbm>>) target(%arg11 : memref<25x128xf32, #tpu.memory_space<vmem>>) target_semaphore(%arg25 : memref<!tpu.dma_semaphore, #tpu.memory_space<semaphore_mem>>)
    %dma_start3A_220 = arith.constant 0 : i32
    %dma_start3A_221 = arith.constant 25 : i32
    %dma_start3A_222 = arith.constant 0 : i32
    %dma_start3A_223 = tpu.memref_slice %arg3[%dma_start3A_220, %dma_start3A_221, %dma_start3A_222] : memref<13x400x128xf32, #tpu.memory_space<hbm>> -> memref<1x25x128xf32, #tpu.memory_space<hbm>>
    %dma_start3A_224 = tpu.memref_squeeze %dma_start3A_223 : memref<1x25x128xf32, #tpu.memory_space<hbm>> -> memref<25x128xf32, #tpu.memory_space<hbm>>
    %dma_start3A_225 = arith.constant 25 : i32
    %dma_start3A_226 = arith.constant 0 : i32
    %dma_start3A_227 = tpu.memref_slice %arg3[%dma_start3A_220, %dma_start3A_225, %dma_start3A_226] : memref<13x400x128xf32, #tpu.memory_space<hbm>> -> memref<1x25x128xf32, #tpu.memory_space<hbm>>
    %dma_start3A_228 = tpu.memref_squeeze %dma_start3A_227 : memref<1x25x128xf32, #tpu.memory_space<hbm>> -> memref<25x128xf32, #tpu.memory_space<hbm>>
    tpu.enqueue_dma source(%dma_start3A_228 : memref<25x128xf32, #tpu.memory_space<hbm>>) target(%arg12 : memref<25x128xf32, #tpu.memory_space<vmem>>) target_semaphore(%arg26 : memref<!tpu.dma_semaphore, #tpu.memory_space<semaphore_mem>>)
    %scan3A = arith.constant 0 : i32
    %scan3A_229 = arith.constant 0 : i32
    %scan3A_230 = arith.constant 26 : i32
    %scan3A_231 = arith.addi %scan3A_229, %scan3A_230 : i32
    %scan3A_232 = arith.constant 1 : i32
    scf.for %scan3A_251 = %scan3A_229 to %scan3A_231 step %scan3A_232  : i32 {
      %dma_start3A_252 = arith.constant 0 : i32
      %dma_start3A_253 = arith.constant 0 : i32
      %dma_start3A_254 = tpu.memref_slice %arg4[%scan3A_251, %select_n3A, %dma_start3A_252, %select_n3A_30, %dma_start3A_253] : memref<26x4x782x8x128xf32, #tpu.memory_space<hbm>> -> memref<1x1x782x1x128xf32, #tpu.memory_space<hbm>>
      %dma_start3A_255 = tpu.memref_squeeze %dma_start3A_254 : memref<1x1x782x1x128xf32, #tpu.memory_space<hbm>> -> memref<782x128xf32, #tpu.memory_space<hbm>>
      %dma_start3A_256 = arith.constant 0 : i32
      %dma_start3A_257 = arith.constant 0 : i32
      %dma_start3A_258 = tpu.memref_slice %arg4[%scan3A_251, %select_n3A, %dma_start3A_256, %select_n3A_30, %dma_start3A_257] : memref<26x4x782x8x128xf32, #tpu.memory_space<hbm>> -> memref<1x1x782x1x128xf32, #tpu.memory_space<hbm>>
      %dma_start3A_259 = tpu.memref_squeeze %dma_start3A_258 : memref<1x1x782x1x128xf32, #tpu.memory_space<hbm>> -> memref<782x128xf32, #tpu.memory_space<hbm>>
      tpu.enqueue_dma source(%dma_start3A_259 : memref<782x128xf32, #tpu.memory_space<hbm>>) target(%arg8 : memref<782x128xf32, #tpu.memory_space<vmem>>) target_semaphore(%arg21 : memref<!tpu.dma_semaphore, #tpu.memory_space<semaphore_mem>>)
      %dma_start3A_260 = arith.constant 0 : i32
      %dma_start3A_261 = arith.constant 0 : i32
      %dma_start3A_262 = tpu.memref_slice %arg2[%scan3A_251, %dma_start3A_260, %dma_start3A_261] : memref<26x400x128xi32, #tpu.memory_space<hbm>> -> memref<1x25x128xi32, #tpu.memory_space<hbm>>
      %dma_start3A_263 = tpu.memref_squeeze %dma_start3A_262 : memref<1x25x128xi32, #tpu.memory_space<hbm>> -> memref<25x128xi32, #tpu.memory_space<hbm>>
      %dma_start3A_264 = arith.constant 0 : i32
      %dma_start3A_265 = arith.constant 0 : i32
      %dma_start3A_266 = tpu.memref_slice %arg2[%scan3A_251, %dma_start3A_264, %dma_start3A_265] : memref<26x400x128xi32, #tpu.memory_space<hbm>> -> memref<1x25x128xi32, #tpu.memory_space<hbm>>
      %dma_start3A_267 = tpu.memref_squeeze %dma_start3A_266 : memref<1x25x128xi32, #tpu.memory_space<hbm>> -> memref<25x128xi32, #tpu.memory_space<hbm>>
      tpu.enqueue_dma source(%dma_start3A_267 : memref<25x128xi32, #tpu.memory_space<hbm>>) target(%arg9 : memref<25x128xi32, #tpu.memory_space<vmem>>) target_semaphore(%arg23 : memref<!tpu.dma_semaphore, #tpu.memory_space<semaphore_mem>>)
      %dma_start3A_268 = arith.constant 25 : i32
      %dma_start3A_269 = arith.constant 0 : i32
      %dma_start3A_270 = tpu.memref_slice %arg2[%scan3A_251, %dma_start3A_268, %dma_start3A_269] : memref<26x400x128xi32, #tpu.memory_space<hbm>> -> memref<1x25x128xi32, #tpu.memory_space<hbm>>
      %dma_start3A_271 = tpu.memref_squeeze %dma_start3A_270 : memref<1x25x128xi32, #tpu.memory_space<hbm>> -> memref<25x128xi32, #tpu.memory_space<hbm>>
      %dma_start3A_272 = arith.constant 25 : i32
      %dma_start3A_273 = arith.constant 0 : i32
      %dma_start3A_274 = tpu.memref_slice %arg2[%scan3A_251, %dma_start3A_272, %dma_start3A_273] : memref<26x400x128xi32, #tpu.memory_space<hbm>> -> memref<1x25x128xi32, #tpu.memory_space<hbm>>
      %dma_start3A_275 = tpu.memref_squeeze %dma_start3A_274 : memref<1x25x128xi32, #tpu.memory_space<hbm>> -> memref<25x128xi32, #tpu.memory_space<hbm>>
      tpu.enqueue_dma source(%dma_start3A_275 : memref<25x128xi32, #tpu.memory_space<hbm>>) target(%arg10 : memref<25x128xi32, #tpu.memory_space<vmem>>) target_semaphore(%arg24 : memref<!tpu.dma_semaphore, #tpu.memory_space<semaphore_mem>>)
      %mul3A_276 = arith.constant 4 : i32
      %mul3A_277 = arith.muli %scan3A_251, %mul3A_276 : i32
      %mul3A_278 = arith.constant 4 : i32
      %mul3A_279 = arith.muli %scan3A_251, %mul3A_278 : i32
      %add3A_280 = arith.constant 4 : i32
      %add3A_281 = arith.addi %mul3A_279, %add3A_280 : i32
      %while3A = arith.constant 0 : i32
      %while3A_282 = arith.subi %add3A_281, %mul3A_277 : i32
      %while3A_283 = arith.addi %mul3A_277, %while3A_282 : i32
      %while3A_284 = arith.constant 1 : i32
      %while3A_285 = arith.divsi %while3A_282, %while3A_284 : i32
      %while3A_286 = arith.muli %while3A_285, %while3A_284 : i32
      %while3A_287 = arith.addi %mul3A_277, %while3A_286 : i32
      %while3A_288 = arith.constant 1 : i32
      scf.for %while3A_320 = %mul3A_277 to %while3A_287 step %while3A_288  : i32 {
        %mul3A_321 = arith.constant 2 : i32
        %mul3A_322 = arith.muli %while3A_320, %mul3A_321 : i32
        %jit3A_323 = arith.constant 16 : i32
        %div3A_324 = arith.divsi %mul3A_322, %jit3A_323 : i32
        %sign3A_325 = arith.constant 0 : i32
        %sign3A_326 = arith.cmpi sgt, %mul3A_322, %sign3A_325 : i32
        %sign3A_327 = arith.extui %sign3A_326 : i1 to i32
        %sign3A_328 = arith.constant 0 : i32
        %sign3A_329 = arith.cmpi slt, %mul3A_322, %sign3A_328 : i32
        %sign3A_330 = arith.extui %sign3A_329 : i1 to i32
        %sign3A_331 = arith.subi %sign3A_327, %sign3A_330 : i32
        %sign3A_332 = arith.constant 0 : i32
        %sign3A_333 = arith.cmpi sgt, %jit3A_323, %sign3A_332 : i32
        %sign3A_334 = arith.extui %sign3A_333 : i1 to i32
        %sign3A_335 = arith.constant 0 : i32
        %sign3A_336 = arith.cmpi slt, %jit3A_323, %sign3A_335 : i32
        %sign3A_337 = arith.extui %sign3A_336 : i1 to i32
        %sign3A_338 = arith.subi %sign3A_334, %sign3A_337 : i32
        %ne3A_339 = arith.cmpi ne, %sign3A_331, %sign3A_338 : i32
        %rem3A_340 = arith.remsi %mul3A_322, %jit3A_323 : i32
        %ne3A_341 = arith.constant 0 : i32
        %ne3A_342 = arith.cmpi ne, %rem3A_340, %ne3A_341 : i32
        %and3A_343 = arith.andi %ne3A_339, %ne3A_342 : i1
        %sub3A_344 = arith.constant 1 : i32
        %sub3A_345 = arith.subi %div3A_324, %sub3A_344 : i32
        %select_n3A_346 = arith.select %and3A_343, %sub3A_345, %div3A_324 : i32
        %jit3A_347 = arith.constant 16 : i32
        %eq3A_348 = arith.constant 0 : i32
        %eq3A_349 = arith.cmpi eq, %jit3A_347, %eq3A_348 : i32
        %jit3A_350 = arith.constant 1 : i32
        %select_n3A_351 = arith.select %eq3A_349, %jit3A_350, %jit3A_347 : i32
        %rem3A_352 = arith.remsi %mul3A_322, %select_n3A_351 : i32
        %ne3A_353 = arith.constant 0 : i32
        %ne3A_354 = arith.cmpi ne, %rem3A_352, %ne3A_353 : i32
        %lt3A_355 = arith.constant 0 : i32
        %lt3A_356 = arith.cmpi slt, %rem3A_352, %lt3A_355 : i32
        %lt3A_357 = arith.constant 0 : i32
        %lt3A_358 = arith.cmpi slt, %select_n3A_351, %lt3A_357 : i32
        %ne3A_359 = arith.xori %lt3A_356, %lt3A_358 : i1
        %and3A_360 = arith.andi %ne3A_359, %ne3A_354 : i1
        %add3A_361 = arith.addi %rem3A_352, %select_n3A_351 : i32
        %select_n3A_362 = arith.select %and3A_360, %add3A_361, %rem3A_352 : i32
        %mul3A_363 = arith.constant 25 : i32
        %mul3A_364 = arith.muli %select_n3A_362, %mul3A_363 : i32
        %dma_wait3A_365 = arith.constant 0 : i32
        %dma_wait3A_366 = tpu.memref_slice %arg3[%select_n3A_346, %mul3A_364, %dma_wait3A_365] : memref<13x400x128xf32, #tpu.memory_space<hbm>> -> memref<1x25x128xf32, #tpu.memory_space<hbm>>
        %dma_wait3A_367 = tpu.memref_squeeze %dma_wait3A_366 : memref<1x25x128xf32, #tpu.memory_space<hbm>> -> memref<25x128xf32, #tpu.memory_space<hbm>>
        %dma_wait3A_368 = arith.constant 0 : i32
        %dma_wait3A_369 = tpu.memref_slice %arg3[%select_n3A_346, %mul3A_364, %dma_wait3A_368] : memref<13x400x128xf32, #tpu.memory_space<hbm>> -> memref<1x25x128xf32, #tpu.memory_space<hbm>>
        %dma_wait3A_370 = tpu.memref_squeeze %dma_wait3A_369 : memref<1x25x128xf32, #tpu.memory_space<hbm>> -> memref<25x128xf32, #tpu.memory_space<hbm>>
        tpu.wait_dma2 semaphore(%arg25 : memref<!tpu.dma_semaphore, #tpu.memory_space<semaphore_mem>>) src(%dma_wait3A_370 : memref<25x128xf32, #tpu.memory_space<hbm>>) dst(%arg11 : memref<25x128xf32, #tpu.memory_space<vmem>>)
        %gt3A = arith.constant 0 : i32
        %gt3A_371 = arith.cmpi sgt, %while3A_320, %gt3A : i32
        %convert_element_type3A = arith.extui %gt3A_371 : i1 to i32
        %cond3A = arith.constant 0 : i32
        %cond3A_372 = arith.cmpi ne, %convert_element_type3A, %cond3A : i32
        scf.if %cond3A_372 {
          %dma_wait3A_668 = arith.constant 26 : i32
          %dma_wait3A_669 = arith.constant 0 : i32
          %dma_wait3A_670 = arith.constant 0 : i32
          %dma_wait3A_671 = tpu.memref_slice %arg7[%dma_wait3A_668, %select_n3A, %dma_wait3A_669, %select_n3A_30, %dma_wait3A_670] : memref<39x4x400x8x128xf32, #tpu.memory_space<hbm>> -> memref<1x1x25x1x128xf32, #tpu.memory_space<hbm>>
          %dma_wait3A_672 = tpu.memref_squeeze %dma_wait3A_671 : memref<1x1x25x1x128xf32, #tpu.memory_space<hbm>> -> memref<25x128xf32, #tpu.memory_space<hbm>>
          %dma_wait3A_673 = arith.constant 0 : i32
          %dma_wait3A_674 = arith.constant 0 : i32
          %dma_wait3A_675 = tpu.memref_slice %arg7[%dma_wait3A_668, %select_n3A, %dma_wait3A_673, %select_n3A_30, %dma_wait3A_674] : memref<39x4x400x8x128xf32, #tpu.memory_space<hbm>> -> memref<1x1x25x1x128xf32, #tpu.memory_space<hbm>>
          %dma_wait3A_676 = tpu.memref_squeeze %dma_wait3A_675 : memref<1x1x25x1x128xf32, #tpu.memory_space<hbm>> -> memref<25x128xf32, #tpu.memory_space<hbm>>
          tpu.wait_dma2 semaphore(%arg29 : memref<!tpu.dma_semaphore, #tpu.memory_space<semaphore_mem>>) src(%arg15 : memref<25x128xf32, #tpu.memory_space<vmem>>) dst(%dma_wait3A_676 : memref<25x128xf32, #tpu.memory_space<hbm>>)
        } else {
        }
        %jit3A_373 = arith.constant 16 : i32
        %div3A_374 = arith.divsi %mul3A_322, %jit3A_373 : i32
        %sign3A_375 = arith.constant 0 : i32
        %sign3A_376 = arith.cmpi sgt, %mul3A_322, %sign3A_375 : i32
        %sign3A_377 = arith.extui %sign3A_376 : i1 to i32
        %sign3A_378 = arith.constant 0 : i32
        %sign3A_379 = arith.cmpi slt, %mul3A_322, %sign3A_378 : i32
        %sign3A_380 = arith.extui %sign3A_379 : i1 to i32
        %sign3A_381 = arith.subi %sign3A_377, %sign3A_380 : i32
        %sign3A_382 = arith.constant 0 : i32
        %sign3A_383 = arith.cmpi sgt, %jit3A_373, %sign3A_382 : i32
        %sign3A_384 = arith.extui %sign3A_383 : i1 to i32
        %sign3A_385 = arith.constant 0 : i32
        %sign3A_386 = arith.cmpi slt, %jit3A_373, %sign3A_385 : i32
        %sign3A_387 = arith.extui %sign3A_386 : i1 to i32
        %sign3A_388 = arith.subi %sign3A_384, %sign3A_387 : i32
        %ne3A_389 = arith.cmpi ne, %sign3A_381, %sign3A_388 : i32
        %rem3A_390 = arith.remsi %mul3A_322, %jit3A_373 : i32
        %ne3A_391 = arith.constant 0 : i32
        %ne3A_392 = arith.cmpi ne, %rem3A_390, %ne3A_391 : i32
        %and3A_393 = arith.andi %ne3A_389, %ne3A_392 : i1
        %sub3A_394 = arith.constant 1 : i32
        %sub3A_395 = arith.subi %div3A_374, %sub3A_394 : i32
        %select_n3A_396 = arith.select %and3A_393, %sub3A_395, %div3A_374 : i32
        %get3A_397 = arith.index_cast %select_n3A_396 : i32 to index
        %get3A_398 = arith.constant 0 : index
        %get3A_399 = tpu.vector_load %arg17[%get3A_397, %get3A_398] {strides = array<i32>} : memref<16x16xf32, #tpu.memory_space<vmem>>, vector<16xf32>,
        %jit3A_400 = arith.constant 16 : i32
        %div3A_401 = arith.divsi %mul3A_322, %jit3A_400 : i32
        %sign3A_402 = arith.constant 0 : i32
        %sign3A_403 = arith.cmpi sgt, %mul3A_322, %sign3A_402 : i32
        %sign3A_404 = arith.extui %sign3A_403 : i1 to i32
        %sign3A_405 = arith.constant 0 : i32
        %sign3A_406 = arith.cmpi slt, %mul3A_322, %sign3A_405 : i32
        %sign3A_407 = arith.extui %sign3A_406 : i1 to i32
        %sign3A_408 = arith.subi %sign3A_404, %sign3A_407 : i32
        %sign3A_409 = arith.constant 0 : i32
        %sign3A_410 = arith.cmpi sgt, %jit3A_400, %sign3A_409 : i32
        %sign3A_411 = arith.extui %sign3A_410 : i1 to i32
        %sign3A_412 = arith.constant 0 : i32
        %sign3A_413 = arith.cmpi slt, %jit3A_400, %sign3A_412 : i32
        %sign3A_414 = arith.extui %sign3A_413 : i1 to i32
        %sign3A_415 = arith.subi %sign3A_411, %sign3A_414 : i32
        %ne3A_416 = arith.cmpi ne, %sign3A_408, %sign3A_415 : i32
        %rem3A_417 = arith.remsi %mul3A_322, %jit3A_400 : i32
        %ne3A_418 = arith.constant 0 : i32
        %ne3A_419 = arith.cmpi ne, %rem3A_417, %ne3A_418 : i32
        %and3A_420 = arith.andi %ne3A_416, %ne3A_419 : i1
        %sub3A_421 = arith.constant 1 : i32
        %sub3A_422 = arith.subi %div3A_401, %sub3A_421 : i32
        %select_n3A_423 = arith.select %and3A_420, %sub3A_422, %div3A_401 : i32
        %get3A_424 = arith.index_cast %select_n3A_423 : i32 to index
        %get3A_425 = arith.constant 0 : index
        %get3A_426 = tpu.vector_load %arg18[%get3A_424, %get3A_425] {strides = array<i32>} : memref<16x16xf32, #tpu.memory_space<vmem>>, vector<16xf32>,
        %scan3A_427 = arith.constant 0 : i32
        %scan3A_428 = arith.constant 0 : i32
        %scan3A_429 = arith.constant 25 : i32
        %scan3A_430 = arith.addi %scan3A_428, %scan3A_429 : i32
        %scan3A_431 = arith.constant 1 : i32
        scf.for %scan3A_668 = %scan3A_428 to %scan3A_430 step %scan3A_431  : i32 {
          %get3A_669 = arith.index_cast %scan3A_668 : i32 to index
          %get3A_670 = arith.constant 0 : index
          %get3A_671 = tpu.vector_load %arg11[%get3A_669, %get3A_670] {strides = array<i32>} : memref<25x128xf32, #tpu.memory_space<vmem>>, vector<16xf32>,
          %mul3A_672 = arith.mulf %get3A_671, %get3A_399 : vector<16xf32>
          %add3A_673 = arith.addf %mul3A_672, %get3A_426 : vector<16xf32>
          %swap3A_674 = arith.index_cast %scan3A_668 : i32 to index
          %swap3A_675 = arith.constant 0 : index
          %swap3A_676 = tpu.vector_load %arg15[%swap3A_674, %swap3A_675] {strides = array<i32>} : memref<25x128xf32, #tpu.memory_space<vmem>>, vector<16xf32>,
          tpu.vector_store %arg15[%swap3A_674, %swap3A_675], %add3A_673 {strides = array<i32>} : memref<25x128xf32, #tpu.memory_space<vmem>>, vector<16xf32>,
          %get3A_677 = arith.index_cast %scan3A_668 : i32 to index
          %get3A_678 = arith.constant 16 : index
          %get3A_679 = tpu.vector_load %arg11[%get3A_677, %get3A_678] {strides = array<i32>} : memref<25x128xf32, #tpu.memory_space<vmem>>, vector<16xf32>,
          %mul3A_680 = arith.mulf %get3A_679, %get3A_399 : vector<16xf32>
          %add3A_681 = arith.addf %mul3A_680, %get3A_426 : vector<16xf32>
          %swap3A_682 = arith.index_cast %scan3A_668 : i32 to index
          %swap3A_683 = arith.constant 16 : index
          %swap3A_684 = tpu.vector_load %arg15[%swap3A_682, %swap3A_683] {strides = array<i32>} : memref<25x128xf32, #tpu.memory_space<vmem>>, vector<16xf32>,
          tpu.vector_store %arg15[%swap3A_682, %swap3A_683], %add3A_681 {strides = array<i32>} : memref<25x128xf32, #tpu.memory_space<vmem>>, vector<16xf32>,
          %get3A_685 = arith.index_cast %scan3A_668 : i32 to index
          %get3A_686 = arith.constant 32 : index
          %get3A_687 = tpu.vector_load %arg11[%get3A_685, %get3A_686] {strides = array<i32>} : memref<25x128xf32, #tpu.memory_space<vmem>>, vector<16xf32>,
          %mul3A_688 = arith.mulf %get3A_687, %get3A_399 : vector<16xf32>
          %add3A_689 = arith.addf %mul3A_688, %get3A_426 : vector<16xf32>
          %swap3A_690 = arith.index_cast %scan3A_668 : i32 to index
          %swap3A_691 = arith.constant 32 : index
          %swap3A_692 = tpu.vector_load %arg15[%swap3A_690, %swap3A_691] {strides = array<i32>} : memref<25x128xf32, #tpu.memory_space<vmem>>, vector<16xf32>,
          tpu.vector_store %arg15[%swap3A_690, %swap3A_691], %add3A_689 {strides = array<i32>} : memref<25x128xf32, #tpu.memory_space<vmem>>, vector<16xf32>,
          %get3A_693 = arith.index_cast %scan3A_668 : i32 to index
          %get3A_694 = arith.constant 48 : index
          %get3A_695 = tpu.vector_load %arg11[%get3A_693, %get3A_694] {strides = array<i32>} : memref<25x128xf32, #tpu.memory_space<vmem>>, vector<16xf32>,
          %mul3A_696 = arith.mulf %get3A_695, %get3A_399 : vector<16xf32>
          %add3A_697 = arith.addf %mul3A_696, %get3A_426 : vector<16xf32>
          %swap3A_698 = arith.index_cast %scan3A_668 : i32 to index
          %swap3A_699 = arith.constant 48 : index
          %swap3A_700 = tpu.vector_load %arg15[%swap3A_698, %swap3A_699] {strides = array<i32>} : memref<25x128xf32, #tpu.memory_space<vmem>>, vector<16xf32>,
          tpu.vector_store %arg15[%swap3A_698, %swap3A_699], %add3A_697 {strides = array<i32>} : memref<25x128xf32, #tpu.memory_space<vmem>>, vector<16xf32>,
          %get3A_701 = arith.index_cast %scan3A_668 : i32 to index
          %get3A_702 = arith.constant 64 : index
          %get3A_703 = tpu.vector_load %arg11[%get3A_701, %get3A_702] {strides = array<i32>} : memref<25x128xf32, #tpu.memory_space<vmem>>, vector<16xf32>,
          %mul3A_704 = arith.mulf %get3A_703, %get3A_399 : vector<16xf32>
          %add3A_705 = arith.addf %mul3A_704, %get3A_426 : vector<16xf32>
          %swap3A_706 = arith.index_cast %scan3A_668 : i32 to index
          %swap3A_707 = arith.constant 64 : index
          %swap3A_708 = tpu.vector_load %arg15[%swap3A_706, %swap3A_707] {strides = array<i32>} : memref<25x128xf32, #tpu.memory_space<vmem>>, vector<16xf32>,
          tpu.vector_store %arg15[%swap3A_706, %swap3A_707], %add3A_705 {strides = array<i32>} : memref<25x128xf32, #tpu.memory_space<vmem>>, vector<16xf32>,
          %get3A_709 = arith.index_cast %scan3A_668 : i32 to index
          %get3A_710 = arith.constant 80 : index
          %get3A_711 = tpu.vector_load %arg11[%get3A_709, %get3A_710] {strides = array<i32>} : memref<25x128xf32, #tpu.memory_space<vmem>>, vector<16xf32>,
          %mul3A_712 = arith.mulf %get3A_711, %get3A_399 : vector<16xf32>
          %add3A_713 = arith.addf %mul3A_712, %get3A_426 : vector<16xf32>
          %swap3A_714 = arith.index_cast %scan3A_668 : i32 to index
          %swap3A_715 = arith.constant 80 : index
          %swap3A_716 = tpu.vector_load %arg15[%swap3A_714, %swap3A_715] {strides = array<i32>} : memref<25x128xf32, #tpu.memory_space<vmem>>, vector<16xf32>,
          tpu.vector_store %arg15[%swap3A_714, %swap3A_715], %add3A_713 {strides = array<i32>} : memref<25x128xf32, #tpu.memory_space<vmem>>, vector<16xf32>,
          %get3A_717 = arith.index_cast %scan3A_668 : i32 to index
          %get3A_718 = arith.constant 96 : index
          %get3A_719 = tpu.vector_load %arg11[%get3A_717, %get3A_718] {strides = array<i32>} : memref<25x128xf32, #tpu.memory_space<vmem>>, vector<16xf32>,
          %mul3A_720 = arith.mulf %get3A_719, %get3A_399 : vector<16xf32>
          %add3A_721 = arith.addf %mul3A_720, %get3A_426 : vector<16xf32>
          %swap3A_722 = arith.index_cast %scan3A_668 : i32 to index
          %swap3A_723 = arith.constant 96 : index
          %swap3A_724 = tpu.vector_load %arg15[%swap3A_722, %swap3A_723] {strides = array<i32>} : memref<25x128xf32, #tpu.memory_space<vmem>>, vector<16xf32>,
          tpu.vector_store %arg15[%swap3A_722, %swap3A_723], %add3A_721 {strides = array<i32>} : memref<25x128xf32, #tpu.memory_space<vmem>>, vector<16xf32>,
          %get3A_725 = arith.index_cast %scan3A_668 : i32 to index
          %get3A_726 = arith.constant 112 : index
          %get3A_727 = tpu.vector_load %arg11[%get3A_725, %get3A_726] {strides = array<i32>} : memref<25x128xf32, #tpu.memory_space<vmem>>, vector<16xf32>,
          %mul3A_728 = arith.mulf %get3A_727, %get3A_399 : vector<16xf32>
          %add3A_729 = arith.addf %mul3A_728, %get3A_426 : vector<16xf32>
          %swap3A_730 = arith.index_cast %scan3A_668 : i32 to index
          %swap3A_731 = arith.constant 112 : index
          %swap3A_732 = tpu.vector_load %arg15[%swap3A_730, %swap3A_731] {strides = array<i32>} : memref<25x128xf32, #tpu.memory_space<vmem>>, vector<16xf32>,
          tpu.vector_store %arg15[%swap3A_730, %swap3A_731], %add3A_729 {strides = array<i32>} : memref<25x128xf32, #tpu.memory_space<vmem>>, vector<16xf32>,
        }
        %scan3A_432 = arith.constant 25 : i32
        %jit3A_433 = arith.constant 16 : i32
        %div3A_434 = arith.divsi %mul3A_322, %jit3A_433 : i32
        %sign3A_435 = arith.constant 0 : i32
        %sign3A_436 = arith.cmpi sgt, %mul3A_322, %sign3A_435 : i32
        %sign3A_437 = arith.extui %sign3A_436 : i1 to i32
        %sign3A_438 = arith.constant 0 : i32
        %sign3A_439 = arith.cmpi slt, %mul3A_322, %sign3A_438 : i32
        %sign3A_440 = arith.extui %sign3A_439 : i1 to i32
        %sign3A_441 = arith.subi %sign3A_437, %sign3A_440 : i32
        %sign3A_442 = arith.constant 0 : i32
        %sign3A_443 = arith.cmpi sgt, %jit3A_433, %sign3A_442 : i32
        %sign3A_444 = arith.extui %sign3A_443 : i1 to i32
        %sign3A_445 = arith.constant 0 : i32
        %sign3A_446 = arith.cmpi slt, %jit3A_433, %sign3A_445 : i32
        %sign3A_447 = arith.extui %sign3A_446 : i1 to i32
        %sign3A_448 = arith.subi %sign3A_444, %sign3A_447 : i32
        %ne3A_449 = arith.cmpi ne, %sign3A_441, %sign3A_448 : i32
        %rem3A_450 = arith.remsi %mul3A_322, %jit3A_433 : i32
        %ne3A_451 = arith.constant 0 : i32
        %ne3A_452 = arith.cmpi ne, %rem3A_450, %ne3A_451 : i32
        %and3A_453 = arith.andi %ne3A_449, %ne3A_452 : i1
        %sub3A_454 = arith.constant 1 : i32
        %sub3A_455 = arith.subi %div3A_434, %sub3A_454 : i32
        %select_n3A_456 = arith.select %and3A_453, %sub3A_455, %div3A_434 : i32
        %add3A_457 = arith.constant 26 : i32
        %add3A_458 = arith.addi %add3A_457, %select_n3A_456 : i32
        %jit3A_459 = arith.constant 16 : i32
        %eq3A_460 = arith.constant 0 : i32
        %eq3A_461 = arith.cmpi eq, %jit3A_459, %eq3A_460 : i32
        %jit3A_462 = arith.constant 1 : i32
        %select_n3A_463 = arith.select %eq3A_461, %jit3A_462, %jit3A_459 : i32
        %rem3A_464 = arith.remsi %mul3A_322, %select_n3A_463 : i32
        %ne3A_465 = arith.constant 0 : i32
        %ne3A_466 = arith.cmpi ne, %rem3A_464, %ne3A_465 : i32
        %lt3A_467 = arith.constant 0 : i32
        %lt3A_468 = arith.cmpi slt, %rem3A_464, %lt3A_467 : i32
        %lt3A_469 = arith.constant 0 : i32
        %lt3A_470 = arith.cmpi slt, %select_n3A_463, %lt3A_469 : i32
        %ne3A_471 = arith.xori %lt3A_468, %lt3A_470 : i1
        %and3A_472 = arith.andi %ne3A_471, %ne3A_466 : i1
        %add3A_473 = arith.addi %rem3A_464, %select_n3A_463 : i32
        %select_n3A_474 = arith.select %and3A_472, %add3A_473, %rem3A_464 : i32
        %mul3A_475 = arith.constant 25 : i32
        %mul3A_476 = arith.muli %select_n3A_474, %mul3A_475 : i32
        %dma_start3A_477 = arith.constant 0 : i32
        %dma_start3A_478 = tpu.memref_slice %arg7[%add3A_458, %select_n3A, %mul3A_476, %select_n3A_30, %dma_start3A_477] : memref<39x4x400x8x128xf32, #tpu.memory_space<hbm>> -> memref<1x1x25x1x128xf32, #tpu.memory_space<hbm>>
        %dma_start3A_479 = tpu.memref_squeeze %dma_start3A_478 : memref<1x1x25x1x128xf32, #tpu.memory_space<hbm>> -> memref<25x128xf32, #tpu.memory_space<hbm>>
        %dma_start3A_480 = arith.constant 0 : i32
        %dma_start3A_481 = tpu.memref_slice %arg7[%add3A_458, %select_n3A, %mul3A_476, %select_n3A_30, %dma_start3A_480] : memref<39x4x400x8x128xf32, #tpu.memory_space<hbm>> -> memref<1x1x25x1x128xf32, #tpu.memory_space<hbm>>
        %dma_start3A_482 = tpu.memref_squeeze %dma_start3A_481 : memref<1x1x25x1x128xf32, #tpu.memory_space<hbm>> -> memref<25x128xf32, #tpu.memory_space<hbm>>
        tpu.enqueue_dma source(%arg15 : memref<25x128xf32, #tpu.memory_space<vmem>>) target(%dma_start3A_482 : memref<25x128xf32, #tpu.memory_space<hbm>>) target_semaphore(%arg29 : memref<!tpu.dma_semaphore, #tpu.memory_space<semaphore_mem>>)
        %add3A_483 = arith.constant 2 : i32
        %add3A_484 = arith.addi %mul3A_322, %add3A_483 : i32
        %lt3A_485 = arith.constant 208 : i32
        %lt3A_486 = arith.cmpi slt, %add3A_484, %lt3A_485 : i32
        %convert_element_type3A_487 = arith.extui %lt3A_486 : i1 to i32
        %cond3A_488 = arith.constant 0 : i32
        %cond3A_489 = arith.cmpi ne, %convert_element_type3A_487, %cond3A_488 : i32
        scf.if %cond3A_489 {
          %add3A_668 = arith.constant 2 : i32
          %add3A_669 = arith.addi %mul3A_322, %add3A_668 : i32
          %jit3A_670 = arith.constant 16 : i32
          %div3A_671 = arith.divsi %add3A_669, %jit3A_670 : i32
          %sign3A_672 = arith.constant 0 : i32
          %sign3A_673 = arith.cmpi sgt, %add3A_669, %sign3A_672 : i32
          %sign3A_674 = arith.extui %sign3A_673 : i1 to i32
          %sign3A_675 = arith.constant 0 : i32
          %sign3A_676 = arith.cmpi slt, %add3A_669, %sign3A_675 : i32
          %sign3A_677 = arith.extui %sign3A_676 : i1 to i32
          %sign3A_678 = arith.subi %sign3A_674, %sign3A_677 : i32
          %sign3A_679 = arith.constant 0 : i32
          %sign3A_680 = arith.cmpi sgt, %jit3A_670, %sign3A_679 : i32
          %sign3A_681 = arith.extui %sign3A_680 : i1 to i32
          %sign3A_682 = arith.constant 0 : i32
          %sign3A_683 = arith.cmpi slt, %jit3A_670, %sign3A_682 : i32
          %sign3A_684 = arith.extui %sign3A_683 : i1 to i32
          %sign3A_685 = arith.subi %sign3A_681, %sign3A_684 : i32
          %ne3A_686 = arith.cmpi ne, %sign3A_678, %sign3A_685 : i32
          %rem3A_687 = arith.remsi %add3A_669, %jit3A_670 : i32
          %ne3A_688 = arith.constant 0 : i32
          %ne3A_689 = arith.cmpi ne, %rem3A_687, %ne3A_688 : i32
          %and3A_690 = arith.andi %ne3A_686, %ne3A_689 : i1
          %sub3A_691 = arith.constant 1 : i32
          %sub3A_692 = arith.subi %div3A_671, %sub3A_691 : i32
          %select_n3A_693 = arith.select %and3A_690, %sub3A_692, %div3A_671 : i32
          %jit3A_694 = arith.constant 16 : i32
          %eq3A_695 = arith.constant 0 : i32
          %eq3A_696 = arith.cmpi eq, %jit3A_694, %eq3A_695 : i32
          %jit3A_697 = arith.constant 1 : i32
          %select_n3A_698 = arith.select %eq3A_696, %jit3A_697, %jit3A_694 : i32
          %rem3A_699 = arith.remsi %add3A_669, %select_n3A_698 : i32
          %ne3A_700 = arith.constant 0 : i32
          %ne3A_701 = arith.cmpi ne, %rem3A_699, %ne3A_700 : i32
          %lt3A_702 = arith.constant 0 : i32
          %lt3A_703 = arith.cmpi slt, %rem3A_699, %lt3A_702 : i32
          %lt3A_704 = arith.constant 0 : i32
          %lt3A_705 = arith.cmpi slt, %select_n3A_698, %lt3A_704 : i32
          %ne3A_706 = arith.xori %lt3A_703, %lt3A_705 : i1
          %and3A_707 = arith.andi %ne3A_706, %ne3A_701 : i1
          %add3A_708 = arith.addi %rem3A_699, %select_n3A_698 : i32
          %select_n3A_709 = arith.select %and3A_707, %add3A_708, %rem3A_699 : i32
          %mul3A_710 = arith.constant 25 : i32
          %mul3A_711 = arith.muli %select_n3A_709, %mul3A_710 : i32
          %dma_start3A_712 = arith.constant 0 : i32
          %dma_start3A_713 = tpu.memref_slice %arg3[%select_n3A_693, %mul3A_711, %dma_start3A_712] : memref<13x400x128xf32, #tpu.memory_space<hbm>> -> memref<1x25x128xf32, #tpu.memory_space<hbm>>
          %dma_start3A_714 = tpu.memref_squeeze %dma_start3A_713 : memref<1x25x128xf32, #tpu.memory_space<hbm>> -> memref<25x128xf32, #tpu.memory_space<hbm>>
          %dma_start3A_715 = arith.constant 0 : i32
          %dma_start3A_716 = tpu.memref_slice %arg3[%select_n3A_693, %mul3A_711, %dma_start3A_715] : memref<13x400x128xf32, #tpu.memory_space<hbm>> -> memref<1x25x128xf32, #tpu.memory_space<hbm>>
          %dma_start3A_717 = tpu.memref_squeeze %dma_start3A_716 : memref<1x25x128xf32, #tpu.memory_space<hbm>> -> memref<25x128xf32, #tpu.memory_space<hbm>>
          tpu.enqueue_dma source(%dma_start3A_717 : memref<25x128xf32, #tpu.memory_space<hbm>>) target(%arg11 : memref<25x128xf32, #tpu.memory_space<vmem>>) target_semaphore(%arg25 : memref<!tpu.dma_semaphore, #tpu.memory_space<semaphore_mem>>)
        } else {
        }
        %add3A_490 = arith.constant 1 : i32
        %add3A_491 = arith.addi %mul3A_322, %add3A_490 : i32
        %jit3A_492 = arith.constant 16 : i32
        %div3A_493 = arith.divsi %add3A_491, %jit3A_492 : i32
        %sign3A_494 = arith.constant 0 : i32
        %sign3A_495 = arith.cmpi sgt, %add3A_491, %sign3A_494 : i32
        %sign3A_496 = arith.extui %sign3A_495 : i1 to i32
        %sign3A_497 = arith.constant 0 : i32
        %sign3A_498 = arith.cmpi slt, %add3A_491, %sign3A_497 : i32
        %sign3A_499 = arith.extui %sign3A_498 : i1 to i32
        %sign3A_500 = arith.subi %sign3A_496, %sign3A_499 : i32
        %sign3A_501 = arith.constant 0 : i32
        %sign3A_502 = arith.cmpi sgt, %jit3A_492, %sign3A_501 : i32
        %sign3A_503 = arith.extui %sign3A_502 : i1 to i32
        %sign3A_504 = arith.constant 0 : i32
        %sign3A_505 = arith.cmpi slt, %jit3A_492, %sign3A_504 : i32
        %sign3A_506 = arith.extui %sign3A_505 : i1 to i32
        %sign3A_507 = arith.subi %sign3A_503, %sign3A_506 : i32
        %ne3A_508 = arith.cmpi ne, %sign3A_500, %sign3A_507 : i32
        %rem3A_509 = arith.remsi %add3A_491, %jit3A_492 : i32
        %ne3A_510 = arith.constant 0 : i32
        %ne3A_511 = arith.cmpi ne, %rem3A_509, %ne3A_510 : i32
        %and3A_512 = arith.andi %ne3A_508, %ne3A_511 : i1
        %sub3A_513 = arith.constant 1 : i32
        %sub3A_514 = arith.subi %div3A_493, %sub3A_513 : i32
        %select_n3A_515 = arith.select %and3A_512, %sub3A_514, %div3A_493 : i32
        %jit3A_516 = arith.constant 16 : i32
        %eq3A_517 = arith.constant 0 : i32
        %eq3A_518 = arith.cmpi eq, %jit3A_516, %eq3A_517 : i32
        %jit3A_519 = arith.constant 1 : i32
        %select_n3A_520 = arith.select %eq3A_518, %jit3A_519, %jit3A_516 : i32
        %rem3A_521 = arith.remsi %add3A_491, %select_n3A_520 : i32
        %ne3A_522 = arith.constant 0 : i32
        %ne3A_523 = arith.cmpi ne, %rem3A_521, %ne3A_522 : i32
        %lt3A_524 = arith.constant 0 : i32
        %lt3A_525 = arith.cmpi slt, %rem3A_521, %lt3A_524 : i32
        %lt3A_526 = arith.constant 0 : i32
        %lt3A_527 = arith.cmpi slt, %select_n3A_520, %lt3A_526 : i32
        %ne3A_528 = arith.xori %lt3A_525, %lt3A_527 : i1
        %and3A_529 = arith.andi %ne3A_528, %ne3A_523 : i1
        %add3A_530 = arith.addi %rem3A_521, %select_n3A_520 : i32
        %select_n3A_531 = arith.select %and3A_529, %add3A_530, %rem3A_521 : i32
        %mul3A_532 = arith.constant 25 : i32
        %mul3A_533 = arith.muli %select_n3A_531, %mul3A_532 : i32
        %dma_wait3A_534 = arith.constant 0 : i32
        %dma_wait3A_535 = tpu.memref_slice %arg3[%select_n3A_515, %mul3A_533, %dma_wait3A_534] : memref<13x400x128xf32, #tpu.memory_space<hbm>> -> memref<1x25x128xf32, #tpu.memory_space<hbm>>
        %dma_wait3A_536 = tpu.memref_squeeze %dma_wait3A_535 : memref<1x25x128xf32, #tpu.memory_space<hbm>> -> memref<25x128xf32, #tpu.memory_space<hbm>>
        %dma_wait3A_537 = arith.constant 0 : i32
        %dma_wait3A_538 = tpu.memref_slice %arg3[%select_n3A_515, %mul3A_533, %dma_wait3A_537] : memref<13x400x128xf32, #tpu.memory_space<hbm>> -> memref<1x25x128xf32, #tpu.memory_space<hbm>>
        %dma_wait3A_539 = tpu.memref_squeeze %dma_wait3A_538 : memref<1x25x128xf32, #tpu.memory_space<hbm>> -> memref<25x128xf32, #tpu.memory_space<hbm>>
        tpu.wait_dma2 semaphore(%arg26 : memref<!tpu.dma_semaphore, #tpu.memory_space<semaphore_mem>>) src(%dma_wait3A_539 : memref<25x128xf32, #tpu.memory_space<hbm>>) dst(%arg12 : memref<25x128xf32, #tpu.memory_space<vmem>>)
        %gt3A_540 = arith.constant 0 : i32
        %gt3A_541 = arith.cmpi sgt, %while3A_320, %gt3A_540 : i32
        %convert_element_type3A_542 = arith.extui %gt3A_541 : i1 to i32
        %cond3A_543 = arith.constant 0 : i32
        %cond3A_544 = arith.cmpi ne, %convert_element_type3A_542, %cond3A_543 : i32
        scf.if %cond3A_544 {
          %dma_wait3A_668 = arith.constant 26 : i32
          %dma_wait3A_669 = arith.constant 0 : i32
          %dma_wait3A_670 = arith.constant 0 : i32
          %dma_wait3A_671 = tpu.memref_slice %arg7[%dma_wait3A_668, %select_n3A, %dma_wait3A_669, %select_n3A_30, %dma_wait3A_670] : memref<39x4x400x8x128xf32, #tpu.memory_space<hbm>> -> memref<1x1x25x1x128xf32, #tpu.memory_space<hbm>>
          %dma_wait3A_672 = tpu.memref_squeeze %dma_wait3A_671 : memref<1x1x25x1x128xf32, #tpu.memory_space<hbm>> -> memref<25x128xf32, #tpu.memory_space<hbm>>
          %dma_wait3A_673 = arith.constant 0 : i32
          %dma_wait3A_674 = arith.constant 0 : i32
          %dma_wait3A_675 = tpu.memref_slice %arg7[%dma_wait3A_668, %select_n3A, %dma_wait3A_673, %select_n3A_30, %dma_wait3A_674] : memref<39x4x400x8x128xf32, #tpu.memory_space<hbm>> -> memref<1x1x25x1x128xf32, #tpu.memory_space<hbm>>
          %dma_wait3A_676 = tpu.memref_squeeze %dma_wait3A_675 : memref<1x1x25x1x128xf32, #tpu.memory_space<hbm>> -> memref<25x128xf32, #tpu.memory_space<hbm>>
          tpu.wait_dma2 semaphore(%arg30 : memref<!tpu.dma_semaphore, #tpu.memory_space<semaphore_mem>>) src(%arg16 : memref<25x128xf32, #tpu.memory_space<vmem>>) dst(%dma_wait3A_676 : memref<25x128xf32, #tpu.memory_space<hbm>>)
        } else {
        }
        %add3A_545 = arith.constant 1 : i32
        %add3A_546 = arith.addi %mul3A_322, %add3A_545 : i32
        %jit3A_547 = arith.constant 16 : i32
        %div3A_548 = arith.divsi %add3A_546, %jit3A_547 : i32
        %sign3A_549 = arith.constant 0 : i32
        %sign3A_550 = arith.cmpi sgt, %add3A_546, %sign3A_549 : i32
        %sign3A_551 = arith.extui %sign3A_550 : i1 to i32
        %sign3A_552 = arith.constant 0 : i32
        %sign3A_553 = arith.cmpi slt, %add3A_546, %sign3A_552 : i32
        %sign3A_554 = arith.extui %sign3A_553 : i1 to i32
        %sign3A_555 = arith.subi %sign3A_551, %sign3A_554 : i32
        %sign3A_556 = arith.constant 0 : i32
        %sign3A_557 = arith.cmpi sgt, %jit3A_547, %sign3A_556 : i32
        %sign3A_558 = arith.extui %sign3A_557 : i1 to i32
        %sign3A_559 = arith.constant 0 : i32
        %sign3A_560 = arith.cmpi slt, %jit3A_547, %sign3A_559 : i32
        %sign3A_561 = arith.extui %sign3A_560 : i1 to i32
        %sign3A_562 = arith.subi %sign3A_558, %sign3A_561 : i32
        %ne3A_563 = arith.cmpi ne, %sign3A_555, %sign3A_562 : i32
        %rem3A_564 = arith.remsi %add3A_546, %jit3A_547 : i32
        %ne3A_565 = arith.constant 0 : i32
        %ne3A_566 = arith.cmpi ne, %rem3A_564, %ne3A_565 : i32
        %and3A_567 = arith.andi %ne3A_563, %ne3A_566 : i1
        %sub3A_568 = arith.constant 1 : i32
        %sub3A_569 = arith.subi %div3A_548, %sub3A_568 : i32
        %select_n3A_570 = arith.select %and3A_567, %sub3A_569, %div3A_548 : i32
        %get3A_571 = arith.index_cast %select_n3A_570 : i32 to index
        %get3A_572 = arith.constant 0 : index
        %get3A_573 = tpu.vector_load %arg17[%get3A_571, %get3A_572] {strides = array<i32>} : memref<16x16xf32, #tpu.memory_space<vmem>>, vector<16xf32>,
        %jit3A_574 = arith.constant 16 : i32
        %div3A_575 = arith.divsi %add3A_546, %jit3A_574 : i32
        %sign3A_576 = arith.constant 0 : i32
        %sign3A_577 = arith.cmpi sgt, %add3A_546, %sign3A_576 : i32
        %sign3A_578 = arith.extui %sign3A_577 : i1 to i32
        %sign3A_579 = arith.constant 0 : i32
        %sign3A_580 = arith.cmpi slt, %add3A_546, %sign3A_579 : i32
        %sign3A_581 = arith.extui %sign3A_580 : i1 to i32
        %sign3A_582 = arith.subi %sign3A_578, %sign3A_581 : i32
        %sign3A_583 = arith.constant 0 : i32
        %sign3A_584 = arith.cmpi sgt, %jit3A_574, %sign3A_583 : i32
        %sign3A_585 = arith.extui %sign3A_584 : i1 to i32
        %sign3A_586 = arith.constant 0 : i32
        %sign3A_587 = arith.cmpi slt, %jit3A_574, %sign3A_586 : i32
        %sign3A_588 = arith.extui %sign3A_587 : i1 to i32
        %sign3A_589 = arith.subi %sign3A_585, %sign3A_588 : i32
        %ne3A_590 = arith.cmpi ne, %sign3A_582, %sign3A_589 : i32
        %rem3A_591 = arith.remsi %add3A_546, %jit3A_574 : i32
        %ne3A_592 = arith.constant 0 : i32
        %ne3A_593 = arith.cmpi ne, %rem3A_591, %ne3A_592 : i32
        %and3A_594 = arith.andi %ne3A_590, %ne3A_593 : i1
        %sub3A_595 = arith.constant 1 : i32
        %sub3A_596 = arith.subi %div3A_575, %sub3A_595 : i32
        %select_n3A_597 = arith.select %and3A_594, %sub3A_596, %div3A_575 : i32
        %get3A_598 = arith.index_cast %select_n3A_597 : i32 to index
        %get3A_599 = arith.constant 0 : index
        %get3A_600 = tpu.vector_load %arg18[%get3A_598, %get3A_599] {strides = array<i32>} : memref<16x16xf32, #tpu.memory_space<vmem>>, vector<16xf32>,
        %scan3A_601 = arith.constant 0 : i32
        %scan3A_602 = arith.constant 0 : i32
        %scan3A_603 = arith.constant 25 : i32
        %scan3A_604 = arith.addi %scan3A_602, %scan3A_603 : i32
        %scan3A_605 = arith.constant 1 : i32
        scf.for %scan3A_668 = %scan3A_602 to %scan3A_604 step %scan3A_605  : i32 {
          %get3A_669 = arith.index_cast %scan3A_668 : i32 to index
          %get3A_670 = arith.constant 0 : index
          %get3A_671 = tpu.vector_load %arg12[%get3A_669, %get3A_670] {strides = array<i32>} : memref<25x128xf32, #tpu.memory_space<vmem>>, vector<16xf32>,
          %mul3A_672 = arith.mulf %get3A_671, %get3A_573 : vector<16xf32>
          %add3A_673 = arith.addf %mul3A_672, %get3A_600 : vector<16xf32>
          %swap3A_674 = arith.index_cast %scan3A_668 : i32 to index
          %swap3A_675 = arith.constant 0 : index
          %swap3A_676 = tpu.vector_load %arg16[%swap3A_674, %swap3A_675] {strides = array<i32>} : memref<25x128xf32, #tpu.memory_space<vmem>>, vector<16xf32>,
          tpu.vector_store %arg16[%swap3A_674, %swap3A_675], %add3A_673 {strides = array<i32>} : memref<25x128xf32, #tpu.memory_space<vmem>>, vector<16xf32>,
          %get3A_677 = arith.index_cast %scan3A_668 : i32 to index
          %get3A_678 = arith.constant 16 : index
          %get3A_679 = tpu.vector_load %arg12[%get3A_677, %get3A_678] {strides = array<i32>} : memref<25x128xf32, #tpu.memory_space<vmem>>, vector<16xf32>,
          %mul3A_680 = arith.mulf %get3A_679, %get3A_573 : vector<16xf32>
          %add3A_681 = arith.addf %mul3A_680, %get3A_600 : vector<16xf32>
          %swap3A_682 = arith.index_cast %scan3A_668 : i32 to index
          %swap3A_683 = arith.constant 16 : index
          %swap3A_684 = tpu.vector_load %arg16[%swap3A_682, %swap3A_683] {strides = array<i32>} : memref<25x128xf32, #tpu.memory_space<vmem>>, vector<16xf32>,
          tpu.vector_store %arg16[%swap3A_682, %swap3A_683], %add3A_681 {strides = array<i32>} : memref<25x128xf32, #tpu.memory_space<vmem>>, vector<16xf32>,
          %get3A_685 = arith.index_cast %scan3A_668 : i32 to index
          %get3A_686 = arith.constant 32 : index
          %get3A_687 = tpu.vector_load %arg12[%get3A_685, %get3A_686] {strides = array<i32>} : memref<25x128xf32, #tpu.memory_space<vmem>>, vector<16xf32>,
          %mul3A_688 = arith.mulf %get3A_687, %get3A_573 : vector<16xf32>
          %add3A_689 = arith.addf %mul3A_688, %get3A_600 : vector<16xf32>
          %swap3A_690 = arith.index_cast %scan3A_668 : i32 to index
          %swap3A_691 = arith.constant 32 : index
          %swap3A_692 = tpu.vector_load %arg16[%swap3A_690, %swap3A_691] {strides = array<i32>} : memref<25x128xf32, #tpu.memory_space<vmem>>, vector<16xf32>,
          tpu.vector_store %arg16[%swap3A_690, %swap3A_691], %add3A_689 {strides = array<i32>} : memref<25x128xf32, #tpu.memory_space<vmem>>, vector<16xf32>,
          %get3A_693 = arith.index_cast %scan3A_668 : i32 to index
          %get3A_694 = arith.constant 48 : index
          %get3A_695 = tpu.vector_load %arg12[%get3A_693, %get3A_694] {strides = array<i32>} : memref<25x128xf32, #tpu.memory_space<vmem>>, vector<16xf32>,
          %mul3A_696 = arith.mulf %get3A_695, %get3A_573 : vector<16xf32>
          %add3A_697 = arith.addf %mul3A_696, %get3A_600 : vector<16xf32>
          %swap3A_698 = arith.index_cast %scan3A_668 : i32 to index
          %swap3A_699 = arith.constant 48 : index
          %swap3A_700 = tpu.vector_load %arg16[%swap3A_698, %swap3A_699] {strides = array<i32>} : memref<25x128xf32, #tpu.memory_space<vmem>>, vector<16xf32>,
          tpu.vector_store %arg16[%swap3A_698, %swap3A_699], %add3A_697 {strides = array<i32>} : memref<25x128xf32, #tpu.memory_space<vmem>>, vector<16xf32>,
          %get3A_701 = arith.index_cast %scan3A_668 : i32 to index
          %get3A_702 = arith.constant 64 : index
          %get3A_703 = tpu.vector_load %arg12[%get3A_701, %get3A_702] {strides = array<i32>} : memref<25x128xf32, #tpu.memory_space<vmem>>, vector<16xf32>,
          %mul3A_704 = arith.mulf %get3A_703, %get3A_573 : vector<16xf32>
          %add3A_705 = arith.addf %mul3A_704, %get3A_600 : vector<16xf32>
          %swap3A_706 = arith.index_cast %scan3A_668 : i32 to index
          %swap3A_707 = arith.constant 64 : index
          %swap3A_708 = tpu.vector_load %arg16[%swap3A_706, %swap3A_707] {strides = array<i32>} : memref<25x128xf32, #tpu.memory_space<vmem>>, vector<16xf32>,
          tpu.vector_store %arg16[%swap3A_706, %swap3A_707], %add3A_705 {strides = array<i32>} : memref<25x128xf32, #tpu.memory_space<vmem>>, vector<16xf32>,
          %get3A_709 = arith.index_cast %scan3A_668 : i32 to index
          %get3A_710 = arith.constant 80 : index
          %get3A_711 = tpu.vector_load %arg12[%get3A_709, %get3A_710] {strides = array<i32>} : memref<25x128xf32, #tpu.memory_space<vmem>>, vector<16xf32>,
          %mul3A_712 = arith.mulf %get3A_711, %get3A_573 : vector<16xf32>
          %add3A_713 = arith.addf %mul3A_712, %get3A_600 : vector<16xf32>
          %swap3A_714 = arith.index_cast %scan3A_668 : i32 to index
          %swap3A_715 = arith.constant 80 : index
          %swap3A_716 = tpu.vector_load %arg16[%swap3A_714, %swap3A_715] {strides = array<i32>} : memref<25x128xf32, #tpu.memory_space<vmem>>, vector<16xf32>,
          tpu.vector_store %arg16[%swap3A_714, %swap3A_715], %add3A_713 {strides = array<i32>} : memref<25x128xf32, #tpu.memory_space<vmem>>, vector<16xf32>,
          %get3A_717 = arith.index_cast %scan3A_668 : i32 to index
          %get3A_718 = arith.constant 96 : index
          %get3A_719 = tpu.vector_load %arg12[%get3A_717, %get3A_718] {strides = array<i32>} : memref<25x128xf32, #tpu.memory_space<vmem>>, vector<16xf32>,
          %mul3A_720 = arith.mulf %get3A_719, %get3A_573 : vector<16xf32>
          %add3A_721 = arith.addf %mul3A_720, %get3A_600 : vector<16xf32>
          %swap3A_722 = arith.index_cast %scan3A_668 : i32 to index
          %swap3A_723 = arith.constant 96 : index
          %swap3A_724 = tpu.vector_load %arg16[%swap3A_722, %swap3A_723] {strides = array<i32>} : memref<25x128xf32, #tpu.memory_space<vmem>>, vector<16xf32>,
          tpu.vector_store %arg16[%swap3A_722, %swap3A_723], %add3A_721 {strides = array<i32>} : memref<25x128xf32, #tpu.memory_space<vmem>>, vector<16xf32>,
          %get3A_725 = arith.index_cast %scan3A_668 : i32 to index
          %get3A_726 = arith.constant 112 : index
          %get3A_727 = tpu.vector_load %arg12[%get3A_725, %get3A_726] {strides = array<i32>} : memref<25x128xf32, #tpu.memory_space<vmem>>, vector<16xf32>,
          %mul3A_728 = arith.mulf %get3A_727, %get3A_573 : vector<16xf32>
          %add3A_729 = arith.addf %mul3A_728, %get3A_600 : vector<16xf32>
          %swap3A_730 = arith.index_cast %scan3A_668 : i32 to index
          %swap3A_731 = arith.constant 112 : index
          %swap3A_732 = tpu.vector_load %arg16[%swap3A_730, %swap3A_731] {strides = array<i32>} : memref<25x128xf32, #tpu.memory_space<vmem>>, vector<16xf32>,
          tpu.vector_store %arg16[%swap3A_730, %swap3A_731], %add3A_729 {strides = array<i32>} : memref<25x128xf32, #tpu.memory_space<vmem>>, vector<16xf32>,
        }
        %scan3A_606 = arith.constant 25 : i32
        %add3A_607 = arith.constant 1 : i32
        %add3A_608 = arith.addi %mul3A_322, %add3A_607 : i32
        %jit3A_609 = arith.constant 16 : i32
        %div3A_610 = arith.divsi %add3A_608, %jit3A_609 : i32
        %sign3A_611 = arith.constant 0 : i32
        %sign3A_612 = arith.cmpi sgt, %add3A_608, %sign3A_611 : i32
        %sign3A_613 = arith.extui %sign3A_612 : i1 to i32
        %sign3A_614 = arith.constant 0 : i32
        %sign3A_615 = arith.cmpi slt, %add3A_608, %sign3A_614 : i32
        %sign3A_616 = arith.extui %sign3A_615 : i1 to i32
        %sign3A_617 = arith.subi %sign3A_613, %sign3A_616 : i32
        %sign3A_618 = arith.constant 0 : i32
        %sign3A_619 = arith.cmpi sgt, %jit3A_609, %sign3A_618 : i32
        %sign3A_620 = arith.extui %sign3A_619 : i1 to i32
        %sign3A_621 = arith.constant 0 : i32
        %sign3A_622 = arith.cmpi slt, %jit3A_609, %sign3A_621 : i32
        %sign3A_623 = arith.extui %sign3A_622 : i1 to i32
        %sign3A_624 = arith.subi %sign3A_620, %sign3A_623 : i32
        %ne3A_625 = arith.cmpi ne, %sign3A_617, %sign3A_624 : i32
        %rem3A_626 = arith.remsi %add3A_608, %jit3A_609 : i32
        %ne3A_627 = arith.constant 0 : i32
        %ne3A_628 = arith.cmpi ne, %rem3A_626, %ne3A_627 : i32
        %and3A_629 = arith.andi %ne3A_625, %ne3A_628 : i1
        %sub3A_630 = arith.constant 1 : i32
        %sub3A_631 = arith.subi %div3A_610, %sub3A_630 : i32
        %select_n3A_632 = arith.select %and3A_629, %sub3A_631, %div3A_610 : i32
        %add3A_633 = arith.constant 26 : i32
        %add3A_634 = arith.addi %add3A_633, %select_n3A_632 : i32
        %add3A_635 = arith.constant 1 : i32
        %add3A_636 = arith.addi %mul3A_322, %add3A_635 : i32
        %jit3A_637 = arith.constant 16 : i32
        %eq3A_638 = arith.constant 0 : i32
        %eq3A_639 = arith.cmpi eq, %jit3A_637, %eq3A_638 : i32
        %jit3A_640 = arith.constant 1 : i32
        %select_n3A_641 = arith.select %eq3A_639, %jit3A_640, %jit3A_637 : i32
        %rem3A_642 = arith.remsi %add3A_636, %select_n3A_641 : i32
        %ne3A_643 = arith.constant 0 : i32
        %ne3A_644 = arith.cmpi ne, %rem3A_642, %ne3A_643 : i32
        %lt3A_645 = arith.constant 0 : i32
        %lt3A_646 = arith.cmpi slt, %rem3A_642, %lt3A_645 : i32
        %lt3A_647 = arith.constant 0 : i32
        %lt3A_648 = arith.cmpi slt, %select_n3A_641, %lt3A_647 : i32
        %ne3A_649 = arith.xori %lt3A_646, %lt3A_648 : i1
        %and3A_650 = arith.andi %ne3A_649, %ne3A_644 : i1
        %add3A_651 = arith.addi %rem3A_642, %select_n3A_641 : i32
        %select_n3A_652 = arith.select %and3A_650, %add3A_651, %rem3A_642 : i32
        %mul3A_653 = arith.constant 25 : i32
        %mul3A_654 = arith.muli %select_n3A_652, %mul3A_653 : i32
        %dma_start3A_655 = arith.constant 0 : i32
        %dma_start3A_656 = tpu.memref_slice %arg7[%add3A_634, %select_n3A, %mul3A_654, %select_n3A_30, %dma_start3A_655] : memref<39x4x400x8x128xf32, #tpu.memory_space<hbm>> -> memref<1x1x25x1x128xf32, #tpu.memory_space<hbm>>
        %dma_start3A_657 = tpu.memref_squeeze %dma_start3A_656 : memref<1x1x25x1x128xf32, #tpu.memory_space<hbm>> -> memref<25x128xf32, #tpu.memory_space<hbm>>
        %dma_start3A_658 = arith.constant 0 : i32
        %dma_start3A_659 = tpu.memref_slice %arg7[%add3A_634, %select_n3A, %mul3A_654, %select_n3A_30, %dma_start3A_658] : memref<39x4x400x8x128xf32, #tpu.memory_space<hbm>> -> memref<1x1x25x1x128xf32, #tpu.memory_space<hbm>>
        %dma_start3A_660 = tpu.memref_squeeze %dma_start3A_659 : memref<1x1x25x1x128xf32, #tpu.memory_space<hbm>> -> memref<25x128xf32, #tpu.memory_space<hbm>>
        tpu.enqueue_dma source(%arg16 : memref<25x128xf32, #tpu.memory_space<vmem>>) target(%dma_start3A_660 : memref<25x128xf32, #tpu.memory_space<hbm>>) target_semaphore(%arg30 : memref<!tpu.dma_semaphore, #tpu.memory_space<semaphore_mem>>)
        %add3A_661 = arith.constant 3 : i32
        %add3A_662 = arith.addi %mul3A_322, %add3A_661 : i32
        %lt3A_663 = arith.constant 208 : i32
        %lt3A_664 = arith.cmpi slt, %add3A_662, %lt3A_663 : i32
        %convert_element_type3A_665 = arith.extui %lt3A_664 : i1 to i32
        %cond3A_666 = arith.constant 0 : i32
        %cond3A_667 = arith.cmpi ne, %convert_element_type3A_665, %cond3A_666 : i32
        scf.if %cond3A_667 {
          %add3A_668 = arith.constant 3 : i32
          %add3A_669 = arith.addi %mul3A_322, %add3A_668 : i32
          %jit3A_670 = arith.constant 16 : i32
          %div3A_671 = arith.divsi %add3A_669, %jit3A_670 : i32
          %sign3A_672 = arith.constant 0 : i32
          %sign3A_673 = arith.cmpi sgt, %add3A_669, %sign3A_672 : i32
          %sign3A_674 = arith.extui %sign3A_673 : i1 to i32
          %sign3A_675 = arith.constant 0 : i32
          %sign3A_676 = arith.cmpi slt, %add3A_669, %sign3A_675 : i32
          %sign3A_677 = arith.extui %sign3A_676 : i1 to i32
          %sign3A_678 = arith.subi %sign3A_674, %sign3A_677 : i32
          %sign3A_679 = arith.constant 0 : i32
          %sign3A_680 = arith.cmpi sgt, %jit3A_670, %sign3A_679 : i32
          %sign3A_681 = arith.extui %sign3A_680 : i1 to i32
          %sign3A_682 = arith.constant 0 : i32
          %sign3A_683 = arith.cmpi slt, %jit3A_670, %sign3A_682 : i32
          %sign3A_684 = arith.extui %sign3A_683 : i1 to i32
          %sign3A_685 = arith.subi %sign3A_681, %sign3A_684 : i32
          %ne3A_686 = arith.cmpi ne, %sign3A_678, %sign3A_685 : i32
          %rem3A_687 = arith.remsi %add3A_669, %jit3A_670 : i32
          %ne3A_688 = arith.constant 0 : i32
          %ne3A_689 = arith.cmpi ne, %rem3A_687, %ne3A_688 : i32
          %and3A_690 = arith.andi %ne3A_686, %ne3A_689 : i1
          %sub3A_691 = arith.constant 1 : i32
          %sub3A_692 = arith.subi %div3A_671, %sub3A_691 : i32
          %select_n3A_693 = arith.select %and3A_690, %sub3A_692, %div3A_671 : i32
          %jit3A_694 = arith.constant 16 : i32
          %eq3A_695 = arith.constant 0 : i32
          %eq3A_696 = arith.cmpi eq, %jit3A_694, %eq3A_695 : i32
          %jit3A_697 = arith.constant 1 : i32
          %select_n3A_698 = arith.select %eq3A_696, %jit3A_697, %jit3A_694 : i32
          %rem3A_699 = arith.remsi %add3A_669, %select_n3A_698 : i32
          %ne3A_700 = arith.constant 0 : i32
          %ne3A_701 = arith.cmpi ne, %rem3A_699, %ne3A_700 : i32
          %lt3A_702 = arith.constant 0 : i32
          %lt3A_703 = arith.cmpi slt, %rem3A_699, %lt3A_702 : i32
          %lt3A_704 = arith.constant 0 : i32
          %lt3A_705 = arith.cmpi slt, %select_n3A_698, %lt3A_704 : i32
          %ne3A_706 = arith.xori %lt3A_703, %lt3A_705 : i1
          %and3A_707 = arith.andi %ne3A_706, %ne3A_701 : i1
          %add3A_708 = arith.addi %rem3A_699, %select_n3A_698 : i32
          %select_n3A_709 = arith.select %and3A_707, %add3A_708, %rem3A_699 : i32
          %mul3A_710 = arith.constant 25 : i32
          %mul3A_711 = arith.muli %select_n3A_709, %mul3A_710 : i32
          %dma_start3A_712 = arith.constant 0 : i32
          %dma_start3A_713 = tpu.memref_slice %arg3[%select_n3A_693, %mul3A_711, %dma_start3A_712] : memref<13x400x128xf32, #tpu.memory_space<hbm>> -> memref<1x25x128xf32, #tpu.memory_space<hbm>>
          %dma_start3A_714 = tpu.memref_squeeze %dma_start3A_713 : memref<1x25x128xf32, #tpu.memory_space<hbm>> -> memref<25x128xf32, #tpu.memory_space<hbm>>
          %dma_start3A_715 = arith.constant 0 : i32
          %dma_start3A_716 = tpu.memref_slice %arg3[%select_n3A_693, %mul3A_711, %dma_start3A_715] : memref<13x400x128xf32, #tpu.memory_space<hbm>> -> memref<1x25x128xf32, #tpu.memory_space<hbm>>
          %dma_start3A_717 = tpu.memref_squeeze %dma_start3A_716 : memref<1x25x128xf32, #tpu.memory_space<hbm>> -> memref<25x128xf32, #tpu.memory_space<hbm>>
          tpu.enqueue_dma source(%dma_start3A_717 : memref<25x128xf32, #tpu.memory_space<hbm>>) target(%arg12 : memref<25x128xf32, #tpu.memory_space<vmem>>) target_semaphore(%arg26 : memref<!tpu.dma_semaphore, #tpu.memory_space<semaphore_mem>>)
        } else {
        }
      }
      %while3A_289 = arith.constant 1 : i32
      scf.for %while3A_320 = %while3A_287 to %while3A_283 step %while3A_289  : i32 {
        %mul3A_321 = arith.constant 2 : i32
        %mul3A_322 = arith.muli %while3A_320, %mul3A_321 : i32
        %jit3A_323 = arith.constant 16 : i32
        %div3A_324 = arith.divsi %mul3A_322, %jit3A_323 : i32
        %sign3A_325 = arith.constant 0 : i32
        %sign3A_326 = arith.cmpi sgt, %mul3A_322, %sign3A_325 : i32
        %sign3A_327 = arith.extui %sign3A_326 : i1 to i32
        %sign3A_328 = arith.constant 0 : i32
        %sign3A_329 = arith.cmpi slt, %mul3A_322, %sign3A_328 : i32
        %sign3A_330 = arith.extui %sign3A_329 : i1 to i32
        %sign3A_331 = arith.subi %sign3A_327, %sign3A_330 : i32
        %sign3A_332 = arith.constant 0 : i32
        %sign3A_333 = arith.cmpi sgt, %jit3A_323, %sign3A_332 : i32
        %sign3A_334 = arith.extui %sign3A_333 : i1 to i32
        %sign3A_335 = arith.constant 0 : i32
        %sign3A_336 = arith.cmpi slt, %jit3A_323, %sign3A_335 : i32
        %sign3A_337 = arith.extui %sign3A_336 : i1 to i32
        %sign3A_338 = arith.subi %sign3A_334, %sign3A_337 : i32
        %ne3A_339 = arith.cmpi ne, %sign3A_331, %sign3A_338 : i32
        %rem3A_340 = arith.remsi %mul3A_322, %jit3A_323 : i32
        %ne3A_341 = arith.constant 0 : i32
        %ne3A_342 = arith.cmpi ne, %rem3A_340, %ne3A_341 : i32
        %and3A_343 = arith.andi %ne3A_339, %ne3A_342 : i1
        %sub3A_344 = arith.constant 1 : i32
        %sub3A_345 = arith.subi %div3A_324, %sub3A_344 : i32
        %select_n3A_346 = arith.select %and3A_343, %sub3A_345, %div3A_324 : i32
        %jit3A_347 = arith.constant 16 : i32
        %eq3A_348 = arith.constant 0 : i32
        %eq3A_349 = arith.cmpi eq, %jit3A_347, %eq3A_348 : i32
        %jit3A_350 = arith.constant 1 : i32
        %select_n3A_351 = arith.select %eq3A_349, %jit3A_350, %jit3A_347 : i32
        %rem3A_352 = arith.remsi %mul3A_322, %select_n3A_351 : i32
        %ne3A_353 = arith.constant 0 : i32
        %ne3A_354 = arith.cmpi ne, %rem3A_352, %ne3A_353 : i32
        %lt3A_355 = arith.constant 0 : i32
        %lt3A_356 = arith.cmpi slt, %rem3A_352, %lt3A_355 : i32
        %lt3A_357 = arith.constant 0 : i32
        %lt3A_358 = arith.cmpi slt, %select_n3A_351, %lt3A_357 : i32
        %ne3A_359 = arith.xori %lt3A_356, %lt3A_358 : i1
        %and3A_360 = arith.andi %ne3A_359, %ne3A_354 : i1
        %add3A_361 = arith.addi %rem3A_352, %select_n3A_351 : i32
        %select_n3A_362 = arith.select %and3A_360, %add3A_361, %rem3A_352 : i32
        %mul3A_363 = arith.constant 25 : i32
        %mul3A_364 = arith.muli %select_n3A_362, %mul3A_363 : i32
        %dma_wait3A_365 = arith.constant 0 : i32
        %dma_wait3A_366 = tpu.memref_slice %arg3[%select_n3A_346, %mul3A_364, %dma_wait3A_365] : memref<13x400x128xf32, #tpu.memory_space<hbm>> -> memref<1x25x128xf32, #tpu.memory_space<hbm>>
        %dma_wait3A_367 = tpu.memref_squeeze %dma_wait3A_366 : memref<1x25x128xf32, #tpu.memory_space<hbm>> -> memref<25x128xf32, #tpu.memory_space<hbm>>
        %dma_wait3A_368 = arith.constant 0 : i32
        %dma_wait3A_369 = tpu.memref_slice %arg3[%select_n3A_346, %mul3A_364, %dma_wait3A_368] : memref<13x400x128xf32, #tpu.memory_space<hbm>> -> memref<1x25x128xf32, #tpu.memory_space<hbm>>
        %dma_wait3A_370 = tpu.memref_squeeze %dma_wait3A_369 : memref<1x25x128xf32, #tpu.memory_space<hbm>> -> memref<25x128xf32, #tpu.memory_space<hbm>>
        tpu.wait_dma2 semaphore(%arg25 : memref<!tpu.dma_semaphore, #tpu.memory_space<semaphore_mem>>) src(%dma_wait3A_370 : memref<25x128xf32, #tpu.memory_space<hbm>>) dst(%arg11 : memref<25x128xf32, #tpu.memory_space<vmem>>)
        %gt3A = arith.constant 0 : i32
        %gt3A_371 = arith.cmpi sgt, %while3A_320, %gt3A : i32
        %convert_element_type3A = arith.extui %gt3A_371 : i1 to i32
        %cond3A = arith.constant 0 : i32
        %cond3A_372 = arith.cmpi ne, %convert_element_type3A, %cond3A : i32
        scf.if %cond3A_372 {
          %dma_wait3A_668 = arith.constant 26 : i32
          %dma_wait3A_669 = arith.constant 0 : i32
          %dma_wait3A_670 = arith.constant 0 : i32
          %dma_wait3A_671 = tpu.memref_slice %arg7[%dma_wait3A_668, %select_n3A, %dma_wait3A_669, %select_n3A_30, %dma_wait3A_670] : memref<39x4x400x8x128xf32, #tpu.memory_space<hbm>> -> memref<1x1x25x1x128xf32, #tpu.memory_space<hbm>>
          %dma_wait3A_672 = tpu.memref_squeeze %dma_wait3A_671 : memref<1x1x25x1x128xf32, #tpu.memory_space<hbm>> -> memref<25x128xf32, #tpu.memory_space<hbm>>
          %dma_wait3A_673 = arith.constant 0 : i32
          %dma_wait3A_674 = arith.constant 0 : i32
          %dma_wait3A_675 = tpu.memref_slice %arg7[%dma_wait3A_668, %select_n3A, %dma_wait3A_673, %select_n3A_30, %dma_wait3A_674] : memref<39x4x400x8x128xf32, #tpu.memory_space<hbm>> -> memref<1x1x25x1x128xf32, #tpu.memory_space<hbm>>
          %dma_wait3A_676 = tpu.memref_squeeze %dma_wait3A_675 : memref<1x1x25x1x128xf32, #tpu.memory_space<hbm>> -> memref<25x128xf32, #tpu.memory_space<hbm>>
          tpu.wait_dma2 semaphore(%arg29 : memref<!tpu.dma_semaphore, #tpu.memory_space<semaphore_mem>>) src(%arg15 : memref<25x128xf32, #tpu.memory_space<vmem>>) dst(%dma_wait3A_676 : memref<25x128xf32, #tpu.memory_space<hbm>>)
        } else {
        }
        %jit3A_373 = arith.constant 16 : i32
        %div3A_374 = arith.divsi %mul3A_322, %jit3A_373 : i32
        %sign3A_375 = arith.constant 0 : i32
        %sign3A_376 = arith.cmpi sgt, %mul3A_322, %sign3A_375 : i32
        %sign3A_377 = arith.extui %sign3A_376 : i1 to i32
        %sign3A_378 = arith.constant 0 : i32
        %sign3A_379 = arith.cmpi slt, %mul3A_322, %sign3A_378 : i32
        %sign3A_380 = arith.extui %sign3A_379 : i1 to i32
        %sign3A_381 = arith.subi %sign3A_377, %sign3A_380 : i32
        %sign3A_382 = arith.constant 0 : i32
        %sign3A_383 = arith.cmpi sgt, %jit3A_373, %sign3A_382 : i32
        %sign3A_384 = arith.extui %sign3A_383 : i1 to i32
        %sign3A_385 = arith.constant 0 : i32
        %sign3A_386 = arith.cmpi slt, %jit3A_373, %sign3A_385 : i32
        %sign3A_387 = arith.extui %sign3A_386 : i1 to i32
        %sign3A_388 = arith.subi %sign3A_384, %sign3A_387 : i32
        %ne3A_389 = arith.cmpi ne, %sign3A_381, %sign3A_388 : i32
        %rem3A_390 = arith.remsi %mul3A_322, %jit3A_373 : i32
        %ne3A_391 = arith.constant 0 : i32
        %ne3A_392 = arith.cmpi ne, %rem3A_390, %ne3A_391 : i32
        %and3A_393 = arith.andi %ne3A_389, %ne3A_392 : i1
        %sub3A_394 = arith.constant 1 : i32
        %sub3A_395 = arith.subi %div3A_374, %sub3A_394 : i32
        %select_n3A_396 = arith.select %and3A_393, %sub3A_395, %div3A_374 : i32
        %get3A_397 = arith.index_cast %select_n3A_396 : i32 to index
        %get3A_398 = arith.constant 0 : index
        %get3A_399 = tpu.vector_load %arg17[%get3A_397, %get3A_398] {strides = array<i32>} : memref<16x16xf32, #tpu.memory_space<vmem>>, vector<16xf32>,
        %jit3A_400 = arith.constant 16 : i32
        %div3A_401 = arith.divsi %mul3A_322, %jit3A_400 : i32
        %sign3A_402 = arith.constant 0 : i32
        %sign3A_403 = arith.cmpi sgt, %mul3A_322, %sign3A_402 : i32
        %sign3A_404 = arith.extui %sign3A_403 : i1 to i32
        %sign3A_405 = arith.constant 0 : i32
        %sign3A_406 = arith.cmpi slt, %mul3A_322, %sign3A_405 : i32
        %sign3A_407 = arith.extui %sign3A_406 : i1 to i32
        %sign3A_408 = arith.subi %sign3A_404, %sign3A_407 : i32
        %sign3A_409 = arith.constant 0 : i32
        %sign3A_410 = arith.cmpi sgt, %jit3A_400, %sign3A_409 : i32
        %sign3A_411 = arith.extui %sign3A_410 : i1 to i32
        %sign3A_412 = arith.constant 0 : i32
        %sign3A_413 = arith.cmpi slt, %jit3A_400, %sign3A_412 : i32
        %sign3A_414 = arith.extui %sign3A_413 : i1 to i32
        %sign3A_415 = arith.subi %sign3A_411, %sign3A_414 : i32
        %ne3A_416 = arith.cmpi ne, %sign3A_408, %sign3A_415 : i32
        %rem3A_417 = arith.remsi %mul3A_322, %jit3A_400 : i32
        %ne3A_418 = arith.constant 0 : i32
        %ne3A_419 = arith.cmpi ne, %rem3A_417, %ne3A_418 : i32
        %and3A_420 = arith.andi %ne3A_416, %ne3A_419 : i1
        %sub3A_421 = arith.constant 1 : i32
        %sub3A_422 = arith.subi %div3A_401, %sub3A_421 : i32
        %select_n3A_423 = arith.select %and3A_420, %sub3A_422, %div3A_401 : i32
        %get3A_424 = arith.index_cast %select_n3A_423 : i32 to index
        %get3A_425 = arith.constant 0 : index
        %get3A_426 = tpu.vector_load %arg18[%get3A_424, %get3A_425] {strides = array<i32>} : memref<16x16xf32, #tpu.memory_space<vmem>>, vector<16xf32>,
        %scan3A_427 = arith.constant 0 : i32
        %scan3A_428 = arith.constant 0 : i32
        %scan3A_429 = arith.constant 25 : i32
        %scan3A_430 = arith.addi %scan3A_428, %scan3A_429 : i32
        %scan3A_431 = arith.constant 1 : i32
        scf.for %scan3A_668 = %scan3A_428 to %scan3A_430 step %scan3A_431  : i32 {
          %get3A_669 = arith.index_cast %scan3A_668 : i32 to index
          %get3A_670 = arith.constant 0 : index
          %get3A_671 = tpu.vector_load %arg11[%get3A_669, %get3A_670] {strides = array<i32>} : memref<25x128xf32, #tpu.memory_space<vmem>>, vector<16xf32>,
          %mul3A_672 = arith.mulf %get3A_671, %get3A_399 : vector<16xf32>
          %add3A_673 = arith.addf %mul3A_672, %get3A_426 : vector<16xf32>
          %swap3A_674 = arith.index_cast %scan3A_668 : i32 to index
          %swap3A_675 = arith.constant 0 : index
          %swap3A_676 = tpu.vector_load %arg15[%swap3A_674, %swap3A_675] {strides = array<i32>} : memref<25x128xf32, #tpu.memory_space<vmem>>, vector<16xf32>,
          tpu.vector_store %arg15[%swap3A_674, %swap3A_675], %add3A_673 {strides = array<i32>} : memref<25x128xf32, #tpu.memory_space<vmem>>, vector<16xf32>,
          %get3A_677 = arith.index_cast %scan3A_668 : i32 to index
          %get3A_678 = arith.constant 16 : index
          %get3A_679 = tpu.vector_load %arg11[%get3A_677, %get3A_678] {strides = array<i32>} : memref<25x128xf32, #tpu.memory_space<vmem>>, vector<16xf32>,
          %mul3A_680 = arith.mulf %get3A_679, %get3A_399 : vector<16xf32>
          %add3A_681 = arith.addf %mul3A_680, %get3A_426 : vector<16xf32>
          %swap3A_682 = arith.index_cast %scan3A_668 : i32 to index
          %swap3A_683 = arith.constant 16 : index
          %swap3A_684 = tpu.vector_load %arg15[%swap3A_682, %swap3A_683] {strides = array<i32>} : memref<25x128xf32, #tpu.memory_space<vmem>>, vector<16xf32>,
          tpu.vector_store %arg15[%swap3A_682, %swap3A_683], %add3A_681 {strides = array<i32>} : memref<25x128xf32, #tpu.memory_space<vmem>>, vector<16xf32>,
          %get3A_685 = arith.index_cast %scan3A_668 : i32 to index
          %get3A_686 = arith.constant 32 : index
          %get3A_687 = tpu.vector_load %arg11[%get3A_685, %get3A_686] {strides = array<i32>} : memref<25x128xf32, #tpu.memory_space<vmem>>, vector<16xf32>,
          %mul3A_688 = arith.mulf %get3A_687, %get3A_399 : vector<16xf32>
          %add3A_689 = arith.addf %mul3A_688, %get3A_426 : vector<16xf32>
          %swap3A_690 = arith.index_cast %scan3A_668 : i32 to index
          %swap3A_691 = arith.constant 32 : index
          %swap3A_692 = tpu.vector_load %arg15[%swap3A_690, %swap3A_691] {strides = array<i32>} : memref<25x128xf32, #tpu.memory_space<vmem>>, vector<16xf32>,
          tpu.vector_store %arg15[%swap3A_690, %swap3A_691], %add3A_689 {strides = array<i32>} : memref<25x128xf32, #tpu.memory_space<vmem>>, vector<16xf32>,
          %get3A_693 = arith.index_cast %scan3A_668 : i32 to index
          %get3A_694 = arith.constant 48 : index
          %get3A_695 = tpu.vector_load %arg11[%get3A_693, %get3A_694] {strides = array<i32>} : memref<25x128xf32, #tpu.memory_space<vmem>>, vector<16xf32>,
          %mul3A_696 = arith.mulf %get3A_695, %get3A_399 : vector<16xf32>
          %add3A_697 = arith.addf %mul3A_696, %get3A_426 : vector<16xf32>
          %swap3A_698 = arith.index_cast %scan3A_668 : i32 to index
          %swap3A_699 = arith.constant 48 : index
          %swap3A_700 = tpu.vector_load %arg15[%swap3A_698, %swap3A_699] {strides = array<i32>} : memref<25x128xf32, #tpu.memory_space<vmem>>, vector<16xf32>,
          tpu.vector_store %arg15[%swap3A_698, %swap3A_699], %add3A_697 {strides = array<i32>} : memref<25x128xf32, #tpu.memory_space<vmem>>, vector<16xf32>,
          %get3A_701 = arith.index_cast %scan3A_668 : i32 to index
          %get3A_702 = arith.constant 64 : index
          %get3A_703 = tpu.vector_load %arg11[%get3A_701, %get3A_702] {strides = array<i32>} : memref<25x128xf32, #tpu.memory_space<vmem>>, vector<16xf32>,
          %mul3A_704 = arith.mulf %get3A_703, %get3A_399 : vector<16xf32>
          %add3A_705 = arith.addf %mul3A_704, %get3A_426 : vector<16xf32>
          %swap3A_706 = arith.index_cast %scan3A_668 : i32 to index
          %swap3A_707 = arith.constant 64 : index
          %swap3A_708 = tpu.vector_load %arg15[%swap3A_706, %swap3A_707] {strides = array<i32>} : memref<25x128xf32, #tpu.memory_space<vmem>>, vector<16xf32>,
          tpu.vector_store %arg15[%swap3A_706, %swap3A_707], %add3A_705 {strides = array<i32>} : memref<25x128xf32, #tpu.memory_space<vmem>>, vector<16xf32>,
          %get3A_709 = arith.index_cast %scan3A_668 : i32 to index
          %get3A_710 = arith.constant 80 : index
          %get3A_711 = tpu.vector_load %arg11[%get3A_709, %get3A_710] {strides = array<i32>} : memref<25x128xf32, #tpu.memory_space<vmem>>, vector<16xf32>,
          %mul3A_712 = arith.mulf %get3A_711, %get3A_399 : vector<16xf32>
          %add3A_713 = arith.addf %mul3A_712, %get3A_426 : vector<16xf32>
          %swap3A_714 = arith.index_cast %scan3A_668 : i32 to index
          %swap3A_715 = arith.constant 80 : index
          %swap3A_716 = tpu.vector_load %arg15[%swap3A_714, %swap3A_715] {strides = array<i32>} : memref<25x128xf32, #tpu.memory_space<vmem>>, vector<16xf32>,
          tpu.vector_store %arg15[%swap3A_714, %swap3A_715], %add3A_713 {strides = array<i32>} : memref<25x128xf32, #tpu.memory_space<vmem>>, vector<16xf32>,
          %get3A_717 = arith.index_cast %scan3A_668 : i32 to index
          %get3A_718 = arith.constant 96 : index
          %get3A_719 = tpu.vector_load %arg11[%get3A_717, %get3A_718] {strides = array<i32>} : memref<25x128xf32, #tpu.memory_space<vmem>>, vector<16xf32>,
          %mul3A_720 = arith.mulf %get3A_719, %get3A_399 : vector<16xf32>
          %add3A_721 = arith.addf %mul3A_720, %get3A_426 : vector<16xf32>
          %swap3A_722 = arith.index_cast %scan3A_668 : i32 to index
          %swap3A_723 = arith.constant 96 : index
          %swap3A_724 = tpu.vector_load %arg15[%swap3A_722, %swap3A_723] {strides = array<i32>} : memref<25x128xf32, #tpu.memory_space<vmem>>, vector<16xf32>,
          tpu.vector_store %arg15[%swap3A_722, %swap3A_723], %add3A_721 {strides = array<i32>} : memref<25x128xf32, #tpu.memory_space<vmem>>, vector<16xf32>,
          %get3A_725 = arith.index_cast %scan3A_668 : i32 to index
          %get3A_726 = arith.constant 112 : index
          %get3A_727 = tpu.vector_load %arg11[%get3A_725, %get3A_726] {strides = array<i32>} : memref<25x128xf32, #tpu.memory_space<vmem>>, vector<16xf32>,
          %mul3A_728 = arith.mulf %get3A_727, %get3A_399 : vector<16xf32>
          %add3A_729 = arith.addf %mul3A_728, %get3A_426 : vector<16xf32>
          %swap3A_730 = arith.index_cast %scan3A_668 : i32 to index
          %swap3A_731 = arith.constant 112 : index
          %swap3A_732 = tpu.vector_load %arg15[%swap3A_730, %swap3A_731] {strides = array<i32>} : memref<25x128xf32, #tpu.memory_space<vmem>>, vector<16xf32>,
          tpu.vector_store %arg15[%swap3A_730, %swap3A_731], %add3A_729 {strides = array<i32>} : memref<25x128xf32, #tpu.memory_space<vmem>>, vector<16xf32>,
        }
        %scan3A_432 = arith.constant 25 : i32
        %jit3A_433 = arith.constant 16 : i32
        %div3A_434 = arith.divsi %mul3A_322, %jit3A_433 : i32
        %sign3A_435 = arith.constant 0 : i32
        %sign3A_436 = arith.cmpi sgt, %mul3A_322, %sign3A_435 : i32
        %sign3A_437 = arith.extui %sign3A_436 : i1 to i32
        %sign3A_438 = arith.constant 0 : i32
        %sign3A_439 = arith.cmpi slt, %mul3A_322, %sign3A_438 : i32
        %sign3A_440 = arith.extui %sign3A_439 : i1 to i32
        %sign3A_441 = arith.subi %sign3A_437, %sign3A_440 : i32
        %sign3A_442 = arith.constant 0 : i32
        %sign3A_443 = arith.cmpi sgt, %jit3A_433, %sign3A_442 : i32
        %sign3A_444 = arith.extui %sign3A_443 : i1 to i32
        %sign3A_445 = arith.constant 0 : i32
        %sign3A_446 = arith.cmpi slt, %jit3A_433, %sign3A_445 : i32
        %sign3A_447 = arith.extui %sign3A_446 : i1 to i32
        %sign3A_448 = arith.subi %sign3A_444, %sign3A_447 : i32
        %ne3A_449 = arith.cmpi ne, %sign3A_441, %sign3A_448 : i32
        %rem3A_450 = arith.remsi %mul3A_322, %jit3A_433 : i32
        %ne3A_451 = arith.constant 0 : i32
        %ne3A_452 = arith.cmpi ne, %rem3A_450, %ne3A_451 : i32
        %and3A_453 = arith.andi %ne3A_449, %ne3A_452 : i1
        %sub3A_454 = arith.constant 1 : i32
        %sub3A_455 = arith.subi %div3A_434, %sub3A_454 : i32
        %select_n3A_456 = arith.select %and3A_453, %sub3A_455, %div3A_434 : i32
        %add3A_457 = arith.constant 26 : i32
        %add3A_458 = arith.addi %add3A_457, %select_n3A_456 : i32
        %jit3A_459 = arith.constant 16 : i32
        %eq3A_460 = arith.constant 0 : i32
        %eq3A_461 = arith.cmpi eq, %jit3A_459, %eq3A_460 : i32
        %jit3A_462 = arith.constant 1 : i32
        %select_n3A_463 = arith.select %eq3A_461, %jit3A_462, %jit3A_459 : i32
        %rem3A_464 = arith.remsi %mul3A_322, %select_n3A_463 : i32
        %ne3A_465 = arith.constant 0 : i32
        %ne3A_466 = arith.cmpi ne, %rem3A_464, %ne3A_465 : i32
        %lt3A_467 = arith.constant 0 : i32
        %lt3A_468 = arith.cmpi slt, %rem3A_464, %lt3A_467 : i32
        %lt3A_469 = arith.constant 0 : i32
        %lt3A_470 = arith.cmpi slt, %select_n3A_463, %lt3A_469 : i32
        %ne3A_471 = arith.xori %lt3A_468, %lt3A_470 : i1
        %and3A_472 = arith.andi %ne3A_471, %ne3A_466 : i1
        %add3A_473 = arith.addi %rem3A_464, %select_n3A_463 : i32
        %select_n3A_474 = arith.select %and3A_472, %add3A_473, %rem3A_464 : i32
        %mul3A_475 = arith.constant 25 : i32
        %mul3A_476 = arith.muli %select_n3A_474, %mul3A_475 : i32
        %dma_start3A_477 = arith.constant 0 : i32
        %dma_start3A_478 = tpu.memref_slice %arg7[%add3A_458, %select_n3A, %mul3A_476, %select_n3A_30, %dma_start3A_477] : memref<39x4x400x8x128xf32, #tpu.memory_space<hbm>> -> memref<1x1x25x1x128xf32, #tpu.memory_space<hbm>>
        %dma_start3A_479 = tpu.memref_squeeze %dma_start3A_478 : memref<1x1x25x1x128xf32, #tpu.memory_space<hbm>> -> memref<25x128xf32, #tpu.memory_space<hbm>>
        %dma_start3A_480 = arith.constant 0 : i32
        %dma_start3A_481 = tpu.memref_slice %arg7[%add3A_458, %select_n3A, %mul3A_476, %select_n3A_30, %dma_start3A_480] : memref<39x4x400x8x128xf32, #tpu.memory_space<hbm>> -> memref<1x1x25x1x128xf32, #tpu.memory_space<hbm>>
        %dma_start3A_482 = tpu.memref_squeeze %dma_start3A_481 : memref<1x1x25x1x128xf32, #tpu.memory_space<hbm>> -> memref<25x128xf32, #tpu.memory_space<hbm>>
        tpu.enqueue_dma source(%arg15 : memref<25x128xf32, #tpu.memory_space<vmem>>) target(%dma_start3A_482 : memref<25x128xf32, #tpu.memory_space<hbm>>) target_semaphore(%arg29 : memref<!tpu.dma_semaphore, #tpu.memory_space<semaphore_mem>>)
        %add3A_483 = arith.constant 2 : i32
        %add3A_484 = arith.addi %mul3A_322, %add3A_483 : i32
        %lt3A_485 = arith.constant 208 : i32
        %lt3A_486 = arith.cmpi slt, %add3A_484, %lt3A_485 : i32
        %convert_element_type3A_487 = arith.extui %lt3A_486 : i1 to i32
        %cond3A_488 = arith.constant 0 : i32
        %cond3A_489 = arith.cmpi ne, %convert_element_type3A_487, %cond3A_488 : i32
        scf.if %cond3A_489 {
          %add3A_668 = arith.constant 2 : i32
          %add3A_669 = arith.addi %mul3A_322, %add3A_668 : i32
          %jit3A_670 = arith.constant 16 : i32
          %div3A_671 = arith.divsi %add3A_669, %jit3A_670 : i32
          %sign3A_672 = arith.constant 0 : i32
          %sign3A_673 = arith.cmpi sgt, %add3A_669, %sign3A_672 : i32
          %sign3A_674 = arith.extui %sign3A_673 : i1 to i32
          %sign3A_675 = arith.constant 0 : i32
          %sign3A_676 = arith.cmpi slt, %add3A_669, %sign3A_675 : i32
          %sign3A_677 = arith.extui %sign3A_676 : i1 to i32
          %sign3A_678 = arith.subi %sign3A_674, %sign3A_677 : i32
          %sign3A_679 = arith.constant 0 : i32
          %sign3A_680 = arith.cmpi sgt, %jit3A_670, %sign3A_679 : i32
          %sign3A_681 = arith.extui %sign3A_680 : i1 to i32
          %sign3A_682 = arith.constant 0 : i32
          %sign3A_683 = arith.cmpi slt, %jit3A_670, %sign3A_682 : i32
          %sign3A_684 = arith.extui %sign3A_683 : i1 to i32
          %sign3A_685 = arith.subi %sign3A_681, %sign3A_684 : i32
          %ne3A_686 = arith.cmpi ne, %sign3A_678, %sign3A_685 : i32
          %rem3A_687 = arith.remsi %add3A_669, %jit3A_670 : i32
          %ne3A_688 = arith.constant 0 : i32
          %ne3A_689 = arith.cmpi ne, %rem3A_687, %ne3A_688 : i32
          %and3A_690 = arith.andi %ne3A_686, %ne3A_689 : i1
          %sub3A_691 = arith.constant 1 : i32
          %sub3A_692 = arith.subi %div3A_671, %sub3A_691 : i32
          %select_n3A_693 = arith.select %and3A_690, %sub3A_692, %div3A_671 : i32
          %jit3A_694 = arith.constant 16 : i32
          %eq3A_695 = arith.constant 0 : i32
          %eq3A_696 = arith.cmpi eq, %jit3A_694, %eq3A_695 : i32
          %jit3A_697 = arith.constant 1 : i32
          %select_n3A_698 = arith.select %eq3A_696, %jit3A_697, %jit3A_694 : i32
          %rem3A_699 = arith.remsi %add3A_669, %select_n3A_698 : i32
          %ne3A_700 = arith.constant 0 : i32
          %ne3A_701 = arith.cmpi ne, %rem3A_699, %ne3A_700 : i32
          %lt3A_702 = arith.constant 0 : i32
          %lt3A_703 = arith.cmpi slt, %rem3A_699, %lt3A_702 : i32
          %lt3A_704 = arith.constant 0 : i32
          %lt3A_705 = arith.cmpi slt, %select_n3A_698, %lt3A_704 : i32
          %ne3A_706 = arith.xori %lt3A_703, %lt3A_705 : i1
          %and3A_707 = arith.andi %ne3A_706, %ne3A_701 : i1
          %add3A_708 = arith.addi %rem3A_699, %select_n3A_698 : i32
          %select_n3A_709 = arith.select %and3A_707, %add3A_708, %rem3A_699 : i32
          %mul3A_710 = arith.constant 25 : i32
          %mul3A_711 = arith.muli %select_n3A_709, %mul3A_710 : i32
          %dma_start3A_712 = arith.constant 0 : i32
          %dma_start3A_713 = tpu.memref_slice %arg3[%select_n3A_693, %mul3A_711, %dma_start3A_712] : memref<13x400x128xf32, #tpu.memory_space<hbm>> -> memref<1x25x128xf32, #tpu.memory_space<hbm>>
          %dma_start3A_714 = tpu.memref_squeeze %dma_start3A_713 : memref<1x25x128xf32, #tpu.memory_space<hbm>> -> memref<25x128xf32, #tpu.memory_space<hbm>>
          %dma_start3A_715 = arith.constant 0 : i32
          %dma_start3A_716 = tpu.memref_slice %arg3[%select_n3A_693, %mul3A_711, %dma_start3A_715] : memref<13x400x128xf32, #tpu.memory_space<hbm>> -> memref<1x25x128xf32, #tpu.memory_space<hbm>>
          %dma_start3A_717 = tpu.memref_squeeze %dma_start3A_716 : memref<1x25x128xf32, #tpu.memory_space<hbm>> -> memref<25x128xf32, #tpu.memory_space<hbm>>
          tpu.enqueue_dma source(%dma_start3A_717 : memref<25x128xf32, #tpu.memory_space<hbm>>) target(%arg11 : memref<25x128xf32, #tpu.memory_space<vmem>>) target_semaphore(%arg25 : memref<!tpu.dma_semaphore, #tpu.memory_space<semaphore_mem>>)
        } else {
        }
        %add3A_490 = arith.constant 1 : i32
        %add3A_491 = arith.addi %mul3A_322, %add3A_490 : i32
        %jit3A_492 = arith.constant 16 : i32
        %div3A_493 = arith.divsi %add3A_491, %jit3A_492 : i32
        %sign3A_494 = arith.constant 0 : i32
        %sign3A_495 = arith.cmpi sgt, %add3A_491, %sign3A_494 : i32
        %sign3A_496 = arith.extui %sign3A_495 : i1 to i32
        %sign3A_497 = arith.constant 0 : i32
        %sign3A_498 = arith.cmpi slt, %add3A_491, %sign3A_497 : i32
        %sign3A_499 = arith.extui %sign3A_498 : i1 to i32
        %sign3A_500 = arith.subi %sign3A_496, %sign3A_499 : i32
        %sign3A_501 = arith.constant 0 : i32
        %sign3A_502 = arith.cmpi sgt, %jit3A_492, %sign3A_501 : i32
        %sign3A_503 = arith.extui %sign3A_502 : i1 to i32
        %sign3A_504 = arith.constant 0 : i32
        %sign3A_505 = arith.cmpi slt, %jit3A_492, %sign3A_504 : i32
        %sign3A_506 = arith.extui %sign3A_505 : i1 to i32
        %sign3A_507 = arith.subi %sign3A_503, %sign3A_506 : i32
        %ne3A_508 = arith.cmpi ne, %sign3A_500, %sign3A_507 : i32
        %rem3A_509 = arith.remsi %add3A_491, %jit3A_492 : i32
        %ne3A_510 = arith.constant 0 : i32
        %ne3A_511 = arith.cmpi ne, %rem3A_509, %ne3A_510 : i32
        %and3A_512 = arith.andi %ne3A_508, %ne3A_511 : i1
        %sub3A_513 = arith.constant 1 : i32
        %sub3A_514 = arith.subi %div3A_493, %sub3A_513 : i32
        %select_n3A_515 = arith.select %and3A_512, %sub3A_514, %div3A_493 : i32
        %jit3A_516 = arith.constant 16 : i32
        %eq3A_517 = arith.constant 0 : i32
        %eq3A_518 = arith.cmpi eq, %jit3A_516, %eq3A_517 : i32
        %jit3A_519 = arith.constant 1 : i32
        %select_n3A_520 = arith.select %eq3A_518, %jit3A_519, %jit3A_516 : i32
        %rem3A_521 = arith.remsi %add3A_491, %select_n3A_520 : i32
        %ne3A_522 = arith.constant 0 : i32
        %ne3A_523 = arith.cmpi ne, %rem3A_521, %ne3A_522 : i32
        %lt3A_524 = arith.constant 0 : i32
        %lt3A_525 = arith.cmpi slt, %rem3A_521, %lt3A_524 : i32
        %lt3A_526 = arith.constant 0 : i32
        %lt3A_527 = arith.cmpi slt, %select_n3A_520, %lt3A_526 : i32
        %ne3A_528 = arith.xori %lt3A_525, %lt3A_527 : i1
        %and3A_529 = arith.andi %ne3A_528, %ne3A_523 : i1
        %add3A_530 = arith.addi %rem3A_521, %select_n3A_520 : i32
        %select_n3A_531 = arith.select %and3A_529, %add3A_530, %rem3A_521 : i32
        %mul3A_532 = arith.constant 25 : i32
        %mul3A_533 = arith.muli %select_n3A_531, %mul3A_532 : i32
        %dma_wait3A_534 = arith.constant 0 : i32
        %dma_wait3A_535 = tpu.memref_slice %arg3[%select_n3A_515, %mul3A_533, %dma_wait3A_534] : memref<13x400x128xf32, #tpu.memory_space<hbm>> -> memref<1x25x128xf32, #tpu.memory_space<hbm>>
        %dma_wait3A_536 = tpu.memref_squeeze %dma_wait3A_535 : memref<1x25x128xf32, #tpu.memory_space<hbm>> -> memref<25x128xf32, #tpu.memory_space<hbm>>
        %dma_wait3A_537 = arith.constant 0 : i32
        %dma_wait3A_538 = tpu.memref_slice %arg3[%select_n3A_515, %mul3A_533, %dma_wait3A_537] : memref<13x400x128xf32, #tpu.memory_space<hbm>> -> memref<1x25x128xf32, #tpu.memory_space<hbm>>
        %dma_wait3A_539 = tpu.memref_squeeze %dma_wait3A_538 : memref<1x25x128xf32, #tpu.memory_space<hbm>> -> memref<25x128xf32, #tpu.memory_space<hbm>>
        tpu.wait_dma2 semaphore(%arg26 : memref<!tpu.dma_semaphore, #tpu.memory_space<semaphore_mem>>) src(%dma_wait3A_539 : memref<25x128xf32, #tpu.memory_space<hbm>>) dst(%arg12 : memref<25x128xf32, #tpu.memory_space<vmem>>)
        %gt3A_540 = arith.constant 0 : i32
        %gt3A_541 = arith.cmpi sgt, %while3A_320, %gt3A_540 : i32
        %convert_element_type3A_542 = arith.extui %gt3A_541 : i1 to i32
        %cond3A_543 = arith.constant 0 : i32
        %cond3A_544 = arith.cmpi ne, %convert_element_type3A_542, %cond3A_543 : i32
        scf.if %cond3A_544 {
          %dma_wait3A_668 = arith.constant 26 : i32
          %dma_wait3A_669 = arith.constant 0 : i32
          %dma_wait3A_670 = arith.constant 0 : i32
          %dma_wait3A_671 = tpu.memref_slice %arg7[%dma_wait3A_668, %select_n3A, %dma_wait3A_669, %select_n3A_30, %dma_wait3A_670] : memref<39x4x400x8x128xf32, #tpu.memory_space<hbm>> -> memref<1x1x25x1x128xf32, #tpu.memory_space<hbm>>
          %dma_wait3A_672 = tpu.memref_squeeze %dma_wait3A_671 : memref<1x1x25x1x128xf32, #tpu.memory_space<hbm>> -> memref<25x128xf32, #tpu.memory_space<hbm>>
          %dma_wait3A_673 = arith.constant 0 : i32
          %dma_wait3A_674 = arith.constant 0 : i32
          %dma_wait3A_675 = tpu.memref_slice %arg7[%dma_wait3A_668, %select_n3A, %dma_wait3A_673, %select_n3A_30, %dma_wait3A_674] : memref<39x4x400x8x128xf32, #tpu.memory_space<hbm>> -> memref<1x1x25x1x128xf32, #tpu.memory_space<hbm>>
          %dma_wait3A_676 = tpu.memref_squeeze %dma_wait3A_675 : memref<1x1x25x1x128xf32, #tpu.memory_space<hbm>> -> memref<25x128xf32, #tpu.memory_space<hbm>>
          tpu.wait_dma2 semaphore(%arg30 : memref<!tpu.dma_semaphore, #tpu.memory_space<semaphore_mem>>) src(%arg16 : memref<25x128xf32, #tpu.memory_space<vmem>>) dst(%dma_wait3A_676 : memref<25x128xf32, #tpu.memory_space<hbm>>)
        } else {
        }
        %add3A_545 = arith.constant 1 : i32
        %add3A_546 = arith.addi %mul3A_322, %add3A_545 : i32
        %jit3A_547 = arith.constant 16 : i32
        %div3A_548 = arith.divsi %add3A_546, %jit3A_547 : i32
        %sign3A_549 = arith.constant 0 : i32
        %sign3A_550 = arith.cmpi sgt, %add3A_546, %sign3A_549 : i32
        %sign3A_551 = arith.extui %sign3A_550 : i1 to i32
        %sign3A_552 = arith.constant 0 : i32
        %sign3A_553 = arith.cmpi slt, %add3A_546, %sign3A_552 : i32
        %sign3A_554 = arith.extui %sign3A_553 : i1 to i32
        %sign3A_555 = arith.subi %sign3A_551, %sign3A_554 : i32
        %sign3A_556 = arith.constant 0 : i32
        %sign3A_557 = arith.cmpi sgt, %jit3A_547, %sign3A_556 : i32
        %sign3A_558 = arith.extui %sign3A_557 : i1 to i32
        %sign3A_559 = arith.constant 0 : i32
        %sign3A_560 = arith.cmpi slt, %jit3A_547, %sign3A_559 : i32
        %sign3A_561 = arith.extui %sign3A_560 : i1 to i32
        %sign3A_562 = arith.subi %sign3A_558, %sign3A_561 : i32
        %ne3A_563 = arith.cmpi ne, %sign3A_555, %sign3A_562 : i32
        %rem3A_564 = arith.remsi %add3A_546, %jit3A_547 : i32
        %ne3A_565 = arith.constant 0 : i32
        %ne3A_566 = arith.cmpi ne, %rem3A_564, %ne3A_565 : i32
        %and3A_567 = arith.andi %ne3A_563, %ne3A_566 : i1
        %sub3A_568 = arith.constant 1 : i32
        %sub3A_569 = arith.subi %div3A_548, %sub3A_568 : i32
        %select_n3A_570 = arith.select %and3A_567, %sub3A_569, %div3A_548 : i32
        %get3A_571 = arith.index_cast %select_n3A_570 : i32 to index
        %get3A_572 = arith.constant 0 : index
        %get3A_573 = tpu.vector_load %arg17[%get3A_571, %get3A_572] {strides = array<i32>} : memref<16x16xf32, #tpu.memory_space<vmem>>, vector<16xf32>,
        %jit3A_574 = arith.constant 16 : i32
        %div3A_575 = arith.divsi %add3A_546, %jit3A_574 : i32
        %sign3A_576 = arith.constant 0 : i32
        %sign3A_577 = arith.cmpi sgt, %add3A_546, %sign3A_576 : i32
        %sign3A_578 = arith.extui %sign3A_577 : i1 to i32
        %sign3A_579 = arith.constant 0 : i32
        %sign3A_580 = arith.cmpi slt, %add3A_546, %sign3A_579 : i32
        %sign3A_581 = arith.extui %sign3A_580 : i1 to i32
        %sign3A_582 = arith.subi %sign3A_578, %sign3A_581 : i32
        %sign3A_583 = arith.constant 0 : i32
        %sign3A_584 = arith.cmpi sgt, %jit3A_574, %sign3A_583 : i32
        %sign3A_585 = arith.extui %sign3A_584 : i1 to i32
        %sign3A_586 = arith.constant 0 : i32
        %sign3A_587 = arith.cmpi slt, %jit3A_574, %sign3A_586 : i32
        %sign3A_588 = arith.extui %sign3A_587 : i1 to i32
        %sign3A_589 = arith.subi %sign3A_585, %sign3A_588 : i32
        %ne3A_590 = arith.cmpi ne, %sign3A_582, %sign3A_589 : i32
        %rem3A_591 = arith.remsi %add3A_546, %jit3A_574 : i32
        %ne3A_592 = arith.constant 0 : i32
        %ne3A_593 = arith.cmpi ne, %rem3A_591, %ne3A_592 : i32
        %and3A_594 = arith.andi %ne3A_590, %ne3A_593 : i1
        %sub3A_595 = arith.constant 1 : i32
        %sub3A_596 = arith.subi %div3A_575, %sub3A_595 : i32
        %select_n3A_597 = arith.select %and3A_594, %sub3A_596, %div3A_575 : i32
        %get3A_598 = arith.index_cast %select_n3A_597 : i32 to index
        %get3A_599 = arith.constant 0 : index
        %get3A_600 = tpu.vector_load %arg18[%get3A_598, %get3A_599] {strides = array<i32>} : memref<16x16xf32, #tpu.memory_space<vmem>>, vector<16xf32>,
        %scan3A_601 = arith.constant 0 : i32
        %scan3A_602 = arith.constant 0 : i32
        %scan3A_603 = arith.constant 25 : i32
        %scan3A_604 = arith.addi %scan3A_602, %scan3A_603 : i32
        %scan3A_605 = arith.constant 1 : i32
        scf.for %scan3A_668 = %scan3A_602 to %scan3A_604 step %scan3A_605  : i32 {
          %get3A_669 = arith.index_cast %scan3A_668 : i32 to index
          %get3A_670 = arith.constant 0 : index
          %get3A_671 = tpu.vector_load %arg12[%get3A_669, %get3A_670] {strides = array<i32>} : memref<25x128xf32, #tpu.memory_space<vmem>>, vector<16xf32>,
          %mul3A_672 = arith.mulf %get3A_671, %get3A_573 : vector<16xf32>
          %add3A_673 = arith.addf %mul3A_672, %get3A_600 : vector<16xf32>
          %swap3A_674 = arith.index_cast %scan3A_668 : i32 to index
          %swap3A_675 = arith.constant 0 : index
          %swap3A_676 = tpu.vector_load %arg16[%swap3A_674, %swap3A_675] {strides = array<i32>} : memref<25x128xf32, #tpu.memory_space<vmem>>, vector<16xf32>,
          tpu.vector_store %arg16[%swap3A_674, %swap3A_675], %add3A_673 {strides = array<i32>} : memref<25x128xf32, #tpu.memory_space<vmem>>, vector<16xf32>,
          %get3A_677 = arith.index_cast %scan3A_668 : i32 to index
          %get3A_678 = arith.constant 16 : index
          %get3A_679 = tpu.vector_load %arg12[%get3A_677, %get3A_678] {strides = array<i32>} : memref<25x128xf32, #tpu.memory_space<vmem>>, vector<16xf32>,
          %mul3A_680 = arith.mulf %get3A_679, %get3A_573 : vector<16xf32>
          %add3A_681 = arith.addf %mul3A_680, %get3A_600 : vector<16xf32>
          %swap3A_682 = arith.index_cast %scan3A_668 : i32 to index
          %swap3A_683 = arith.constant 16 : index
          %swap3A_684 = tpu.vector_load %arg16[%swap3A_682, %swap3A_683] {strides = array<i32>} : memref<25x128xf32, #tpu.memory_space<vmem>>, vector<16xf32>,
          tpu.vector_store %arg16[%swap3A_682, %swap3A_683], %add3A_681 {strides = array<i32>} : memref<25x128xf32, #tpu.memory_space<vmem>>, vector<16xf32>,
          %get3A_685 = arith.index_cast %scan3A_668 : i32 to index
          %get3A_686 = arith.constant 32 : index
          %get3A_687 = tpu.vector_load %arg12[%get3A_685, %get3A_686] {strides = array<i32>} : memref<25x128xf32, #tpu.memory_space<vmem>>, vector<16xf32>,
          %mul3A_688 = arith.mulf %get3A_687, %get3A_573 : vector<16xf32>
          %add3A_689 = arith.addf %mul3A_688, %get3A_600 : vector<16xf32>
          %swap3A_690 = arith.index_cast %scan3A_668 : i32 to index
          %swap3A_691 = arith.constant 32 : index
          %swap3A_692 = tpu.vector_load %arg16[%swap3A_690, %swap3A_691] {strides = array<i32>} : memref<25x128xf32, #tpu.memory_space<vmem>>, vector<16xf32>,
          tpu.vector_store %arg16[%swap3A_690, %swap3A_691], %add3A_689 {strides = array<i32>} : memref<25x128xf32, #tpu.memory_space<vmem>>, vector<16xf32>,
          %get3A_693 = arith.index_cast %scan3A_668 : i32 to index
          %get3A_694 = arith.constant 48 : index
          %get3A_695 = tpu.vector_load %arg12[%get3A_693, %get3A_694] {strides = array<i32>} : memref<25x128xf32, #tpu.memory_space<vmem>>, vector<16xf32>,
          %mul3A_696 = arith.mulf %get3A_695, %get3A_573 : vector<16xf32>
          %add3A_697 = arith.addf %mul3A_696, %get3A_600 : vector<16xf32>
          %swap3A_698 = arith.index_cast %scan3A_668 : i32 to index
          %swap3A_699 = arith.constant 48 : index
          %swap3A_700 = tpu.vector_load %arg16[%swap3A_698, %swap3A_699] {strides = array<i32>} : memref<25x128xf32, #tpu.memory_space<vmem>>, vector<16xf32>,
          tpu.vector_store %arg16[%swap3A_698, %swap3A_699], %add3A_697 {strides = array<i32>} : memref<25x128xf32, #tpu.memory_space<vmem>>, vector<16xf32>,
          %get3A_701 = arith.index_cast %scan3A_668 : i32 to index
          %get3A_702 = arith.constant 64 : index
          %get3A_703 = tpu.vector_load %arg12[%get3A_701, %get3A_702] {strides = array<i32>} : memref<25x128xf32, #tpu.memory_space<vmem>>, vector<16xf32>,
          %mul3A_704 = arith.mulf %get3A_703, %get3A_573 : vector<16xf32>
          %add3A_705 = arith.addf %mul3A_704, %get3A_600 : vector<16xf32>
          %swap3A_706 = arith.index_cast %scan3A_668 : i32 to index
          %swap3A_707 = arith.constant 64 : index
          %swap3A_708 = tpu.vector_load %arg16[%swap3A_706, %swap3A_707] {strides = array<i32>} : memref<25x128xf32, #tpu.memory_space<vmem>>, vector<16xf32>,
          tpu.vector_store %arg16[%swap3A_706, %swap3A_707], %add3A_705 {strides = array<i32>} : memref<25x128xf32, #tpu.memory_space<vmem>>, vector<16xf32>,
          %get3A_709 = arith.index_cast %scan3A_668 : i32 to index
          %get3A_710 = arith.constant 80 : index
          %get3A_711 = tpu.vector_load %arg12[%get3A_709, %get3A_710] {strides = array<i32>} : memref<25x128xf32, #tpu.memory_space<vmem>>, vector<16xf32>,
          %mul3A_712 = arith.mulf %get3A_711, %get3A_573 : vector<16xf32>
          %add3A_713 = arith.addf %mul3A_712, %get3A_600 : vector<16xf32>
          %swap3A_714 = arith.index_cast %scan3A_668 : i32 to index
          %swap3A_715 = arith.constant 80 : index
          %swap3A_716 = tpu.vector_load %arg16[%swap3A_714, %swap3A_715] {strides = array<i32>} : memref<25x128xf32, #tpu.memory_space<vmem>>, vector<16xf32>,
          tpu.vector_store %arg16[%swap3A_714, %swap3A_715], %add3A_713 {strides = array<i32>} : memref<25x128xf32, #tpu.memory_space<vmem>>, vector<16xf32>,
          %get3A_717 = arith.index_cast %scan3A_668 : i32 to index
          %get3A_718 = arith.constant 96 : index
          %get3A_719 = tpu.vector_load %arg12[%get3A_717, %get3A_718] {strides = array<i32>} : memref<25x128xf32, #tpu.memory_space<vmem>>, vector<16xf32>,
          %mul3A_720 = arith.mulf %get3A_719, %get3A_573 : vector<16xf32>
          %add3A_721 = arith.addf %mul3A_720, %get3A_600 : vector<16xf32>
          %swap3A_722 = arith.index_cast %scan3A_668 : i32 to index
          %swap3A_723 = arith.constant 96 : index
          %swap3A_724 = tpu.vector_load %arg16[%swap3A_722, %swap3A_723] {strides = array<i32>} : memref<25x128xf32, #tpu.memory_space<vmem>>, vector<16xf32>,
          tpu.vector_store %arg16[%swap3A_722, %swap3A_723], %add3A_721 {strides = array<i32>} : memref<25x128xf32, #tpu.memory_space<vmem>>, vector<16xf32>,
          %get3A_725 = arith.index_cast %scan3A_668 : i32 to index
          %get3A_726 = arith.constant 112 : index
          %get3A_727 = tpu.vector_load %arg12[%get3A_725, %get3A_726] {strides = array<i32>} : memref<25x128xf32, #tpu.memory_space<vmem>>, vector<16xf32>,
          %mul3A_728 = arith.mulf %get3A_727, %get3A_573 : vector<16xf32>
          %add3A_729 = arith.addf %mul3A_728, %get3A_600 : vector<16xf32>
          %swap3A_730 = arith.index_cast %scan3A_668 : i32 to index
          %swap3A_731 = arith.constant 112 : index
          %swap3A_732 = tpu.vector_load %arg16[%swap3A_730, %swap3A_731] {strides = array<i32>} : memref<25x128xf32, #tpu.memory_space<vmem>>, vector<16xf32>,
          tpu.vector_store %arg16[%swap3A_730, %swap3A_731], %add3A_729 {strides = array<i32>} : memref<25x128xf32, #tpu.memory_space<vmem>>, vector<16xf32>,
        }
        %scan3A_606 = arith.constant 25 : i32
        %add3A_607 = arith.constant 1 : i32
        %add3A_608 = arith.addi %mul3A_322, %add3A_607 : i32
        %jit3A_609 = arith.constant 16 : i32
        %div3A_610 = arith.divsi %add3A_608, %jit3A_609 : i32
        %sign3A_611 = arith.constant 0 : i32
        %sign3A_612 = arith.cmpi sgt, %add3A_608, %sign3A_611 : i32
        %sign3A_613 = arith.extui %sign3A_612 : i1 to i32
        %sign3A_614 = arith.constant 0 : i32
        %sign3A_615 = arith.cmpi slt, %add3A_608, %sign3A_614 : i32
        %sign3A_616 = arith.extui %sign3A_615 : i1 to i32
        %sign3A_617 = arith.subi %sign3A_613, %sign3A_616 : i32
        %sign3A_618 = arith.constant 0 : i32
        %sign3A_619 = arith.cmpi sgt, %jit3A_609, %sign3A_618 : i32
        %sign3A_620 = arith.extui %sign3A_619 : i1 to i32
        %sign3A_621 = arith.constant 0 : i32
        %sign3A_622 = arith.cmpi slt, %jit3A_609, %sign3A_621 : i32
        %sign3A_623 = arith.extui %sign3A_622 : i1 to i32
        %sign3A_624 = arith.subi %sign3A_620, %sign3A_623 : i32
        %ne3A_625 = arith.cmpi ne, %sign3A_617, %sign3A_624 : i32
        %rem3A_626 = arith.remsi %add3A_608, %jit3A_609 : i32
        %ne3A_627 = arith.constant 0 : i32
        %ne3A_628 = arith.cmpi ne, %rem3A_626, %ne3A_627 : i32
        %and3A_629 = arith.andi %ne3A_625, %ne3A_628 : i1
        %sub3A_630 = arith.constant 1 : i32
        %sub3A_631 = arith.subi %div3A_610, %sub3A_630 : i32
        %select_n3A_632 = arith.select %and3A_629, %sub3A_631, %div3A_610 : i32
        %add3A_633 = arith.constant 26 : i32
        %add3A_634 = arith.addi %add3A_633, %select_n3A_632 : i32
        %add3A_635 = arith.constant 1 : i32
        %add3A_636 = arith.addi %mul3A_322, %add3A_635 : i32
        %jit3A_637 = arith.constant 16 : i32
        %eq3A_638 = arith.constant 0 : i32
        %eq3A_639 = arith.cmpi eq, %jit3A_637, %eq3A_638 : i32
        %jit3A_640 = arith.constant 1 : i32
        %select_n3A_641 = arith.select %eq3A_639, %jit3A_640, %jit3A_637 : i32
        %rem3A_642 = arith.remsi %add3A_636, %select_n3A_641 : i32
        %ne3A_643 = arith.constant 0 : i32
        %ne3A_644 = arith.cmpi ne, %rem3A_642, %ne3A_643 : i32
        %lt3A_645 = arith.constant 0 : i32
        %lt3A_646 = arith.cmpi slt, %rem3A_642, %lt3A_645 : i32
        %lt3A_647 = arith.constant 0 : i32
        %lt3A_648 = arith.cmpi slt, %select_n3A_641, %lt3A_647 : i32
        %ne3A_649 = arith.xori %lt3A_646, %lt3A_648 : i1
        %and3A_650 = arith.andi %ne3A_649, %ne3A_644 : i1
        %add3A_651 = arith.addi %rem3A_642, %select_n3A_641 : i32
        %select_n3A_652 = arith.select %and3A_650, %add3A_651, %rem3A_642 : i32
        %mul3A_653 = arith.constant 25 : i32
        %mul3A_654 = arith.muli %select_n3A_652, %mul3A_653 : i32
        %dma_start3A_655 = arith.constant 0 : i32
        %dma_start3A_656 = tpu.memref_slice %arg7[%add3A_634, %select_n3A, %mul3A_654, %select_n3A_30, %dma_start3A_655] : memref<39x4x400x8x128xf32, #tpu.memory_space<hbm>> -> memref<1x1x25x1x128xf32, #tpu.memory_space<hbm>>
        %dma_start3A_657 = tpu.memref_squeeze %dma_start3A_656 : memref<1x1x25x1x128xf32, #tpu.memory_space<hbm>> -> memref<25x128xf32, #tpu.memory_space<hbm>>
        %dma_start3A_658 = arith.constant 0 : i32
        %dma_start3A_659 = tpu.memref_slice %arg7[%add3A_634, %select_n3A, %mul3A_654, %select_n3A_30, %dma_start3A_658] : memref<39x4x400x8x128xf32, #tpu.memory_space<hbm>> -> memref<1x1x25x1x128xf32, #tpu.memory_space<hbm>>
        %dma_start3A_660 = tpu.memref_squeeze %dma_start3A_659 : memref<1x1x25x1x128xf32, #tpu.memory_space<hbm>> -> memref<25x128xf32, #tpu.memory_space<hbm>>
        tpu.enqueue_dma source(%arg16 : memref<25x128xf32, #tpu.memory_space<vmem>>) target(%dma_start3A_660 : memref<25x128xf32, #tpu.memory_space<hbm>>) target_semaphore(%arg30 : memref<!tpu.dma_semaphore, #tpu.memory_space<semaphore_mem>>)
        %add3A_661 = arith.constant 3 : i32
        %add3A_662 = arith.addi %mul3A_322, %add3A_661 : i32
        %lt3A_663 = arith.constant 208 : i32
        %lt3A_664 = arith.cmpi slt, %add3A_662, %lt3A_663 : i32
        %convert_element_type3A_665 = arith.extui %lt3A_664 : i1 to i32
        %cond3A_666 = arith.constant 0 : i32
        %cond3A_667 = arith.cmpi ne, %convert_element_type3A_665, %cond3A_666 : i32
        scf.if %cond3A_667 {
          %add3A_668 = arith.constant 3 : i32
          %add3A_669 = arith.addi %mul3A_322, %add3A_668 : i32
          %jit3A_670 = arith.constant 16 : i32
          %div3A_671 = arith.divsi %add3A_669, %jit3A_670 : i32
          %sign3A_672 = arith.constant 0 : i32
          %sign3A_673 = arith.cmpi sgt, %add3A_669, %sign3A_672 : i32
          %sign3A_674 = arith.extui %sign3A_673 : i1 to i32
          %sign3A_675 = arith.constant 0 : i32
          %sign3A_676 = arith.cmpi slt, %add3A_669, %sign3A_675 : i32
          %sign3A_677 = arith.extui %sign3A_676 : i1 to i32
          %sign3A_678 = arith.subi %sign3A_674, %sign3A_677 : i32
          %sign3A_679 = arith.constant 0 : i32
          %sign3A_680 = arith.cmpi sgt, %jit3A_670, %sign3A_679 : i32
          %sign3A_681 = arith.extui %sign3A_680 : i1 to i32
          %sign3A_682 = arith.constant 0 : i32
          %sign3A_683 = arith.cmpi slt, %jit3A_670, %sign3A_682 : i32
          %sign3A_684 = arith.extui %sign3A_683 : i1 to i32
          %sign3A_685 = arith.subi %sign3A_681, %sign3A_684 : i32
          %ne3A_686 = arith.cmpi ne, %sign3A_678, %sign3A_685 : i32
          %rem3A_687 = arith.remsi %add3A_669, %jit3A_670 : i32
          %ne3A_688 = arith.constant 0 : i32
          %ne3A_689 = arith.cmpi ne, %rem3A_687, %ne3A_688 : i32
          %and3A_690 = arith.andi %ne3A_686, %ne3A_689 : i1
          %sub3A_691 = arith.constant 1 : i32
          %sub3A_692 = arith.subi %div3A_671, %sub3A_691 : i32
          %select_n3A_693 = arith.select %and3A_690, %sub3A_692, %div3A_671 : i32
          %jit3A_694 = arith.constant 16 : i32
          %eq3A_695 = arith.constant 0 : i32
          %eq3A_696 = arith.cmpi eq, %jit3A_694, %eq3A_695 : i32
          %jit3A_697 = arith.constant 1 : i32
          %select_n3A_698 = arith.select %eq3A_696, %jit3A_697, %jit3A_694 : i32
          %rem3A_699 = arith.remsi %add3A_669, %select_n3A_698 : i32
          %ne3A_700 = arith.constant 0 : i32
          %ne3A_701 = arith.cmpi ne, %rem3A_699, %ne3A_700 : i32
          %lt3A_702 = arith.constant 0 : i32
          %lt3A_703 = arith.cmpi slt, %rem3A_699, %lt3A_702 : i32
          %lt3A_704 = arith.constant 0 : i32
          %lt3A_705 = arith.cmpi slt, %select_n3A_698, %lt3A_704 : i32
          %ne3A_706 = arith.xori %lt3A_703, %lt3A_705 : i1
          %and3A_707 = arith.andi %ne3A_706, %ne3A_701 : i1
          %add3A_708 = arith.addi %rem3A_699, %select_n3A_698 : i32
          %select_n3A_709 = arith.select %and3A_707, %add3A_708, %rem3A_699 : i32
          %mul3A_710 = arith.constant 25 : i32
          %mul3A_711 = arith.muli %select_n3A_709, %mul3A_710 : i32
          %dma_start3A_712 = arith.constant 0 : i32
          %dma_start3A_713 = tpu.memref_slice %arg3[%select_n3A_693, %mul3A_711, %dma_start3A_712] : memref<13x400x128xf32, #tpu.memory_space<hbm>> -> memref<1x25x128xf32, #tpu.memory_space<hbm>>
          %dma_start3A_714 = tpu.memref_squeeze %dma_start3A_713 : memref<1x25x128xf32, #tpu.memory_space<hbm>> -> memref<25x128xf32, #tpu.memory_space<hbm>>
          %dma_start3A_715 = arith.constant 0 : i32
          %dma_start3A_716 = tpu.memref_slice %arg3[%select_n3A_693, %mul3A_711, %dma_start3A_715] : memref<13x400x128xf32, #tpu.memory_space<hbm>> -> memref<1x25x128xf32, #tpu.memory_space<hbm>>
          %dma_start3A_717 = tpu.memref_squeeze %dma_start3A_716 : memref<1x25x128xf32, #tpu.memory_space<hbm>> -> memref<25x128xf32, #tpu.memory_space<hbm>>
          tpu.enqueue_dma source(%dma_start3A_717 : memref<25x128xf32, #tpu.memory_space<hbm>>) target(%arg12 : memref<25x128xf32, #tpu.memory_space<vmem>>) target_semaphore(%arg26 : memref<!tpu.dma_semaphore, #tpu.memory_space<semaphore_mem>>)
        } else {
        }
      }
      %dma_wait3A_290 = arith.constant 0 : i32
      %dma_wait3A_291 = arith.constant 0 : i32
      %dma_wait3A_292 = tpu.memref_slice %arg4[%scan3A_251, %select_n3A, %dma_wait3A_290, %select_n3A_30, %dma_wait3A_291] : memref<26x4x782x8x128xf32, #tpu.memory_space<hbm>> -> memref<1x1x782x1x128xf32, #tpu.memory_space<hbm>>
      %dma_wait3A_293 = tpu.memref_squeeze %dma_wait3A_292 : memref<1x1x782x1x128xf32, #tpu.memory_space<hbm>> -> memref<782x128xf32, #tpu.memory_space<hbm>>
      %dma_wait3A_294 = arith.constant 0 : i32
      %dma_wait3A_295 = arith.constant 0 : i32
      %dma_wait3A_296 = tpu.memref_slice %arg4[%scan3A_251, %select_n3A, %dma_wait3A_294, %select_n3A_30, %dma_wait3A_295] : memref<26x4x782x8x128xf32, #tpu.memory_space<hbm>> -> memref<1x1x782x1x128xf32, #tpu.memory_space<hbm>>
      %dma_wait3A_297 = tpu.memref_squeeze %dma_wait3A_296 : memref<1x1x782x1x128xf32, #tpu.memory_space<hbm>> -> memref<782x128xf32, #tpu.memory_space<hbm>>
      tpu.wait_dma2 semaphore(%arg21 : memref<!tpu.dma_semaphore, #tpu.memory_space<semaphore_mem>>) src(%dma_wait3A_297 : memref<782x128xf32, #tpu.memory_space<hbm>>) dst(%arg8 : memref<782x128xf32, #tpu.memory_space<vmem>>)
      %scan3A_298 = arith.constant 0 : i32
      %scan3A_299 = arith.constant 0 : i32
      %scan3A_300 = arith.constant 8 : i32
      %scan3A_301 = arith.addi %scan3A_299, %scan3A_300 : i32
      %scan3A_302 = arith.constant 1 : i32
      scf.for %scan3A_320 = %scan3A_299 to %scan3A_301 step %scan3A_302  : i32 {
        %mul3A_321 = arith.constant 2 : i32
        %mul3A_322 = arith.muli %scan3A_320, %mul3A_321 : i32
        %mul3A_323 = arith.constant 25 : i32
        %mul3A_324 = arith.muli %mul3A_322, %mul3A_323 : i32
        %dma_wait3A_325 = arith.constant 0 : i32
        %dma_wait3A_326 = tpu.memref_slice %arg2[%scan3A_251, %mul3A_324, %dma_wait3A_325] : memref<26x400x128xi32, #tpu.memory_space<hbm>> -> memref<1x25x128xi32, #tpu.memory_space<hbm>>
        %dma_wait3A_327 = tpu.memref_squeeze %dma_wait3A_326 : memref<1x25x128xi32, #tpu.memory_space<hbm>> -> memref<25x128xi32, #tpu.memory_space<hbm>>
        %dma_wait3A_328 = arith.constant 0 : i32
        %dma_wait3A_329 = tpu.memref_slice %arg2[%scan3A_251, %mul3A_324, %dma_wait3A_328] : memref<26x400x128xi32, #tpu.memory_space<hbm>> -> memref<1x25x128xi32, #tpu.memory_space<hbm>>
        %dma_wait3A_330 = tpu.memref_squeeze %dma_wait3A_329 : memref<1x25x128xi32, #tpu.memory_space<hbm>> -> memref<25x128xi32, #tpu.memory_space<hbm>>
        tpu.wait_dma2 semaphore(%arg23 : memref<!tpu.dma_semaphore, #tpu.memory_space<semaphore_mem>>) src(%dma_wait3A_330 : memref<25x128xi32, #tpu.memory_space<hbm>>) dst(%arg9 : memref<25x128xi32, #tpu.memory_space<vmem>>)
        %gt3A = arith.constant 0 : i32
        %gt3A_331 = arith.cmpi sgt, %scan3A_320, %gt3A : i32
        %convert_element_type3A = arith.extui %gt3A_331 : i1 to i32
        %cond3A = arith.constant 0 : i32
        %cond3A_332 = arith.cmpi ne, %convert_element_type3A, %cond3A : i32
        scf.if %cond3A_332 {
          %dma_wait3A_388 = arith.constant 0 : i32
          %dma_wait3A_389 = arith.constant 0 : i32
          %dma_wait3A_390 = tpu.memref_slice %arg7[%scan3A_251, %select_n3A, %dma_wait3A_388, %select_n3A_30, %dma_wait3A_389] : memref<39x4x400x8x128xf32, #tpu.memory_space<hbm>> -> memref<1x1x25x1x128xf32, #tpu.memory_space<hbm>>
          %dma_wait3A_391 = tpu.memref_squeeze %dma_wait3A_390 : memref<1x1x25x1x128xf32, #tpu.memory_space<hbm>> -> memref<25x128xf32, #tpu.memory_space<hbm>>
          %dma_wait3A_392 = arith.constant 0 : i32
          %dma_wait3A_393 = arith.constant 0 : i32
          %dma_wait3A_394 = tpu.memref_slice %arg7[%scan3A_251, %select_n3A, %dma_wait3A_392, %select_n3A_30, %dma_wait3A_393] : memref<39x4x400x8x128xf32, #tpu.memory_space<hbm>> -> memref<1x1x25x1x128xf32, #tpu.memory_space<hbm>>
          %dma_wait3A_395 = tpu.memref_squeeze %dma_wait3A_394 : memref<1x1x25x1x128xf32, #tpu.memory_space<hbm>> -> memref<25x128xf32, #tpu.memory_space<hbm>>
          tpu.wait_dma2 semaphore(%arg27 : memref<!tpu.dma_semaphore, #tpu.memory_space<semaphore_mem>>) src(%arg13 : memref<25x128xf32, #tpu.memory_space<vmem>>) dst(%dma_wait3A_395 : memref<25x128xf32, #tpu.memory_space<hbm>>)
        } else {
        }
        %scan3A_333 = arith.constant 0 : i32
        %scan3A_334 = arith.constant 0 : i32
        %scan3A_335 = arith.constant 25 : i32
        %scan3A_336 = arith.addi %scan3A_334, %scan3A_335 : i32
        %scan3A_337 = arith.constant 1 : i32
        scf.for %scan3A_388 = %scan3A_334 to %scan3A_336 step %scan3A_337  : i32 {
          %get3A_389 = arith.index_cast %scan3A_388 : i32 to index
          %get3A_390 = arith.constant 0 : index
          %get3A_391 = tpu.vector_load %arg9[%get3A_389, %get3A_390] {strides = array<i32>} : memref<25x128xi32, #tpu.memory_space<vmem>>, vector<16xi32>,
          %shift_right_logical3A = arith.constant 7 : i32
          %shift_right_logical3A_392 = vector.broadcast %shift_right_logical3A : i32 to vector<16xi32>
          %shift_right_logical3A_393 = arith.shrui %get3A_391, %shift_right_logical3A_392 : vector<16xi32>
          %and3A_394 = arith.constant 127 : i32
          %and3A_395 = vector.broadcast %and3A_394 : i32 to vector<16xi32>
          %and3A_396 = arith.andi %get3A_391, %and3A_395 : vector<16xi32>
          %gather3A = tpu.vector_load_idx %arg8[%shift_right_logical3A_393, %and3A_396] : memref<782x128xf32, #tpu.memory_space<vmem>>[vector<16xi32>, vector<16xi32>], vector<16xf32>,
          %swap3A_397 = arith.index_cast %scan3A_388 : i32 to index
          %swap3A_398 = arith.constant 0 : index
          %swap3A_399 = tpu.vector_load %arg13[%swap3A_397, %swap3A_398] {strides = array<i32>} : memref<25x128xf32, #tpu.memory_space<vmem>>, vector<16xf32>,
          tpu.vector_store %arg13[%swap3A_397, %swap3A_398], %gather3A {strides = array<i32>} : memref<25x128xf32, #tpu.memory_space<vmem>>, vector<16xf32>,
          %get3A_400 = arith.index_cast %scan3A_388 : i32 to index
          %get3A_401 = arith.constant 16 : index
          %get3A_402 = tpu.vector_load %arg9[%get3A_400, %get3A_401] {strides = array<i32>} : memref<25x128xi32, #tpu.memory_space<vmem>>, vector<16xi32>,
          %shift_right_logical3A_403 = arith.constant 7 : i32
          %shift_right_logical3A_404 = vector.broadcast %shift_right_logical3A_403 : i32 to vector<16xi32>
          %shift_right_logical3A_405 = arith.shrui %get3A_402, %shift_right_logical3A_404 : vector<16xi32>
          %and3A_406 = arith.constant 127 : i32
          %and3A_407 = vector.broadcast %and3A_406 : i32 to vector<16xi32>
          %and3A_408 = arith.andi %get3A_402, %and3A_407 : vector<16xi32>
          %gather3A_409 = tpu.vector_load_idx %arg8[%shift_right_logical3A_405, %and3A_408] : memref<782x128xf32, #tpu.memory_space<vmem>>[vector<16xi32>, vector<16xi32>], vector<16xf32>,
          %swap3A_410 = arith.index_cast %scan3A_388 : i32 to index
          %swap3A_411 = arith.constant 16 : index
          %swap3A_412 = tpu.vector_load %arg13[%swap3A_410, %swap3A_411] {strides = array<i32>} : memref<25x128xf32, #tpu.memory_space<vmem>>, vector<16xf32>,
          tpu.vector_store %arg13[%swap3A_410, %swap3A_411], %gather3A_409 {strides = array<i32>} : memref<25x128xf32, #tpu.memory_space<vmem>>, vector<16xf32>,
          %get3A_413 = arith.index_cast %scan3A_388 : i32 to index
          %get3A_414 = arith.constant 32 : index
          %get3A_415 = tpu.vector_load %arg9[%get3A_413, %get3A_414] {strides = array<i32>} : memref<25x128xi32, #tpu.memory_space<vmem>>, vector<16xi32>,
          %shift_right_logical3A_416 = arith.constant 7 : i32
          %shift_right_logical3A_417 = vector.broadcast %shift_right_logical3A_416 : i32 to vector<16xi32>
          %shift_right_logical3A_418 = arith.shrui %get3A_415, %shift_right_logical3A_417 : vector<16xi32>
          %and3A_419 = arith.constant 127 : i32
          %and3A_420 = vector.broadcast %and3A_419 : i32 to vector<16xi32>
          %and3A_421 = arith.andi %get3A_415, %and3A_420 : vector<16xi32>
          %gather3A_422 = tpu.vector_load_idx %arg8[%shift_right_logical3A_418, %and3A_421] : memref<782x128xf32, #tpu.memory_space<vmem>>[vector<16xi32>, vector<16xi32>], vector<16xf32>,
          %swap3A_423 = arith.index_cast %scan3A_388 : i32 to index
          %swap3A_424 = arith.constant 32 : index
          %swap3A_425 = tpu.vector_load %arg13[%swap3A_423, %swap3A_424] {strides = array<i32>} : memref<25x128xf32, #tpu.memory_space<vmem>>, vector<16xf32>,
          tpu.vector_store %arg13[%swap3A_423, %swap3A_424], %gather3A_422 {strides = array<i32>} : memref<25x128xf32, #tpu.memory_space<vmem>>, vector<16xf32>,
          %get3A_426 = arith.index_cast %scan3A_388 : i32 to index
          %get3A_427 = arith.constant 48 : index
          %get3A_428 = tpu.vector_load %arg9[%get3A_426, %get3A_427] {strides = array<i32>} : memref<25x128xi32, #tpu.memory_space<vmem>>, vector<16xi32>,
          %shift_right_logical3A_429 = arith.constant 7 : i32
          %shift_right_logical3A_430 = vector.broadcast %shift_right_logical3A_429 : i32 to vector<16xi32>
          %shift_right_logical3A_431 = arith.shrui %get3A_428, %shift_right_logical3A_430 : vector<16xi32>
          %and3A_432 = arith.constant 127 : i32
          %and3A_433 = vector.broadcast %and3A_432 : i32 to vector<16xi32>
          %and3A_434 = arith.andi %get3A_428, %and3A_433 : vector<16xi32>
          %gather3A_435 = tpu.vector_load_idx %arg8[%shift_right_logical3A_431, %and3A_434] : memref<782x128xf32, #tpu.memory_space<vmem>>[vector<16xi32>, vector<16xi32>], vector<16xf32>,
          %swap3A_436 = arith.index_cast %scan3A_388 : i32 to index
          %swap3A_437 = arith.constant 48 : index
          %swap3A_438 = tpu.vector_load %arg13[%swap3A_436, %swap3A_437] {strides = array<i32>} : memref<25x128xf32, #tpu.memory_space<vmem>>, vector<16xf32>,
          tpu.vector_store %arg13[%swap3A_436, %swap3A_437], %gather3A_435 {strides = array<i32>} : memref<25x128xf32, #tpu.memory_space<vmem>>, vector<16xf32>,
          %get3A_439 = arith.index_cast %scan3A_388 : i32 to index
          %get3A_440 = arith.constant 64 : index
          %get3A_441 = tpu.vector_load %arg9[%get3A_439, %get3A_440] {strides = array<i32>} : memref<25x128xi32, #tpu.memory_space<vmem>>, vector<16xi32>,
          %shift_right_logical3A_442 = arith.constant 7 : i32
          %shift_right_logical3A_443 = vector.broadcast %shift_right_logical3A_442 : i32 to vector<16xi32>
          %shift_right_logical3A_444 = arith.shrui %get3A_441, %shift_right_logical3A_443 : vector<16xi32>
          %and3A_445 = arith.constant 127 : i32
          %and3A_446 = vector.broadcast %and3A_445 : i32 to vector<16xi32>
          %and3A_447 = arith.andi %get3A_441, %and3A_446 : vector<16xi32>
          %gather3A_448 = tpu.vector_load_idx %arg8[%shift_right_logical3A_444, %and3A_447] : memref<782x128xf32, #tpu.memory_space<vmem>>[vector<16xi32>, vector<16xi32>], vector<16xf32>,
          %swap3A_449 = arith.index_cast %scan3A_388 : i32 to index
          %swap3A_450 = arith.constant 64 : index
          %swap3A_451 = tpu.vector_load %arg13[%swap3A_449, %swap3A_450] {strides = array<i32>} : memref<25x128xf32, #tpu.memory_space<vmem>>, vector<16xf32>,
          tpu.vector_store %arg13[%swap3A_449, %swap3A_450], %gather3A_448 {strides = array<i32>} : memref<25x128xf32, #tpu.memory_space<vmem>>, vector<16xf32>,
          %get3A_452 = arith.index_cast %scan3A_388 : i32 to index
          %get3A_453 = arith.constant 80 : index
          %get3A_454 = tpu.vector_load %arg9[%get3A_452, %get3A_453] {strides = array<i32>} : memref<25x128xi32, #tpu.memory_space<vmem>>, vector<16xi32>,
          %shift_right_logical3A_455 = arith.constant 7 : i32
          %shift_right_logical3A_456 = vector.broadcast %shift_right_logical3A_455 : i32 to vector<16xi32>
          %shift_right_logical3A_457 = arith.shrui %get3A_454, %shift_right_logical3A_456 : vector<16xi32>
          %and3A_458 = arith.constant 127 : i32
          %and3A_459 = vector.broadcast %and3A_458 : i32 to vector<16xi32>
          %and3A_460 = arith.andi %get3A_454, %and3A_459 : vector<16xi32>
          %gather3A_461 = tpu.vector_load_idx %arg8[%shift_right_logical3A_457, %and3A_460] : memref<782x128xf32, #tpu.memory_space<vmem>>[vector<16xi32>, vector<16xi32>], vector<16xf32>,
          %swap3A_462 = arith.index_cast %scan3A_388 : i32 to index
          %swap3A_463 = arith.constant 80 : index
          %swap3A_464 = tpu.vector_load %arg13[%swap3A_462, %swap3A_463] {strides = array<i32>} : memref<25x128xf32, #tpu.memory_space<vmem>>, vector<16xf32>,
          tpu.vector_store %arg13[%swap3A_462, %swap3A_463], %gather3A_461 {strides = array<i32>} : memref<25x128xf32, #tpu.memory_space<vmem>>, vector<16xf32>,
          %get3A_465 = arith.index_cast %scan3A_388 : i32 to index
          %get3A_466 = arith.constant 96 : index
          %get3A_467 = tpu.vector_load %arg9[%get3A_465, %get3A_466] {strides = array<i32>} : memref<25x128xi32, #tpu.memory_space<vmem>>, vector<16xi32>,
          %shift_right_logical3A_468 = arith.constant 7 : i32
          %shift_right_logical3A_469 = vector.broadcast %shift_right_logical3A_468 : i32 to vector<16xi32>
          %shift_right_logical3A_470 = arith.shrui %get3A_467, %shift_right_logical3A_469 : vector<16xi32>
          %and3A_471 = arith.constant 127 : i32
          %and3A_472 = vector.broadcast %and3A_471 : i32 to vector<16xi32>
          %and3A_473 = arith.andi %get3A_467, %and3A_472 : vector<16xi32>
          %gather3A_474 = tpu.vector_load_idx %arg8[%shift_right_logical3A_470, %and3A_473] : memref<782x128xf32, #tpu.memory_space<vmem>>[vector<16xi32>, vector<16xi32>], vector<16xf32>,
          %swap3A_475 = arith.index_cast %scan3A_388 : i32 to index
          %swap3A_476 = arith.constant 96 : index
          %swap3A_477 = tpu.vector_load %arg13[%swap3A_475, %swap3A_476] {strides = array<i32>} : memref<25x128xf32, #tpu.memory_space<vmem>>, vector<16xf32>,
          tpu.vector_store %arg13[%swap3A_475, %swap3A_476], %gather3A_474 {strides = array<i32>} : memref<25x128xf32, #tpu.memory_space<vmem>>, vector<16xf32>,
          %get3A_478 = arith.index_cast %scan3A_388 : i32 to index
          %get3A_479 = arith.constant 112 : index
          %get3A_480 = tpu.vector_load %arg9[%get3A_478, %get3A_479] {strides = array<i32>} : memref<25x128xi32, #tpu.memory_space<vmem>>, vector<16xi32>,
          %shift_right_logical3A_481 = arith.constant 7 : i32
          %shift_right_logical3A_482 = vector.broadcast %shift_right_logical3A_481 : i32 to vector<16xi32>
          %shift_right_logical3A_483 = arith.shrui %get3A_480, %shift_right_logical3A_482 : vector<16xi32>
          %and3A_484 = arith.constant 127 : i32
          %and3A_485 = vector.broadcast %and3A_484 : i32 to vector<16xi32>
          %and3A_486 = arith.andi %get3A_480, %and3A_485 : vector<16xi32>
          %gather3A_487 = tpu.vector_load_idx %arg8[%shift_right_logical3A_483, %and3A_486] : memref<782x128xf32, #tpu.memory_space<vmem>>[vector<16xi32>, vector<16xi32>], vector<16xf32>,
          %swap3A_488 = arith.index_cast %scan3A_388 : i32 to index
          %swap3A_489 = arith.constant 112 : index
          %swap3A_490 = tpu.vector_load %arg13[%swap3A_488, %swap3A_489] {strides = array<i32>} : memref<25x128xf32, #tpu.memory_space<vmem>>, vector<16xf32>,
          tpu.vector_store %arg13[%swap3A_488, %swap3A_489], %gather3A_487 {strides = array<i32>} : memref<25x128xf32, #tpu.memory_space<vmem>>, vector<16xf32>,
        }
        %scan3A_338 = arith.constant 25 : i32
        %mul3A_339 = arith.constant 25 : i32
        %mul3A_340 = arith.muli %mul3A_322, %mul3A_339 : i32
        %dma_start3A_341 = arith.constant 0 : i32
        %dma_start3A_342 = tpu.memref_slice %arg7[%scan3A_251, %select_n3A, %mul3A_340, %select_n3A_30, %dma_start3A_341] : memref<39x4x400x8x128xf32, #tpu.memory_space<hbm>> -> memref<1x1x25x1x128xf32, #tpu.memory_space<hbm>>
        %dma_start3A_343 = tpu.memref_squeeze %dma_start3A_342 : memref<1x1x25x1x128xf32, #tpu.memory_space<hbm>> -> memref<25x128xf32, #tpu.memory_space<hbm>>
        %dma_start3A_344 = arith.constant 0 : i32
        %dma_start3A_345 = tpu.memref_slice %arg7[%scan3A_251, %select_n3A, %mul3A_340, %select_n3A_30, %dma_start3A_344] : memref<39x4x400x8x128xf32, #tpu.memory_space<hbm>> -> memref<1x1x25x1x128xf32, #tpu.memory_space<hbm>>
        %dma_start3A_346 = tpu.memref_squeeze %dma_start3A_345 : memref<1x1x25x1x128xf32, #tpu.memory_space<hbm>> -> memref<25x128xf32, #tpu.memory_space<hbm>>
        tpu.enqueue_dma source(%arg13 : memref<25x128xf32, #tpu.memory_space<vmem>>) target(%dma_start3A_346 : memref<25x128xf32, #tpu.memory_space<hbm>>) target_semaphore(%arg27 : memref<!tpu.dma_semaphore, #tpu.memory_space<semaphore_mem>>)
        %add3A_347 = arith.constant 1 : i32
        %add3A_348 = arith.addi %mul3A_322, %add3A_347 : i32
        %mul3A_349 = arith.constant 25 : i32
        %mul3A_350 = arith.muli %add3A_348, %mul3A_349 : i32
        %dma_wait3A_351 = arith.constant 0 : i32
        %dma_wait3A_352 = tpu.memref_slice %arg2[%scan3A_251, %mul3A_350, %dma_wait3A_351] : memref<26x400x128xi32, #tpu.memory_space<hbm>> -> memref<1x25x128xi32, #tpu.memory_space<hbm>>
        %dma_wait3A_353 = tpu.memref_squeeze %dma_wait3A_352 : memref<1x25x128xi32, #tpu.memory_space<hbm>> -> memref<25x128xi32, #tpu.memory_space<hbm>>
        %dma_wait3A_354 = arith.constant 0 : i32
        %dma_wait3A_355 = tpu.memref_slice %arg2[%scan3A_251, %mul3A_350, %dma_wait3A_354] : memref<26x400x128xi32, #tpu.memory_space<hbm>> -> memref<1x25x128xi32, #tpu.memory_space<hbm>>
        %dma_wait3A_356 = tpu.memref_squeeze %dma_wait3A_355 : memref<1x25x128xi32, #tpu.memory_space<hbm>> -> memref<25x128xi32, #tpu.memory_space<hbm>>
        tpu.wait_dma2 semaphore(%arg24 : memref<!tpu.dma_semaphore, #tpu.memory_space<semaphore_mem>>) src(%dma_wait3A_356 : memref<25x128xi32, #tpu.memory_space<hbm>>) dst(%arg10 : memref<25x128xi32, #tpu.memory_space<vmem>>)
        %lt3A_357 = arith.constant 7 : i32
        %lt3A_358 = arith.cmpi slt, %scan3A_320, %lt3A_357 : i32
        %convert_element_type3A_359 = arith.extui %lt3A_358 : i1 to i32
        %cond3A_360 = arith.constant 0 : i32
        %cond3A_361 = arith.cmpi ne, %convert_element_type3A_359, %cond3A_360 : i32
        scf.if %cond3A_361 {
          %add3A_388 = arith.constant 2 : i32
          %add3A_389 = arith.addi %mul3A_322, %add3A_388 : i32
          %mul3A_390 = arith.constant 25 : i32
          %mul3A_391 = arith.muli %add3A_389, %mul3A_390 : i32
          %dma_start3A_392 = arith.constant 0 : i32
          %dma_start3A_393 = tpu.memref_slice %arg2[%scan3A_251, %mul3A_391, %dma_start3A_392] : memref<26x400x128xi32, #tpu.memory_space<hbm>> -> memref<1x25x128xi32, #tpu.memory_space<hbm>>
          %dma_start3A_394 = tpu.memref_squeeze %dma_start3A_393 : memref<1x25x128xi32, #tpu.memory_space<hbm>> -> memref<25x128xi32, #tpu.memory_space<hbm>>
          %dma_start3A_395 = arith.constant 0 : i32
          %dma_start3A_396 = tpu.memref_slice %arg2[%scan3A_251, %mul3A_391, %dma_start3A_395] : memref<26x400x128xi32, #tpu.memory_space<hbm>> -> memref<1x25x128xi32, #tpu.memory_space<hbm>>
          %dma_start3A_397 = tpu.memref_squeeze %dma_start3A_396 : memref<1x25x128xi32, #tpu.memory_space<hbm>> -> memref<25x128xi32, #tpu.memory_space<hbm>>
          tpu.enqueue_dma source(%dma_start3A_397 : memref<25x128xi32, #tpu.memory_space<hbm>>) target(%arg9 : memref<25x128xi32, #tpu.memory_space<vmem>>) target_semaphore(%arg23 : memref<!tpu.dma_semaphore, #tpu.memory_space<semaphore_mem>>)
        } else {
        }
        %gt3A_362 = arith.constant 0 : i32
        %gt3A_363 = arith.cmpi sgt, %scan3A_320, %gt3A_362 : i32
        %convert_element_type3A_364 = arith.extui %gt3A_363 : i1 to i32
        %cond3A_365 = arith.constant 0 : i32
        %cond3A_366 = arith.cmpi ne, %convert_element_type3A_364, %cond3A_365 : i32
        scf.if %cond3A_366 {
          %dma_wait3A_388 = arith.constant 0 : i32
          %dma_wait3A_389 = arith.constant 0 : i32
          %dma_wait3A_390 = tpu.memref_slice %arg7[%scan3A_251, %select_n3A, %dma_wait3A_388, %select_n3A_30, %dma_wait3A_389] : memref<39x4x400x8x128xf32, #tpu.memory_space<hbm>> -> memref<1x1x25x1x128xf32, #tpu.memory_space<hbm>>
          %dma_wait3A_391 = tpu.memref_squeeze %dma_wait3A_390 : memref<1x1x25x1x128xf32, #tpu.memory_space<hbm>> -> memref<25x128xf32, #tpu.memory_space<hbm>>
          %dma_wait3A_392 = arith.constant 0 : i32
          %dma_wait3A_393 = arith.constant 0 : i32
          %dma_wait3A_394 = tpu.memref_slice %arg7[%scan3A_251, %select_n3A, %dma_wait3A_392, %select_n3A_30, %dma_wait3A_393] : memref<39x4x400x8x128xf32, #tpu.memory_space<hbm>> -> memref<1x1x25x1x128xf32, #tpu.memory_space<hbm>>
          %dma_wait3A_395 = tpu.memref_squeeze %dma_wait3A_394 : memref<1x1x25x1x128xf32, #tpu.memory_space<hbm>> -> memref<25x128xf32, #tpu.memory_space<hbm>>
          tpu.wait_dma2 semaphore(%arg28 : memref<!tpu.dma_semaphore, #tpu.memory_space<semaphore_mem>>) src(%arg14 : memref<25x128xf32, #tpu.memory_space<vmem>>) dst(%dma_wait3A_395 : memref<25x128xf32, #tpu.memory_space<hbm>>)
        } else {
        }
        %scan3A_367 = arith.constant 0 : i32
        %scan3A_368 = arith.constant 0 : i32
        %scan3A_369 = arith.constant 25 : i32
        %scan3A_370 = arith.addi %scan3A_368, %scan3A_369 : i32
        %scan3A_371 = arith.constant 1 : i32
        scf.for %scan3A_388 = %scan3A_368 to %scan3A_370 step %scan3A_371  : i32 {
          %get3A_389 = arith.index_cast %scan3A_388 : i32 to index
          %get3A_390 = arith.constant 0 : index
          %get3A_391 = tpu.vector_load %arg10[%get3A_389, %get3A_390] {strides = array<i32>} : memref<25x128xi32, #tpu.memory_space<vmem>>, vector<16xi32>,
          %shift_right_logical3A = arith.constant 7 : i32
          %shift_right_logical3A_392 = vector.broadcast %shift_right_logical3A : i32 to vector<16xi32>
          %shift_right_logical3A_393 = arith.shrui %get3A_391, %shift_right_logical3A_392 : vector<16xi32>
          %and3A_394 = arith.constant 127 : i32
          %and3A_395 = vector.broadcast %and3A_394 : i32 to vector<16xi32>
          %and3A_396 = arith.andi %get3A_391, %and3A_395 : vector<16xi32>
          %gather3A = tpu.vector_load_idx %arg8[%shift_right_logical3A_393, %and3A_396] : memref<782x128xf32, #tpu.memory_space<vmem>>[vector<16xi32>, vector<16xi32>], vector<16xf32>,
          %swap3A_397 = arith.index_cast %scan3A_388 : i32 to index
          %swap3A_398 = arith.constant 0 : index
          %swap3A_399 = tpu.vector_load %arg14[%swap3A_397, %swap3A_398] {strides = array<i32>} : memref<25x128xf32, #tpu.memory_space<vmem>>, vector<16xf32>,
          tpu.vector_store %arg14[%swap3A_397, %swap3A_398], %gather3A {strides = array<i32>} : memref<25x128xf32, #tpu.memory_space<vmem>>, vector<16xf32>,
          %get3A_400 = arith.index_cast %scan3A_388 : i32 to index
          %get3A_401 = arith.constant 16 : index
          %get3A_402 = tpu.vector_load %arg10[%get3A_400, %get3A_401] {strides = array<i32>} : memref<25x128xi32, #tpu.memory_space<vmem>>, vector<16xi32>,
          %shift_right_logical3A_403 = arith.constant 7 : i32
          %shift_right_logical3A_404 = vector.broadcast %shift_right_logical3A_403 : i32 to vector<16xi32>
          %shift_right_logical3A_405 = arith.shrui %get3A_402, %shift_right_logical3A_404 : vector<16xi32>
          %and3A_406 = arith.constant 127 : i32
          %and3A_407 = vector.broadcast %and3A_406 : i32 to vector<16xi32>
          %and3A_408 = arith.andi %get3A_402, %and3A_407 : vector<16xi32>
          %gather3A_409 = tpu.vector_load_idx %arg8[%shift_right_logical3A_405, %and3A_408] : memref<782x128xf32, #tpu.memory_space<vmem>>[vector<16xi32>, vector<16xi32>], vector<16xf32>,
          %swap3A_410 = arith.index_cast %scan3A_388 : i32 to index
          %swap3A_411 = arith.constant 16 : index
          %swap3A_412 = tpu.vector_load %arg14[%swap3A_410, %swap3A_411] {strides = array<i32>} : memref<25x128xf32, #tpu.memory_space<vmem>>, vector<16xf32>,
          tpu.vector_store %arg14[%swap3A_410, %swap3A_411], %gather3A_409 {strides = array<i32>} : memref<25x128xf32, #tpu.memory_space<vmem>>, vector<16xf32>,
          %get3A_413 = arith.index_cast %scan3A_388 : i32 to index
          %get3A_414 = arith.constant 32 : index
          %get3A_415 = tpu.vector_load %arg10[%get3A_413, %get3A_414] {strides = array<i32>} : memref<25x128xi32, #tpu.memory_space<vmem>>, vector<16xi32>,
          %shift_right_logical3A_416 = arith.constant 7 : i32
          %shift_right_logical3A_417 = vector.broadcast %shift_right_logical3A_416 : i32 to vector<16xi32>
          %shift_right_logical3A_418 = arith.shrui %get3A_415, %shift_right_logical3A_417 : vector<16xi32>
          %and3A_419 = arith.constant 127 : i32
          %and3A_420 = vector.broadcast %and3A_419 : i32 to vector<16xi32>
          %and3A_421 = arith.andi %get3A_415, %and3A_420 : vector<16xi32>
          %gather3A_422 = tpu.vector_load_idx %arg8[%shift_right_logical3A_418, %and3A_421] : memref<782x128xf32, #tpu.memory_space<vmem>>[vector<16xi32>, vector<16xi32>], vector<16xf32>,
          %swap3A_423 = arith.index_cast %scan3A_388 : i32 to index
          %swap3A_424 = arith.constant 32 : index
          %swap3A_425 = tpu.vector_load %arg14[%swap3A_423, %swap3A_424] {strides = array<i32>} : memref<25x128xf32, #tpu.memory_space<vmem>>, vector<16xf32>,
          tpu.vector_store %arg14[%swap3A_423, %swap3A_424], %gather3A_422 {strides = array<i32>} : memref<25x128xf32, #tpu.memory_space<vmem>>, vector<16xf32>,
          %get3A_426 = arith.index_cast %scan3A_388 : i32 to index
          %get3A_427 = arith.constant 48 : index
          %get3A_428 = tpu.vector_load %arg10[%get3A_426, %get3A_427] {strides = array<i32>} : memref<25x128xi32, #tpu.memory_space<vmem>>, vector<16xi32>,
          %shift_right_logical3A_429 = arith.constant 7 : i32
          %shift_right_logical3A_430 = vector.broadcast %shift_right_logical3A_429 : i32 to vector<16xi32>
          %shift_right_logical3A_431 = arith.shrui %get3A_428, %shift_right_logical3A_430 : vector<16xi32>
          %and3A_432 = arith.constant 127 : i32
          %and3A_433 = vector.broadcast %and3A_432 : i32 to vector<16xi32>
          %and3A_434 = arith.andi %get3A_428, %and3A_433 : vector<16xi32>
          %gather3A_435 = tpu.vector_load_idx %arg8[%shift_right_logical3A_431, %and3A_434] : memref<782x128xf32, #tpu.memory_space<vmem>>[vector<16xi32>, vector<16xi32>], vector<16xf32>,
          %swap3A_436 = arith.index_cast %scan3A_388 : i32 to index
          %swap3A_437 = arith.constant 48 : index
          %swap3A_438 = tpu.vector_load %arg14[%swap3A_436, %swap3A_437] {strides = array<i32>} : memref<25x128xf32, #tpu.memory_space<vmem>>, vector<16xf32>,
          tpu.vector_store %arg14[%swap3A_436, %swap3A_437], %gather3A_435 {strides = array<i32>} : memref<25x128xf32, #tpu.memory_space<vmem>>, vector<16xf32>,
          %get3A_439 = arith.index_cast %scan3A_388 : i32 to index
          %get3A_440 = arith.constant 64 : index
          %get3A_441 = tpu.vector_load %arg10[%get3A_439, %get3A_440] {strides = array<i32>} : memref<25x128xi32, #tpu.memory_space<vmem>>, vector<16xi32>,
          %shift_right_logical3A_442 = arith.constant 7 : i32
          %shift_right_logical3A_443 = vector.broadcast %shift_right_logical3A_442 : i32 to vector<16xi32>
          %shift_right_logical3A_444 = arith.shrui %get3A_441, %shift_right_logical3A_443 : vector<16xi32>
          %and3A_445 = arith.constant 127 : i32
          %and3A_446 = vector.broadcast %and3A_445 : i32 to vector<16xi32>
          %and3A_447 = arith.andi %get3A_441, %and3A_446 : vector<16xi32>
          %gather3A_448 = tpu.vector_load_idx %arg8[%shift_right_logical3A_444, %and3A_447] : memref<782x128xf32, #tpu.memory_space<vmem>>[vector<16xi32>, vector<16xi32>], vector<16xf32>,
          %swap3A_449 = arith.index_cast %scan3A_388 : i32 to index
          %swap3A_450 = arith.constant 64 : index
          %swap3A_451 = tpu.vector_load %arg14[%swap3A_449, %swap3A_450] {strides = array<i32>} : memref<25x128xf32, #tpu.memory_space<vmem>>, vector<16xf32>,
          tpu.vector_store %arg14[%swap3A_449, %swap3A_450], %gather3A_448 {strides = array<i32>} : memref<25x128xf32, #tpu.memory_space<vmem>>, vector<16xf32>,
          %get3A_452 = arith.index_cast %scan3A_388 : i32 to index
          %get3A_453 = arith.constant 80 : index
          %get3A_454 = tpu.vector_load %arg10[%get3A_452, %get3A_453] {strides = array<i32>} : memref<25x128xi32, #tpu.memory_space<vmem>>, vector<16xi32>,
          %shift_right_logical3A_455 = arith.constant 7 : i32
          %shift_right_logical3A_456 = vector.broadcast %shift_right_logical3A_455 : i32 to vector<16xi32>
          %shift_right_logical3A_457 = arith.shrui %get3A_454, %shift_right_logical3A_456 : vector<16xi32>
          %and3A_458 = arith.constant 127 : i32
          %and3A_459 = vector.broadcast %and3A_458 : i32 to vector<16xi32>
          %and3A_460 = arith.andi %get3A_454, %and3A_459 : vector<16xi32>
          %gather3A_461 = tpu.vector_load_idx %arg8[%shift_right_logical3A_457, %and3A_460] : memref<782x128xf32, #tpu.memory_space<vmem>>[vector<16xi32>, vector<16xi32>], vector<16xf32>,
          %swap3A_462 = arith.index_cast %scan3A_388 : i32 to index
          %swap3A_463 = arith.constant 80 : index
          %swap3A_464 = tpu.vector_load %arg14[%swap3A_462, %swap3A_463] {strides = array<i32>} : memref<25x128xf32, #tpu.memory_space<vmem>>, vector<16xf32>,
          tpu.vector_store %arg14[%swap3A_462, %swap3A_463], %gather3A_461 {strides = array<i32>} : memref<25x128xf32, #tpu.memory_space<vmem>>, vector<16xf32>,
          %get3A_465 = arith.index_cast %scan3A_388 : i32 to index
          %get3A_466 = arith.constant 96 : index
          %get3A_467 = tpu.vector_load %arg10[%get3A_465, %get3A_466] {strides = array<i32>} : memref<25x128xi32, #tpu.memory_space<vmem>>, vector<16xi32>,
          %shift_right_logical3A_468 = arith.constant 7 : i32
          %shift_right_logical3A_469 = vector.broadcast %shift_right_logical3A_468 : i32 to vector<16xi32>
          %shift_right_logical3A_470 = arith.shrui %get3A_467, %shift_right_logical3A_469 : vector<16xi32>
          %and3A_471 = arith.constant 127 : i32
          %and3A_472 = vector.broadcast %and3A_471 : i32 to vector<16xi32>
          %and3A_473 = arith.andi %get3A_467, %and3A_472 : vector<16xi32>
          %gather3A_474 = tpu.vector_load_idx %arg8[%shift_right_logical3A_470, %and3A_473] : memref<782x128xf32, #tpu.memory_space<vmem>>[vector<16xi32>, vector<16xi32>], vector<16xf32>,
          %swap3A_475 = arith.index_cast %scan3A_388 : i32 to index
          %swap3A_476 = arith.constant 96 : index
          %swap3A_477 = tpu.vector_load %arg14[%swap3A_475, %swap3A_476] {strides = array<i32>} : memref<25x128xf32, #tpu.memory_space<vmem>>, vector<16xf32>,
          tpu.vector_store %arg14[%swap3A_475, %swap3A_476], %gather3A_474 {strides = array<i32>} : memref<25x128xf32, #tpu.memory_space<vmem>>, vector<16xf32>,
          %get3A_478 = arith.index_cast %scan3A_388 : i32 to index
          %get3A_479 = arith.constant 112 : index
          %get3A_480 = tpu.vector_load %arg10[%get3A_478, %get3A_479] {strides = array<i32>} : memref<25x128xi32, #tpu.memory_space<vmem>>, vector<16xi32>,
          %shift_right_logical3A_481 = arith.constant 7 : i32
          %shift_right_logical3A_482 = vector.broadcast %shift_right_logical3A_481 : i32 to vector<16xi32>
          %shift_right_logical3A_483 = arith.shrui %get3A_480, %shift_right_logical3A_482 : vector<16xi32>
          %and3A_484 = arith.constant 127 : i32
          %and3A_485 = vector.broadcast %and3A_484 : i32 to vector<16xi32>
          %and3A_486 = arith.andi %get3A_480, %and3A_485 : vector<16xi32>
          %gather3A_487 = tpu.vector_load_idx %arg8[%shift_right_logical3A_483, %and3A_486] : memref<782x128xf32, #tpu.memory_space<vmem>>[vector<16xi32>, vector<16xi32>], vector<16xf32>,
          %swap3A_488 = arith.index_cast %scan3A_388 : i32 to index
          %swap3A_489 = arith.constant 112 : index
          %swap3A_490 = tpu.vector_load %arg14[%swap3A_488, %swap3A_489] {strides = array<i32>} : memref<25x128xf32, #tpu.memory_space<vmem>>, vector<16xf32>,
          tpu.vector_store %arg14[%swap3A_488, %swap3A_489], %gather3A_487 {strides = array<i32>} : memref<25x128xf32, #tpu.memory_space<vmem>>, vector<16xf32>,
        }
        %scan3A_372 = arith.constant 25 : i32
        %add3A_373 = arith.constant 1 : i32
        %add3A_374 = arith.addi %mul3A_322, %add3A_373 : i32
        %mul3A_375 = arith.constant 25 : i32
        %mul3A_376 = arith.muli %add3A_374, %mul3A_375 : i32
        %dma_start3A_377 = arith.constant 0 : i32
        %dma_start3A_378 = tpu.memref_slice %arg7[%scan3A_251, %select_n3A, %mul3A_376, %select_n3A_30, %dma_start3A_377] : memref<39x4x400x8x128xf32, #tpu.memory_space<hbm>> -> memref<1x1x25x1x128xf32, #tpu.memory_space<hbm>>
        %dma_start3A_379 = tpu.memref_squeeze %dma_start3A_378 : memref<1x1x25x1x128xf32, #tpu.memory_space<hbm>> -> memref<25x128xf32, #tpu.memory_space<hbm>>
        %dma_start3A_380 = arith.constant 0 : i32
        %dma_start3A_381 = tpu.memref_slice %arg7[%scan3A_251, %select_n3A, %mul3A_376, %select_n3A_30, %dma_start3A_380] : memref<39x4x400x8x128xf32, #tpu.memory_space<hbm>> -> memref<1x1x25x1x128xf32, #tpu.memory_space<hbm>>
        %dma_start3A_382 = tpu.memref_squeeze %dma_start3A_381 : memref<1x1x25x1x128xf32, #tpu.memory_space<hbm>> -> memref<25x128xf32, #tpu.memory_space<hbm>>
        tpu.enqueue_dma source(%arg14 : memref<25x128xf32, #tpu.memory_space<vmem>>) target(%dma_start3A_382 : memref<25x128xf32, #tpu.memory_space<hbm>>) target_semaphore(%arg28 : memref<!tpu.dma_semaphore, #tpu.memory_space<semaphore_mem>>)
        %lt3A_383 = arith.constant 7 : i32
        %lt3A_384 = arith.cmpi slt, %scan3A_320, %lt3A_383 : i32
        %convert_element_type3A_385 = arith.extui %lt3A_384 : i1 to i32
        %cond3A_386 = arith.constant 0 : i32
        %cond3A_387 = arith.cmpi ne, %convert_element_type3A_385, %cond3A_386 : i32
        scf.if %cond3A_387 {
          %add3A_388 = arith.constant 3 : i32
          %add3A_389 = arith.addi %mul3A_322, %add3A_388 : i32
          %mul3A_390 = arith.constant 25 : i32
          %mul3A_391 = arith.muli %add3A_389, %mul3A_390 : i32
          %dma_start3A_392 = arith.constant 0 : i32
          %dma_start3A_393 = tpu.memref_slice %arg2[%scan3A_251, %mul3A_391, %dma_start3A_392] : memref<26x400x128xi32, #tpu.memory_space<hbm>> -> memref<1x25x128xi32, #tpu.memory_space<hbm>>
          %dma_start3A_394 = tpu.memref_squeeze %dma_start3A_393 : memref<1x25x128xi32, #tpu.memory_space<hbm>> -> memref<25x128xi32, #tpu.memory_space<hbm>>
          %dma_start3A_395 = arith.constant 0 : i32
          %dma_start3A_396 = tpu.memref_slice %arg2[%scan3A_251, %mul3A_391, %dma_start3A_395] : memref<26x400x128xi32, #tpu.memory_space<hbm>> -> memref<1x25x128xi32, #tpu.memory_space<hbm>>
          %dma_start3A_397 = tpu.memref_squeeze %dma_start3A_396 : memref<1x25x128xi32, #tpu.memory_space<hbm>> -> memref<25x128xi32, #tpu.memory_space<hbm>>
          tpu.enqueue_dma source(%dma_start3A_397 : memref<25x128xi32, #tpu.memory_space<hbm>>) target(%arg10 : memref<25x128xi32, #tpu.memory_space<vmem>>) target_semaphore(%arg24 : memref<!tpu.dma_semaphore, #tpu.memory_space<semaphore_mem>>)
        } else {
        }
      }
      %scan3A_303 = arith.constant 8 : i32
      %dma_wait3A_304 = arith.constant 350 : i32
      %dma_wait3A_305 = arith.constant 0 : i32
      %dma_wait3A_306 = tpu.memref_slice %arg7[%scan3A_251, %select_n3A, %dma_wait3A_304, %select_n3A_30, %dma_wait3A_305] : memref<39x4x400x8x128xf32, #tpu.memory_space<hbm>> -> memref<1x1x25x1x128xf32, #tpu.memory_space<hbm>>
      %dma_wait3A_307 = tpu.memref_squeeze %dma_wait3A_306 : memref<1x1x25x1x128xf32, #tpu.memory_space<hbm>> -> memref<25x128xf32, #tpu.memory_space<hbm>>
      %dma_wait3A_308 = arith.constant 350 : i32
      %dma_wait3A_309 = arith.constant 0 : i32
      %dma_wait3A_310 = tpu.memref_slice %arg7[%scan3A_251, %select_n3A, %dma_wait3A_308, %select_n3A_30, %dma_wait3A_309] : memref<39x4x400x8x128xf32, #tpu.memory_space<hbm>> -> memref<1x1x25x1x128xf32, #tpu.memory_space<hbm>>
      %dma_wait3A_311 = tpu.memref_squeeze %dma_wait3A_310 : memref<1x1x25x1x128xf32, #tpu.memory_space<hbm>> -> memref<25x128xf32, #tpu.memory_space<hbm>>
      tpu.wait_dma2 semaphore(%arg27 : memref<!tpu.dma_semaphore, #tpu.memory_space<semaphore_mem>>) src(%arg13 : memref<25x128xf32, #tpu.memory_space<vmem>>) dst(%dma_wait3A_311 : memref<25x128xf32, #tpu.memory_space<hbm>>)
      %dma_wait3A_312 = arith.constant 375 : i32
      %dma_wait3A_313 = arith.constant 0 : i32
      %dma_wait3A_314 = tpu.memref_slice %arg7[%scan3A_251, %select_n3A, %dma_wait3A_312, %select_n3A_30, %dma_wait3A_313] : memref<39x4x400x8x128xf32, #tpu.memory_space<hbm>> -> memref<1x1x25x1x128xf32, #tpu.memory_space<hbm>>
      %dma_wait3A_315 = tpu.memref_squeeze %dma_wait3A_314 : memref<1x1x25x1x128xf32, #tpu.memory_space<hbm>> -> memref<25x128xf32, #tpu.memory_space<hbm>>
      %dma_wait3A_316 = arith.constant 375 : i32
      %dma_wait3A_317 = arith.constant 0 : i32
      %dma_wait3A_318 = tpu.memref_slice %arg7[%scan3A_251, %select_n3A, %dma_wait3A_316, %select_n3A_30, %dma_wait3A_317] : memref<39x4x400x8x128xf32, #tpu.memory_space<hbm>> -> memref<1x1x25x1x128xf32, #tpu.memory_space<hbm>>
      %dma_wait3A_319 = tpu.memref_squeeze %dma_wait3A_318 : memref<1x1x25x1x128xf32, #tpu.memory_space<hbm>> -> memref<25x128xf32, #tpu.memory_space<hbm>>
      tpu.wait_dma2 semaphore(%arg28 : memref<!tpu.dma_semaphore, #tpu.memory_space<semaphore_mem>>) src(%arg14 : memref<25x128xf32, #tpu.memory_space<vmem>>) dst(%dma_wait3A_319 : memref<25x128xf32, #tpu.memory_space<hbm>>)
    }
    %scan3A_233 = arith.constant 26 : i32
    %dma_wait3A = arith.constant 26 : i32
    %dma_wait3A_234 = arith.constant 0 : i32
    %dma_wait3A_235 = arith.constant 0 : i32
    %dma_wait3A_236 = tpu.memref_slice %arg7[%dma_wait3A, %select_n3A, %dma_wait3A_234, %select_n3A_30, %dma_wait3A_235] : memref<39x4x400x8x128xf32, #tpu.memory_space<hbm>> -> memref<1x1x25x1x128xf32, #tpu.memory_space<hbm>>
    %dma_wait3A_237 = tpu.memref_squeeze %dma_wait3A_236 : memref<1x1x25x1x128xf32, #tpu.memory_space<hbm>> -> memref<25x128xf32, #tpu.memory_space<hbm>>
    %dma_wait3A_238 = arith.constant 0 : i32
    %dma_wait3A_239 = arith.constant 0 : i32
    %dma_wait3A_240 = tpu.memref_slice %arg7[%dma_wait3A, %select_n3A, %dma_wait3A_238, %select_n3A_30, %dma_wait3A_239] : memref<39x4x400x8x128xf32, #tpu.memory_space<hbm>> -> memref<1x1x25x1x128xf32, #tpu.memory_space<hbm>>
    %dma_wait3A_241 = tpu.memref_squeeze %dma_wait3A_240 : memref<1x1x25x1x128xf32, #tpu.memory_space<hbm>> -> memref<25x128xf32, #tpu.memory_space<hbm>>
    tpu.wait_dma2 semaphore(%arg29 : memref<!tpu.dma_semaphore, #tpu.memory_space<semaphore_mem>>) src(%arg15 : memref<25x128xf32, #tpu.memory_space<vmem>>) dst(%dma_wait3A_241 : memref<25x128xf32, #tpu.memory_space<hbm>>)
    %dma_wait3A_242 = arith.constant 26 : i32
    %dma_wait3A_243 = arith.constant 0 : i32
    %dma_wait3A_244 = arith.constant 0 : i32
    %dma_wait3A_245 = tpu.memref_slice %arg7[%dma_wait3A_242, %select_n3A, %dma_wait3A_243, %select_n3A_30, %dma_wait3A_244] : memref<39x4x400x8x128xf32, #tpu.memory_space<hbm>> -> memref<1x1x25x1x128xf32, #tpu.memory_space<hbm>>
    %dma_wait3A_246 = tpu.memref_squeeze %dma_wait3A_245 : memref<1x1x25x1x128xf32, #tpu.memory_space<hbm>> -> memref<25x128xf32, #tpu.memory_space<hbm>>
    %dma_wait3A_247 = arith.constant 0 : i32
    %dma_wait3A_248 = arith.constant 0 : i32
    %dma_wait3A_249 = tpu.memref_slice %arg7[%dma_wait3A_242, %select_n3A, %dma_wait3A_247, %select_n3A_30, %dma_wait3A_248] : memref<39x4x400x8x128xf32, #tpu.memory_space<hbm>> -> memref<1x1x25x1x128xf32, #tpu.memory_space<hbm>>
    %dma_wait3A_250 = tpu.memref_squeeze %dma_wait3A_249 : memref<1x1x25x1x128xf32, #tpu.memory_space<hbm>> -> memref<25x128xf32, #tpu.memory_space<hbm>>
    tpu.wait_dma2 semaphore(%arg30 : memref<!tpu.dma_semaphore, #tpu.memory_space<semaphore_mem>>) src(%arg16 : memref<25x128xf32, #tpu.memory_space<vmem>>) dst(%dma_wait3A_250 : memref<25x128xf32, #tpu.memory_space<hbm>>)
    return
  }
}

</mosaic_0001>

<sc_bundles>
// kernel: kernel.3.cloned.1.call-start
scs
__scs_entry_jumppad:
0x0: {  	(pc) =	sbr.rel $0x88, $3  }
0x1: {  	(tag) =	ssettag $0x0;
	lr =	simm.s32 $0x1  }
0x2: {  	[smem:$0x3F9C] =	sst lr;
	_ =	strace $0xD0000000  }
0x3: {  	_ = 	snop  }
0x4: {  	_ = 	snop  }
0x5: {  	_ = 	snop  }
0x6: {  	_ = 	snop  }
0x7: {  	_ = 	snop  }
__scs_overlays_trampoline_lowered:
0x8: {  	[smem:$0x3FAB] =	sst s0  }
0x9: {  	[smem:$0x3FAC] =	sst s1  }
0xa: {  	[smem:$0x3FAD] =	sst s2  }
0xb: {  	[smem:$0x3FAE] =	sst s3  }
0xc: {  	[smem:$0x3FAF] =	sst s4  }
0xd: {  	[smem:$0x3FB0] =	sst s5  }
0xe: {  	[smem:$0x3FB1] =	sst s6  }
0xf: {  	[smem:$0x3FB2] =	sst s7  }
0x10: {  	[smem:$0x3FB3] =	sst s8  }
0x11: {  	[smem:$0x3FB4] =	sst s9;
	s0 =	simm.s32 @!p0 $0x0  }
0x12: {  	s1 =	sld [smem:$0x3F9A];
	s0 =	simm.s32 @p0 $0x1  }
0x13: {  	[smem:$0x3FB5] =	sst s0;
	s0 =	simm.s32 @!p1 $0x0  }
0x14: {  	s2 =	sld [smem:$0x3F99];
	s0 =	simm.s32 @p1 $0x1  }
0x15: {  	[smem:$0x3FB6] =	sst s0;
	s0 =	simm.s32 @!p2 $0x0  }
0x16: {  	s3 =	sld [smem:$0x3FDB];
	s0 =	simm.s32 @p2 $0x1  }
0x17: {  	s4 =	simm.s32 $0x1BF5;
	[smem:$0x3FB8] =	sst s0  }
0x18: {  	s0 =	sld [smem:$0x3F9B];
	_ =	swait.ge [sflag:s4], $0x0  }
0x19: {  	s7 =	sld [smem:$0x3F9C]  }
0x1a: {  	s8 =	sadd.s32 $0xFFFFE003, lr  }
0x1b: {  	s9 =	sadd.s32 $0xFFFFFEF7, lr;
	s5 =	simm.s32 $0xFFFFFFFF;
	p2 =	slt.u32 s8, $0xFFFFF086  }
0x1c: {  	p1 =	slt.u32 s9, $0xF7A;
	s5 =	simm.s32 @!p2 $0x0  }
0x1d: {  	s5 =	simm.s32 @p1 $0x1;
	p0 =	seq.s32 s7, s2  }
0x1e: {  	s7 =	smul.u32 @!p0 $0xF7A, s2;
	p2 =	seq.s32 @!p0 s5, $0x0  }
0x1f: {  	s9 =	smul.u32 $0xF7A, s1;
	s8 =	simm.s32 @!p0 $0x1BF5;
	p2 =	por !p2, p0  }
0x20: {  	[sflag:s8] =	ssyncset.s32 @!p0 $0xFFFFF086;
	s6 =	sadd.s32 @!p0 s3, s7;
	s7 =	simm.s32 @!p0 $0x108  }
0x21: {  	s3 =	sadd.s32 s3, s9;
	s6 =	sadd.s32 @!p0 $0x88, s6;
	s7 =	simm.s32 @p2 $0x1082  }
0x22: {  	[simem:s7], [sflag:s8] =	dma.local @!p0 [hbm:s6], $0xF7A  }
0x23: {  	s9 =	sor.u32 $0xD0000000, s2;
	s6 =	simm.s32 $0x108;
	_ =	swait.ge @!p0 [sflag:s8], $0x0  }
0x24: {  	s3 =	sadd.s32 $0x88, s3;
	s6 =	simm.s32 @!p1 $0x1082;
	[sflag:s4] =	ssyncset.s32 $0xFFFFF086  }
0x25: {  	[simem:s6], [sflag:s4] =	dma.local [hbm:s3], $0xF7A  }
0x26: {  	[smem:$0x3F9C] =	sst s1;
	(tag) =	ssettag s2;
	_ =	strace s9  }
0x27: {  	s1 =	sld [smem:$0x3FAC]  }
0x28: {  	s2 =	sld [smem:$0x3FAD]  }
0x29: {  	s4 =	sld [smem:$0x3FAF]  }
0x2a: {  	p0 =	seq.s32 s5, $0x0;
	s5 =	sld [smem:$0x3FB0]  }
0x2b: {  	s6 =	sld [smem:$0x3FB1]  }
0x2c: {  	s7 =	sld [smem:$0x3FB2]  }
0x2d: {  	s3 =	simm.s32 $0x108;
	s8 =	sld [smem:$0x3FB3]  }
0x2e: {  	s3 =	simm.s32 @!p0 $0x1082;
	s9 =	sld [smem:$0x3FB4]  }
0x2f: {  	lr =	sadd.s32 s0, s3;
	s0 =	sld [smem:$0x3FAB]  }
0x30: {  	s3 =	sld [smem:$0x3FAE]  }
0x31: {  	[smem:$0x3FB7] =	sst s10  }
0x32: {  	s10 =	sld [smem:$0x3FB5];
	_ =	sdelay $0x3  }
0x33: {  	p0 =	seq.s32 s10, $0x1;
	s10 =	sld [smem:$0x3FB7];
	_ =	sdelay $0x3  }
0x34: {  	[smem:$0x3FB7] =	sst s10  }
0x35: {  	s10 =	sld [smem:$0x3FB6];
	_ =	sdelay $0x3  }
0x36: {  	p1 =	seq.s32 s10, $0x1;
	s10 =	sld [smem:$0x3FB7];
	_ =	sdelay $0x3  }
0x37: {  	[smem:$0x3FB7] =	sst s10  }
0x38: {  	s10 =	sld [smem:$0x3FB8]  }
0x39: {  	_ = 	snop;
	(pc) =	sbr.ind lr, $3  }
0x3a: {  	_ = 	snop  }
0x3b: {  	_ = 	snop  }
0x3c: {  	p2 =	seq.s32 s10, $0x1;
	s10 =	sld [smem:$0x3FB7]  }
0x3d: {  	_ =	shalt  }
0x3e: {  	_ =	shalt  }
0x3f: {  	_ =	shalt  }
0x40: {  	_ =	shalt  }
0x41: {  	_ =	shalt  }
0x42: {  	_ =	shalt  }
0x43: {  	_ =	shalt  }
0x44: {  	_ =	shalt  }
0x45: {  	_ =	shalt  }
0x46: {  	_ =	shalt  }
0x47: {  	_ =	shalt  }
0x48: {  	_ =	shalt  }
0x49: {  	_ =	shalt  }
0x4a: {  	_ =	shalt  }
0x4b: {  	_ =	shalt  }
0x4c: {  	_ =	shalt  }
0x4d: {  	_ =	shalt  }
0x4e: {  	_ =	shalt  }
0x4f: {  	_ =	shalt  }
0x50: {  	_ =	shalt  }
0x51: {  	_ =	shalt  }
0x52: {  	_ =	shalt  }
0x53: {  	_ =	shalt  }
0x54: {  	_ =	shalt  }
0x55: {  	_ =	shalt  }
0x56: {  	_ =	shalt  }
0x57: {  	_ =	shalt  }
0x58: {  	_ =	shalt  }
0x59: {  	_ =	shalt  }
0x5a: {  	_ =	shalt  }
0x5b: {  	_ =	shalt  }
0x5c: {  	_ =	shalt  }
0x5d: {  	_ =	shalt  }
0x5e: {  	_ =	shalt  }
0x5f: {  	_ =	shalt  }
0x60: {  	_ =	shalt  }
0x61: {  	_ =	shalt  }
0x62: {  	_ =	shalt  }
0x63: {  	_ =	shalt  }
0x64: {  	_ =	shalt  }
0x65: {  	_ =	shalt  }
0x66: {  	_ =	shalt  }
0x67: {  	_ =	shalt  }
0x68: {  	_ =	shalt  }
0x69: {  	_ =	shalt  }
0x6a: {  	_ =	shalt  }
0x6b: {  	_ =	shalt  }
0x6c: {  	_ =	shalt  }
0x6d: {  	_ =	shalt  }
0x6e: {  	_ =	shalt  }
0x6f: {  	_ =	shalt  }
0x70: {  	_ =	shalt  }
0x71: {  	_ =	shalt  }
0x72: {  	_ =	shalt  }
0x73: {  	_ =	shalt  }
0x74: {  	_ =	shalt  }
0x75: {  	_ =	shalt  }
0x76: {  	_ =	shalt  }
0x77: {  	_ =	shalt  }
0x78: {  	_ =	shalt  }
0x79: {  	_ =	shalt  }
0x7a: {  	_ =	shalt  }
0x7b: {  	_ =	shalt  }
0x7c: {  	_ =	shalt  }
0x7d: {  	_ =	shalt  }
0x7e: {  	_ =	shalt  }
0x7f: {  	_ =	shalt  }
0x80: {  	_ =	shalt  }
0x81: {  	_ =	shalt  }
0x82: {  	_ =	shalt  }
0x83: {  	_ =	shalt  }
0x84: {  	_ =	shalt  }
0x85: {  	_ =	shalt  }
0x86: {  	_ =	shalt  }
0x87: {  	_ =	shalt  }
.Lfunc_end0:
.L_simem_size_0:
called_computation_lowered:
.L_overlay_start_0:
0x88: {  	s2 =	sld [smem:$0x3FD9]  }
0x89: {  	s3 =	sld [smem:$0x3FFE];
	_ =	sdelay $0x1  }
0x8a: {  	s1 =	srdreg.scid  }
0x8b: {  	s0 =	sand.u32 $0x1, s1  }
0x8c: {  	s17 =	sshll.u32 s0, $0xA;
	s2 =	sadd.s32 s3, s2  }
0x8d: {  	s2 =	sadd.s32 s2, s17  }
0x8e: {  	[smem:$0x3FC3] =	sst s2  }
0x8f: {  	_ = 	snop  }
0x90: {  	s2 =	sld [smem:$0x3FD0];
	(tm) =	ssettm $0x1  }
0x91: {  	s18 =	sld [smem:$0x3FFB];
	_ =	sdelay $0x3  }
0x92: {  	_ =	strace s18  }
0x93: {  	s3 =	sld [smem:$0x3FFC];
	_ =	sdelay $0x3  }
0x94: {  	_ =	strace s3  }
0x95: {  	s3 =	sld [smem:$0x3FFD];
	_ =	sdelay $0x3  }
0x96: {  	_ =	strace s3  }
0x97: {  	_ =	strace $0x8FFFFFFF  }
0x98: {  	s19 =	sld [smem:$0x3FDB];
	_ =	sdelay $0x1  }
0x99: {  	s4 =	simm.s32 $_scs_section_size  }
0x9a: {  	s5 =	simm.s32 $_size__tile_overlayer_lowered;
	s6 =	simm.s32 $_tile_overlayer_lowered  }
0x9b: {  	s22 =	simm.s32 $0x1BFF;
	s21 =	sshll.u32 s6, $0x1;
	s3 =	sadd.s32 s4, s19  }
0x9c: {  	s7 =	simm.s32 $0x0;
	s20 =	sshll.u32 s5, $0x1;
	s5 =	sadd.s32 s21, s3  }
0x9d: {  	[timem:s7], [sflag:s22] =	dma.local [hbm:s5], s20  }
0x9e: {  	_ =	swait.ge [sflag:s22], s20  }
0x9f: {  	s4 =	ssub.s32 $0x0, s20;
	[sflag:s22] =	ssyncset.done $0x0  }
0xa0: {  	[sflag:s22] =	ssyncadd.s32 s4;
	_ =	sdelay $0x1  }
0xa1: {  	s23 =	simm.s32 $0x1B8B  }
0xa2: {  	_ =	swait.ge [sflag:s23], $0x1  }
0xa3: {  	[sflag:s23] =	ssyncset.done $0x0  }
0xa4: {  	s25 =	simm.s32 $0x1B8E;
	s24 =	sld [smem:$0x3FFE];
	[sflag:s23] =	ssyncadd.s32 $0xFFFFFFFF  }
0xa5: {  	s26 =	simm.s32 $execute0_lowered;
	[smem:$0x3FD2] =	sst s25  }
0xa6: {  	s5 =	sshll.u32 s26, $0x1;
	_ =	strace $0x80000046;
	[dreg:$0x1] =	wrdreg $0xFFFFFFFF  }
0xa7: {  	s28 =	simm.s32 $_size_execute0_lowered;
	s3 =	sadd.s32 s3, s5;
	[dreg:$0x0] =	wrdreg $0x0  }
0xa8: {  	s5 =	sshll.u32 s28, $0x1;
	[dreg:$0x2] =	wrdreg s3  }
0xa9: {  	[dreg:$0x3] =	wrdreg s5  }
0xaa: {  	[dreg:$0x4] =	wrdreg $0xC0  }
0xab: {  	_ =	task [dreg:s7], $0x5FFFF  }
0xac: {  	[dreg:$0x1] =	wrdreg $0xFFFFFFFF  }
0xad: {  	[dreg:$0x0] =	wrdreg $0x60  }
0xae: {  	[dreg:$0x2] =	wrdreg s24  }
0xaf: {  	[dreg:$0x3] =	wrdreg s2  }
0xb0: {  	[dreg:$0x4] =	wrdreg $0x9  }
0xb1: {  	_ =	task.clear_ibuf [dreg:s7], $0x5FFFF;
	_ =	strace $0x90000046  }
0xb2: {  	s29 =	simm.s32 $0x9;
	_ =	strace $0x80000048  }
0xb3: {  	_ =	swait.ge [sflag:s29], $0x1  }
0xb4: {  	[sflag:s29] =	ssyncadd.s32 $0xFFFFFFFF  }
0xb5: {  	_ =	strace $0x90000048  }
0xb6: {  	_ =	sfence  }
0xb7: {  	s30 =	sld [smem:$0x0];
	_ =	sdelay $0x2  }
0xb8: {  	s31 =	sshll.u32 s1, $0xD;
	s1 =	sshrl.u32 s1, $0x2  }
0xb9: {  	s3 =	sand.u32 $0x4000, s31;
	s1 =	sadd.s32 s1, s30  }
0xba: {  	s0 =	sor.u32 s3, s0;
	s1 =	sshll.u32 s1, $0x11  }
0xbb: {  	s0 =	sor.u32 s1, s0  }
0xbc: {  	s0 =	sadd.s32 $0x8F2B, s0  }
0xbd: {  	[sflag:s0] =	ssyncadd.remote.s32 $0x1  }
0xbe: {  	_ =	sfence.sel $0xFFFF  }
0xbf: {  	[dreg:$0x0] =	wrdreg $0xFFFFFFFF;
	(pc) =	sbr.abs _section_cstart, $3  }
0xc0: {  	[dreg:$0x1] =	wrdreg $0xFFFFFFFF  }
0xc1: {  	_ =	task.clear_ibuf [dreg:s7], $0x2FFFF;
	_ =	strace $0x9FFFFFFF  }
0xc2: {  	(tm) =	ssettm $0x7FFFFFFF  }
0xc3: {  	_ =	shalt  }
tec
execute0_lowered:
.L_overlay_start_1:
0x0: {  	(tag) =	ssettag $0x1  }
0x1: {  	s0 =	rddreg [dreg:$0x0]  }
0x2: {  	s1 =	rddreg [dreg:$0x1];
	s3 =	simm.s32 $0x0  }
0x3: {  	s2 =	srdreg.scid;
	s8 =	stileid.u32;
	s22 =	simm.s32 $0x80  }
0x4: {  	s28 =	simm.s32 $0x1D200;
	s29 =	simm.s32 $0x5;
	s30 =	simm.s32 $0x1DE80  }
0x5: {  	s31 =	simm.s32 $0x1;
	s17 =	simm.s32 $0x3;
	s19 =	simm.s32 $0x1C580  }
0x6: {  	s20 =	simm.s32 $0x6;
	s21 =	simm.s32 $0x7;
	[smem:$0x7FF] =	sst s3  }
0x7: {  	s4 =	sadd.s32 $0x15400, s0;
	s2 =	sand.u32 $0x1, s2;
	s6 =	sshll.u32 s8, $0x1  }
0x8: {  	s5 =	sadd.s32 $0xE00, s0;
	s7 =	sadd.s32 $0x3DE00, s0;
	s8 =	sshrl.u32 s8, $0x2  }
0x9: {  	_ =	strace $0x80000047;
	[dreg:$0x3] =	wrdreg s7;
	s10 =	smul.u32 $0xC3800, s8  }
0xa: {  	s6 =	sor.u32 s2, s6;
	s2 =	ssub.s32 $0x2, s2;
	s8 =	smul.u32 $0x64000, s8  }
0xb: {  	s23 =	sshll.u32 s6, $0x1;
	s9 =	sshrl.u32 s2, $0x1;
	s6 =	sshll.u32 s6, $0x7  }
0xc: {  	s7 =	sadd.s32 s23, s0;
	s0 =	sadd.s32 $0xF90, s0;
	[dreg:$0x4] =	wrdreg s8  }
0xd: {  	s2 =	ssub.s32 s2, s9;
	s6 =	sand.u32 $0x380, s6;
	[dreg:$0x8] =	wrdreg s0  }
0xe: {  	s23 =	simm.s32 $0x400;
	s24 =	sadd.s32 $0xC00, s7;
	[dreg:$0x7] =	wrdreg s6  }
0xf: {  	s7 =	sadd.s32 $0xA00, s7;
	s25 =	sor.u32 s6, s10;
	[dreg:$0x5] =	wrdreg s24  }
.Ltmp0:
0x10: {  	s26 =	sor.u32 s6, s8;
	[dreg:$0x6] =	wrdreg s7;
	(pc) =	sbr.rel .LBB2_1-.Ltmp0, $4  }
0x11: {  	s6 =	sor.u32 $0x6400, s6;
	s2 =	smax.u32 s2, $0x1;
	[dreg:$0x9] =	wrdreg s25  }
0x12: {  	s0 =	simm.s32 $0x2;
	s8 =	simm.s32 $0x0;
	[dreg:$0xa] =	wrdreg s6  }
0x13: {  	s13 =	sadd.s32 $0x28A0000, s26;
	[dreg:$0xb] =	wrdreg s2;
	s16 =	sadd.s32 $0x28A6400, s26  }
0x14: {  	s25 =	simm.s32 $0x19380;
	s26 =	simm.s32 $0x4;
	s2 =	simm.s32 $0x1B900  }
.LBB2_16:
0x15: {  	s6 =	simm.s32 $0x8  }
0x16: {  	_ =	swait.ge [sflag:s6], $0xC80  }
0x17: {  	[sflag:s6] =	ssyncset.done $0x0  }
0x18: {  	s7 =	simm.s32 $0x9;
	[sflag:s6] =	ssyncadd.s32 $0xFFFFF380  }
0x19: {  	_ =	swait.ge [sflag:s7], $0xC80  }
0x1a: {  	s8 =	rddreg [dreg:$0xc]  }
0x1b: {  	s24 =	rddreg [dreg:$0xb];
	s8 =	sadd.s32 $0x1, s8  }
0x1c: {  	p0 =	sne.s32 s8, s24  }
.Ltmp1:
0x1d: {  	_ = 	snop;
	(pc) =	sbr.rel @!p0 .LBB2_17-.Ltmp1, $3  }
0x1e: {  	_ =	sdelay $0x1  }
0x1f: {  	[sflag:s7] =	ssyncset.done $0x0  }
0x20: {  	[sflag:s7] =	ssyncadd.s32 $0xFFFFF380  }
.LBB2_1:
0x21: {  	[dreg:$0xc] =	wrdreg s8  }
0x22: {  	s6 =	rddreg [dreg:$0x5];
	s7 =	simm.s32 $0x1ED00;
	s11 =	simm.s32 $0xA  }
0x23: {  	[tilespmem:s7], [sflag:$0xA] =	stream.linear.gather [hbm4b:s6+s3], $0x10, $0x38;
	[tilespmem:$0x1ED20] =	vst v63  }
0x24: {  	_ =	swait.ge [sflag:s11], $0x10  }
0x25: {  	[sflag:s11] =	ssyncset.done $0x0  }
0x26: {  	s14 =	simm.s32 $0x1ED10;
	s12 =	rddreg [dreg:$0x6];
	[sflag:s11] =	ssyncadd.s32 $0xFFFFFFF0  }
0x27: {  	[tilespmem:s14], [sflag:$0xA] =	stream.linear.gather [hbm4b:s12+s3], $0x10, $0x38;
	[tilespmem:$0x1ED20] =	vst v63  }
0x28: {  	_ =	swait.ge [sflag:s11], $0x10  }
0x29: {  	[sflag:s11] =	ssyncset.done $0x0  }
0x2a: {  	[sflag:s11] =	ssyncadd.s32 $0xFFFFFFF0  }
0x2b: {  	v0 =	vld [tilespmem:$0x1ED00]  }
0x2c: {  	v1 =	vld [tilespmem:$0x1ED10];
	_ =	sdelay $0x3  }
0x2d: {  	v2 =	vbroadcast v0, $0x0  }
0x2e: {  	v3 =	vbroadcast v1, $0x0  }
0x2f: {  	v42 =	vbroadcast v0, $0x1;
	[tilespmem:$0x1EB00] =	vst v2  }
0x30: {  	v43 =	vbroadcast v1, $0x1;
	[tilespmem:$0x1EC00] =	vst v3  }
0x31: {  	v44 =	vbroadcast v0, $0x2;
	[tilespmem:$0x1EB10] =	vst v42  }
0x32: {  	v45 =	vbroadcast v1, $0x2;
	[tilespmem:$0x1EC10] =	vst v43  }
0x33: {  	v46 =	vbroadcast v0, $0x3;
	[tilespmem:$0x1EB20] =	vst v44  }
0x34: {  	v47 =	vbroadcast v1, $0x3;
	[tilespmem:$0x1EC20] =	vst v45  }
0x35: {  	v48 =	vbroadcast v0, $0x4;
	[tilespmem:$0x1EB30] =	vst v46  }
0x36: {  	v49 =	vbroadcast v1, $0x4;
	[tilespmem:$0x1EC30] =	vst v47  }
0x37: {  	v50 =	vbroadcast v0, $0x5;
	[tilespmem:$0x1EB40] =	vst v48  }
0x38: {  	v51 =	vbroadcast v1, $0x5;
	[tilespmem:$0x1EC40] =	vst v49  }
0x39: {  	v52 =	vbroadcast v0, $0x6;
	[tilespmem:$0x1EB50] =	vst v50  }
0x3a: {  	v53 =	vbroadcast v1, $0x6;
	[tilespmem:$0x1EC50] =	vst v51  }
0x3b: {  	v54 =	vbroadcast v0, $0x7;
	[tilespmem:$0x1EB60] =	vst v52  }
0x3c: {  	v55 =	vbroadcast v1, $0x7;
	[tilespmem:$0x1EC60] =	vst v53  }
0x3d: {  	v56 =	vbroadcast v0, $0x8;
	[tilespmem:$0x1EB70] =	vst v54  }
0x3e: {  	v57 =	vbroadcast v1, $0x8;
	[tilespmem:$0x1EC70] =	vst v55  }
0x3f: {  	v58 =	vbroadcast v0, $0x9;
	[tilespmem:$0x1EB80] =	vst v56  }
0x40: {  	v59 =	vbroadcast v1, $0x9;
	[tilespmem:$0x1EC80] =	vst v57  }
0x41: {  	v60 =	vbroadcast v0, $0xA;
	[tilespmem:$0x1EB90] =	vst v58  }
0x42: {  	v61 =	vbroadcast v1, $0xA;
	[tilespmem:$0x1EC90] =	vst v59  }
0x43: {  	v62 =	vbroadcast v0, $0xB;
	[tilespmem:$0x1EBA0] =	vst v60  }
0x44: {  	v63 =	vbroadcast v1, $0xB;
	[tilespmem:$0x1ECA0] =	vst v61  }
0x45: {  	v0 =	vbroadcast v0, $0xC;
	[tilespmem:$0x1EBB0] =	vst v62  }
0x46: {  	v1 =	vbroadcast v1, $0xC;
	[tilespmem:$0x1ECB0] =	vst v63  }
.Ltmp2:
0x47: {  	[tilespmem:$0x1EBC0] =	vst v0;
	(pc) =	sbr.rel .LBB2_2-.Ltmp2, $4  }
0x48: {  	s15 =	simm.s32 $0x1A000;
	s24 =	simm.s32 $0x1AC80;
	[tilespmem:$0x1ECC0] =	vst v1  }
0x49: {  	[tilespmem:s15], [sflag:$0x4] =	stream.linear.gather [hbm4b:s5+s3], $0xC80, $0x38;
	[tilespmem:$0x1ED20] =	vst v63  }
0x4a: {  	s8 =	simm.s32 $0x0;
	s18 =	rddreg [dreg:$0x8];
	s15 =	simm.s32 $0x4  }
0x4b: {  	[tilespmem:s24], [sflag:$0x5] =	stream.linear.gather [hbm4b:s18+s3], $0xC80, $0x38;
	[tilespmem:$0x1ED20] =	vst v63  }
.LBB2_15:
0x4c: {  	s8 =	sadd.s32 $0x1, s8  }
0x4d: {  	_ =	swait.ge [sflag:s20], $0xC80;
	p0 =	sne.s32 s8, $0x1A  }
.Ltmp3:
0x4e: {  	[sflag:s20] =	ssyncset.done $0x0;
	(pc) =	sbr.rel @!p0 .LBB2_16-.Ltmp3, $4  }
0x4f: {  	[sflag:s20] =	ssyncadd.s32 $0xFFFFF380  }
0x50: {  	_ =	swait.ge [sflag:s21], $0xC80  }
0x51: {  	[sflag:s21] =	ssyncset.done $0x0  }
0x52: {  	s15 =	sadd.s32 $0x4, s15;
	[sflag:s21] =	ssyncadd.s32 $0xFFFFF380  }
.LBB2_2:
0x53: {  	s6 =	smul.u32 $0x30E000, s8  }
0x54: {  	s7 =	rddreg [dreg:$0x9]  }
0x55: {  	s9 =	smul.u32 $0xC800, s8;
	s6 =	sadd.s32 s7, s6  }
0x56: {  	s14 =	rddreg [dreg:$0x3];
	s6 =	sshrl.u32 s6, $0x3  }
0x57: {  	s18 =	sshrl.u32 s9, $0x3;
	s6 =	sadd.s32 s14, s6  }
0x58: {  	[tilespmem:s3], [sflag:$0x1] =	stream.strided.gather [hbm4b:s6+s22], $0x18700, s23, s22, $0x38;
	[tilespmem:$0x1ED20] =	vst v63  }
0x59: {  	s24 =	simm.s32 $0x18700;
	s6 =	sadd.s32 s4, s18  }
0x5a: {  	[tilespmem:s24], [sflag:$0x2] =	stream.linear.gather [hbm4b:s6+s3], $0xC80, $0x38;
	[tilespmem:$0x1ED20] =	vst v63  }
0x5b: {  	s18 =	sshll.u32 s8, $0x2;
	s6 =	sadd.s32 $0x190, s6  }
0x5c: {  	[tilespmem:s25], [sflag:$0x3] =	stream.linear.gather [hbm4b:s6+s3], $0xC80, $0x38;
	[tilespmem:$0x1ED20] =	vst v63  }
.LBB2_3:
0x5d: {  	_ =	swait.ge [sflag:s26], $0xC80  }
0x5e: {  	p1 =	seq.s32 s18, $0x0;
	[sflag:s26] =	ssyncset.done $0x0  }
0x5f: {  	s6 =	simm.s32 @!p1 $0x8;
	[sflag:s26] =	ssyncadd.s32 $0xFFFFF380  }
0x60: {  	_ =	swait.ge @!p1 [sflag:s6], $0xC80  }
0x61: {  	s24 =	sshrl.u32 s18, $0x3;
	[sflag:s6] =	ssyncset.done @!p1 $0x0  }
0x62: {  	s14 =	sshll.u32 s24, $0x4;
	[sflag:s6] =	ssyncadd.s32 @!p1 $0xFFFFF380  }
0x63: {  	v1 =	vld [tilespmem:s14+$0x1EB00]  }
0x64: {  	s12 =	simm.s32 $0x0;
	v0 =	vld [tilespmem:s14+$0x1EC00]  }
0x65: {  	v2 =	vld [tilespmem:s12+$0x1A070]  }
0x66: {  	v3 =	vld [tilespmem:s12+$0x1A000]  }
0x67: {  	v4 =	vld [tilespmem:s12+$0x1A010]  }
0x68: {  	v5 =	vld [tilespmem:s12+$0x1A020]  }
0x69: {  	v6 =	vld [tilespmem:s12+$0x1A030]  }
0x6a: {  	v7 =	vld [tilespmem:s12+$0x1A040];
	v2 =	vmul.f32 v2, v1  }
0x6b: {  	v8 =	vld [tilespmem:s12+$0x1A050];
	v3 =	vmul.f32 v3, v1  }
0x6c: {  	s7 =	simm.s32 $0x80;
	v9 =	vld [tilespmem:s12+$0x1A060];
	v4 =	vmul.f32 v4, v1;
	v2 =	vadd.f32 v2, v0  }
0x6d: {  	v10 =	vld [tilespmem:s7+$0x1A070];
	v3 =	vadd.f32 v3, v0  }
0x6e: {  	v11 =	vld [tilespmem:s7+$0x1A000];
	v4 =	vadd.f32 v4, v0;
	[tilespmem:s12+$0x1D270] =	vst v2;
	v2 =	vmul.f32 v5, v1  }
0x6f: {  	v6 =	vmul.f32 v6, v1;
	v12 =	vld [tilespmem:s7+$0x1A010];
	[tilespmem:s12+$0x1D200] =	vst v3  }
0x70: {  	v5 =	vld [tilespmem:s7+$0x1A020];
	v2 =	vadd.f32 v2, v0;
	[tilespmem:s12+$0x1D210] =	vst v4;
	v4 =	vmul.f32 v7, v1  }
0x71: {  	v6 =	vadd.f32 v6, v0;
	v7 =	vmul.f32 v8, v1  }
0x72: {  	v9 =	vmul.f32 v9, v1;
	v3 =	vld [tilespmem:s7+$0x1A030];
	[tilespmem:s12+$0x1D220] =	vst v2;
	v8 =	vadd.f32 v4, v0  }
0x73: {  	v10 =	vmul.f32 v10, v1;
	v13 =	vadd.f32 v7, v0;
	v2 =	vld [tilespmem:s7+$0x1A040];
	[tilespmem:s12+$0x1D230] =	vst v6  }
0x74: {  	s6 =	sshll.u32 s18, $0x1;
	v9 =	vadd.f32 v9, v0;
	v7 =	vmul.f32 v11, v1;
	v4 =	vld [tilespmem:s7+$0x1A050];
	[tilespmem:s12+$0x1D240] =	vst v8  }
0x75: {  	s10 =	simm.s32 $0x100;
	s11 =	sand.u32 $0xE, s6;
	s14 =	simm.s32 $0x600;
	v10 =	vadd.f32 v10, v0;
	v8 =	vmul.f32 v12, v1;
	v6 =	vld [tilespmem:s7+$0x1A060];
	[tilespmem:s12+$0x1D250] =	vst v13  }
.LBB2_4:
0x76: {  	p0 =	sne.s32 s14, $0x3000;
	v11 =	vld [tilespmem:s10+$0x1A070];
	v7 =	vadd.f32 v7, v0;
	v5 =	vmul.f32 v5, v1;
	[tilespmem:s12+$0x1D260] =	vst v9;
	s12 =	smov.u32 s7;
	s7 =	smov.u32 s10  }
0x77: {  	v9 =	vld [tilespmem:s7+$0x1A000];
	v8 =	vadd.f32 v8, v0;
	v3 =	vmul.f32 v3, v1;
	[tilespmem:s12+$0x1D270] =	vst v10  }
0x78: {  	v10 =	vld [tilespmem:s7+$0x1A010];
	[tilespmem:s12+$0x1D200] =	vst v7;
	v7 =	vadd.f32 v5, v0;
	v2 =	vmul.f32 v2, v1  }
.Ltmp4:
0x79: {  	v5 =	vld [tilespmem:s7+$0x1A020];
	[tilespmem:s12+$0x1D210] =	vst v8;
	v8 =	vadd.f32 v3, v0;
	v4 =	vmul.f32 v4, v1;
	(pc) =	sbr.rel @p0 .LBB2_4-.Ltmp4, $4  }
0x7a: {  	v3 =	vld [tilespmem:s7+$0x1A030];
	[tilespmem:s12+$0x1D220] =	vst v7;
	v12 =	vadd.f32 v2, v0;
	v6 =	vmul.f32 v6, v1  }
0x7b: {  	v2 =	vld [tilespmem:s7+$0x1A040];
	v11 =	vmul.f32 v11, v1;
	[tilespmem:s12+$0x1D230] =	vst v8;
	v13 =	vadd.f32 v4, v0  }
0x7c: {  	v7 =	vmul.f32 v9, v1;
	v4 =	vld [tilespmem:s7+$0x1A050];
	[tilespmem:s12+$0x1D240] =	vst v12;
	v9 =	vadd.f32 v6, v0  }
0x7d: {  	s10 =	sshra.s32 s14, $0x2;
	s14 =	sadd.s32 $0x200, s14;
	v8 =	vmul.f32 v10, v1;
	v6 =	vld [tilespmem:s7+$0x1A060];
	v10 =	vadd.f32 v11, v0;
	[tilespmem:s12+$0x1D250] =	vst v13  }
0x7e: {  	v11 =	vld [tilespmem:s10+$0x1A070];
	[tilespmem:s12+$0x1D260] =	vst v9;
	v7 =	vadd.f32 v7, v0;
	v5 =	vmul.f32 v5, v1  }
0x7f: {  	v9 =	vld [tilespmem:s10+$0x1A000];
	[tilespmem:s7+$0x1D270] =	vst v10;
	v8 =	vadd.f32 v8, v0;
	v3 =	vmul.f32 v3, v1  }
0x80: {  	v10 =	vld [tilespmem:s10+$0x1A010];
	[tilespmem:s7+$0x1D200] =	vst v7;
	v5 =	vadd.f32 v5, v0  }
0x81: {  	v2 =	vmul.f32 v2, v1;
	v7 =	vld [tilespmem:s10+$0x1A020];
	[tilespmem:s7+$0x1D210] =	vst v8;
	v3 =	vadd.f32 v3, v0  }
0x82: {  	v4 =	vmul.f32 v4, v1;
	v8 =	vld [tilespmem:s10+$0x1A030];
	[tilespmem:s7+$0x1D220] =	vst v5  }
0x83: {  	v2 =	vadd.f32 v2, v0;
	v5 =	vld [tilespmem:s10+$0x1A040];
	[tilespmem:s7+$0x1D230] =	vst v3;
	v3 =	vmul.f32 v6, v1  }
0x84: {  	v11 =	vmul.f32 v11, v1;
	v4 =	vadd.f32 v4, v0  }
0x85: {  	v6 =	vld [tilespmem:s10+$0x1A050];
	[tilespmem:s7+$0x1D240] =	vst v2;
	v2 =	vmul.f32 v9, v1;
	v3 =	vadd.f32 v3, v0  }
0x86: {  	v9 =	vld [tilespmem:s10+$0x1A060];
	v10 =	vmul.f32 v10, v1;
	v11 =	vadd.f32 v11, v0;
	[tilespmem:s7+$0x1D250] =	vst v4  }
0x87: {  	v2 =	vadd.f32 v2, v0;
	v4 =	vmul.f32 v7, v1;
	[tilespmem:s7+$0x1D260] =	vst v3  }
0x88: {  	v3 =	vadd.f32 v10, v0;
	v7 =	vmul.f32 v8, v1;
	[tilespmem:s10+$0x1D270] =	vst v11  }
0x89: {  	[tilespmem:s10+$0x1D200] =	vst v2;
	v2 =	vadd.f32 v4, v0;
	v4 =	vmul.f32 v5, v1  }
0x8a: {  	s11 =	smul.u32 $0x6400, s11;
	[tilespmem:s10+$0x1D210] =	vst v3;
	v3 =	vadd.f32 v7, v0;
	v5 =	vmul.f32 v6, v1  }
0x8b: {  	p0 =	sgt.u32 s18, $0x66;
	s7 =	smul.u32 $0x190000, s24;
	[tilespmem:s10+$0x1D220] =	vst v2;
	v2 =	vadd.f32 v4, v0;
	v1 =	vmul.f32 v9, v1  }
0x8c: {  	s14 =	sadd.s32 @!p0 $0x2, s6;
	s12 =	sadd.s32 s11, s13;
	[tilespmem:s10+$0x1D230] =	vst v3;
	v3 =	vadd.f32 v5, v0  }
0x8d: {  	s7 =	sadd.s32 s7, s12;
	s12 =	sshrl.u32 @!p0 s14, $0x4;
	[tilespmem:s10+$0x1D240] =	vst v2;
	v0 =	vadd.f32 v1, v0  }
0x8e: {  	s14 =	sand.u32 @!p0 $0xE, s14;
	s7 =	sshrl.u32 s7, $0x3;
	s12 =	smul.u32 @!p0 $0xC800, s12;
	[tilespmem:s10+$0x1D250] =	vst v3  }
0x8f: {  	s7 =	sadd.s32 s1, s7;
	[tilespmem:s10+$0x1D260] =	vst v0;
	s10 =	smul.u32 @!p0 $0xC80, s14  }
0x90: {  	[hbm4b:s7+s22] =	stream.strided.scatter [tilespmem:s28], [sflag:$0x8], $0xC80, s23, s22, $0x38;
	[tilespmem:$0x1ED20] =	vst v63  }
0x91: {  	s7 =	sadd.s32 @!p0 s10, s12  }
0x92: {  	s7 =	sshrl.u32 @!p0 s7, $0x3  }
0x93: {  	s10 =	simm.s32 @!p0 $0x0;
	s12 =	simm.s32 @!p0 $0x1A000;
	s7 =	sadd.s32 @!p0 s5, s7  }
0x94: {  	[tilespmem:s12], [sflag:$0x4] =	stream.linear.gather @!p0 [hbm4b:s7+s10], $0xC80, $0x38;
	[tilespmem:$0x1ED20] =	vst v63  }
0x95: {  	_ =	swait.ge [sflag:s29], $0xC80  }
0x96: {  	[sflag:s29] =	ssyncset.done $0x0  }
0x97: {  	s10 =	simm.s32 @!p1 $0x9;
	[sflag:s29] =	ssyncadd.s32 $0xFFFFF380  }
0x98: {  	s14 =	sshra.s32 s6, $0x1F;
	_ =	swait.ge @!p1 [sflag:s10], $0xC80  }
0x99: {  	s7 =	sadd.s32 s14, s24;
	[sflag:s10] =	ssyncset.done @!p1 $0x0  }
0x9a: {  	s24 =	sshll.u32 s7, $0x4;
	[sflag:s10] =	ssyncadd.s32 @!p1 $0xFFFFF380  }
0x9b: {  	v1 =	vld [tilespmem:s24+$0x1EB00]  }
0x9c: {  	s12 =	simm.s32 $0x0;
	v0 =	vld [tilespmem:s24+$0x1EC00]  }
0x9d: {  	v2 =	vld [tilespmem:s12+$0x1ACF0]  }
0x9e: {  	v3 =	vld [tilespmem:s12+$0x1AC80]  }
0x9f: {  	v4 =	vld [tilespmem:s12+$0x1AC90]  }
0xa0: {  	v5 =	vld [tilespmem:s12+$0x1ACA0]  }
0xa1: {  	v6 =	vld [tilespmem:s12+$0x1ACB0]  }
0xa2: {  	v7 =	vld [tilespmem:s12+$0x1ACC0];
	v2 =	vmul.f32 v2, v1  }
0xa3: {  	v8 =	vld [tilespmem:s12+$0x1ACD0];
	v3 =	vmul.f32 v3, v1  }
0xa4: {  	s24 =	simm.s32 $0x80;
	v9 =	vld [tilespmem:s12+$0x1ACE0];
	v4 =	vmul.f32 v4, v1;
	v2 =	vadd.f32 v2, v0  }
0xa5: {  	v10 =	vld [tilespmem:s24+$0x1ACF0];
	v3 =	vadd.f32 v3, v0  }
0xa6: {  	v11 =	vld [tilespmem:s24+$0x1AC80];
	v4 =	vadd.f32 v4, v0;
	[tilespmem:s12+$0x1DEF0] =	vst v2;
	v2 =	vmul.f32 v5, v1  }
0xa7: {  	v6 =	vmul.f32 v6, v1;
	v12 =	vld [tilespmem:s24+$0x1AC90];
	[tilespmem:s12+$0x1DE80] =	vst v3  }
0xa8: {  	v5 =	vld [tilespmem:s24+$0x1ACA0];
	v2 =	vadd.f32 v2, v0;
	[tilespmem:s12+$0x1DE90] =	vst v4;
	v4 =	vmul.f32 v7, v1  }
0xa9: {  	v6 =	vadd.f32 v6, v0;
	v7 =	vmul.f32 v8, v1  }
0xaa: {  	v9 =	vmul.f32 v9, v1;
	v3 =	vld [tilespmem:s24+$0x1ACB0];
	[tilespmem:s12+$0x1DEA0] =	vst v2;
	v8 =	vadd.f32 v4, v0  }
0xab: {  	v10 =	vmul.f32 v10, v1;
	v13 =	vadd.f32 v7, v0;
	v2 =	vld [tilespmem:s24+$0x1ACC0];
	[tilespmem:s12+$0x1DEB0] =	vst v6  }
0xac: {  	v9 =	vadd.f32 v9, v0;
	v7 =	vmul.f32 v11, v1;
	v4 =	vld [tilespmem:s24+$0x1ACD0];
	[tilespmem:s12+$0x1DEC0] =	vst v8  }
0xad: {  	s14 =	simm.s32 $0x600;
	s10 =	simm.s32 $0x100;
	v10 =	vadd.f32 v10, v0;
	v8 =	vmul.f32 v12, v1;
	v6 =	vld [tilespmem:s24+$0x1ACE0];
	[tilespmem:s12+$0x1DED0] =	vst v13  }
.LBB2_6:
0xae: {  	p1 =	sne.s32 s14, $0x3000;
	v11 =	vld [tilespmem:s10+$0x1ACF0];
	v7 =	vadd.f32 v7, v0;
	v5 =	vmul.f32 v5, v1;
	[tilespmem:s12+$0x1DEE0] =	vst v9;
	s12 =	smov.u32 s24;
	s24 =	smov.u32 s10  }
0xaf: {  	v9 =	vld [tilespmem:s24+$0x1AC80];
	v8 =	vadd.f32 v8, v0;
	v3 =	vmul.f32 v3, v1;
	[tilespmem:s12+$0x1DEF0] =	vst v10  }
0xb0: {  	v10 =	vld [tilespmem:s24+$0x1AC90];
	[tilespmem:s12+$0x1DE80] =	vst v7;
	v7 =	vadd.f32 v5, v0;
	v2 =	vmul.f32 v2, v1  }
.Ltmp5:
0xb1: {  	v5 =	vld [tilespmem:s24+$0x1ACA0];
	[tilespmem:s12+$0x1DE90] =	vst v8;
	v8 =	vadd.f32 v3, v0;
	v4 =	vmul.f32 v4, v1;
	(pc) =	sbr.rel @p1 .LBB2_6-.Ltmp5, $4  }
0xb2: {  	v3 =	vld [tilespmem:s24+$0x1ACB0];
	[tilespmem:s12+$0x1DEA0] =	vst v7;
	v12 =	vadd.f32 v2, v0;
	v6 =	vmul.f32 v6, v1  }
0xb3: {  	v2 =	vld [tilespmem:s24+$0x1ACC0];
	v11 =	vmul.f32 v11, v1;
	[tilespmem:s12+$0x1DEB0] =	vst v8;
	v13 =	vadd.f32 v4, v0  }
0xb4: {  	v7 =	vmul.f32 v9, v1;
	v4 =	vld [tilespmem:s24+$0x1ACD0];
	[tilespmem:s12+$0x1DEC0] =	vst v12;
	v9 =	vadd.f32 v6, v0  }
0xb5: {  	s10 =	sshra.s32 s14, $0x2;
	s14 =	sadd.s32 $0x200, s14;
	v8 =	vmul.f32 v10, v1;
	v6 =	vld [tilespmem:s24+$0x1ACE0];
	v10 =	vadd.f32 v11, v0;
	[tilespmem:s12+$0x1DED0] =	vst v13  }
0xb6: {  	v11 =	vld [tilespmem:s10+$0x1ACF0];
	[tilespmem:s12+$0x1DEE0] =	vst v9;
	v7 =	vadd.f32 v7, v0;
	v5 =	vmul.f32 v5, v1  }
0xb7: {  	v9 =	vld [tilespmem:s10+$0x1AC80];
	[tilespmem:s24+$0x1DEF0] =	vst v10;
	v8 =	vadd.f32 v8, v0;
	v3 =	vmul.f32 v3, v1  }
0xb8: {  	v10 =	vld [tilespmem:s10+$0x1AC90];
	[tilespmem:s24+$0x1DE80] =	vst v7;
	v5 =	vadd.f32 v5, v0;
	v2 =	vmul.f32 v2, v1  }
0xb9: {  	v7 =	vld [tilespmem:s10+$0x1ACA0];
	[tilespmem:s24+$0x1DE90] =	vst v8;
	v3 =	vadd.f32 v3, v0;
	v4 =	vmul.f32 v4, v1  }
0xba: {  	v8 =	vld [tilespmem:s10+$0x1ACB0];
	[tilespmem:s24+$0x1DEA0] =	vst v5;
	v2 =	vadd.f32 v2, v0;
	v49 =	vmul.f32 v6, v1  }
0xbb: {  	v5 =	vld [tilespmem:s10+$0x1ACC0];
	[tilespmem:s24+$0x1DEB0] =	vst v3;
	v11 =	vmul.f32 v11, v1;
	v4 =	vadd.f32 v4, v0  }
0xbc: {  	v50 =	vld [tilespmem:s10+$0x1ACD0];
	[tilespmem:s24+$0x1DEC0] =	vst v2;
	v51 =	vmul.f32 v9, v1;
	v3 =	vadd.f32 v49, v0  }
0xbd: {  	v52 =	vld [tilespmem:s10+$0x1ACE0];
	v10 =	vmul.f32 v10, v1;
	v11 =	vadd.f32 v11, v0;
	[tilespmem:s24+$0x1DED0] =	vst v4  }
0xbe: {  	v2 =	vadd.f32 v51, v0;
	v53 =	vmul.f32 v7, v1;
	[tilespmem:s24+$0x1DEE0] =	vst v3  }
0xbf: {  	s7 =	smul.u32 $0x190000, s7;
	v54 =	vadd.f32 v10, v0;
	v55 =	vmul.f32 v8, v1;
	[tilespmem:s10+$0x1DEF0] =	vst v11  }
0xc0: {  	s11 =	sadd.s32 s16, s11;
	s6 =	sadd.s32 @!p0 $0x3, s6;
	[tilespmem:s10+$0x1DE80] =	vst v2;
	v56 =	vadd.f32 v53, v0;
	v57 =	vmul.f32 v5, v1  }
0xc1: {  	s7 =	sadd.s32 s7, s11;
	s11 =	sshrl.u32 @!p0 s6, $0x4;
	[tilespmem:s10+$0x1DE90] =	vst v54;
	v58 =	vadd.f32 v55, v0;
	v59 =	vmul.f32 v50, v1  }
0xc2: {  	s6 =	sand.u32 @!p0 $0xF, s6;
	s11 =	smul.u32 @!p0 $0xC800, s11;
	[tilespmem:s10+$0x1DEA0] =	vst v56;
	v60 =	vadd.f32 v57, v0;
	v61 =	vmul.f32 v52, v1  }
0xc3: {  	s6 =	smul.u32 @!p0 $0xC80, s6;
	[tilespmem:s10+$0x1DEB0] =	vst v58;
	v62 =	vadd.f32 v59, v0  }
0xc4: {  	[tilespmem:s10+$0x1DEC0] =	vst v60;
	v63 =	vadd.f32 v61, v0  }
0xc5: {  	s7 =	sshrl.u32 s7, $0x3;
	s6 =	sadd.s32 @!p0 s6, s11;
	[tilespmem:s10+$0x1DED0] =	vst v62  }
0xc6: {  	s18 =	sadd.s32 $0x1, s18;
	s7 =	sadd.s32 s1, s7;
	s6 =	sshrl.u32 @!p0 s6, $0x3;
	[tilespmem:s10+$0x1DEE0] =	vst v63  }
0xc7: {  	[hbm4b:s7+s22] =	stream.strided.scatter [tilespmem:s30], [sflag:$0x9], $0xC80, s23, s22, $0x38;
	[tilespmem:$0x1ED20] =	vst v63  }
0xc8: {  	s6 =	sadd.s32 @!p0 s5, s6;
	s10 =	simm.s32 @!p0 $0x1AC80;
	s7 =	simm.s32 @!p0 $0x0  }
0xc9: {  	[tilespmem:s10], [sflag:$0x5] =	stream.linear.gather @!p0 [hbm4b:s6+s7], $0xC80, $0x38;
	[tilespmem:$0x1ED20] =	vst v63  }
0xca: {  	p0 =	sne.s32 s18, s15  }
.Ltmp6:
0xcb: {  	_ = 	snop;
	(pc) =	sbr.rel @p0 .LBB2_3-.Ltmp6, $1  }
0xcc: {  	_ =	sdelay $0x3  }
0xcd: {  	_ =	swait.ge [sflag:s31], $0x18700  }
0xce: {  	s6 =	smul.u32 $0x190000, s8;
	s11 =	sadd.s32 $0x1900, s9;
	s7 =	rddreg [dreg:$0x4]  }
0xcf: {  	s9 =	sadd.s32 $0x2580, s9;
	[sflag:s31] =	ssyncset.done $0x0;
	s18 =	rddreg [dreg:$0x7]  }
0xd0: {  	s24 =	rddreg [dreg:$0xa];
	s6 =	sadd.s32 s7, s6;
	[sflag:s31] =	ssyncadd.s32 $0xFFFE7900  }
0xd1: {  	s18 =	sor.u32 s18, s6;
	s24 =	sadd.s32 s6, s24;
	s6 =	simm.s32 $0x0  }
.LBB2_9:
0xd2: {  	_ =	swait.ge [sflag:s0], $0xC80  }
0xd3: {  	p0 =	seq.s32 s6, $0x0;
	[sflag:s0] =	ssyncset.done $0x0  }
0xd4: {  	s7 =	simm.s32 @!p0 $0x6;
	[sflag:s0] =	ssyncadd.s32 $0xFFFFF380  }
0xd5: {  	_ =	swait.ge @!p0 [sflag:s7], $0xC80  }
0xd6: {  	[sflag:s7] =	ssyncset.done @!p0 $0x0  }
0xd7: {  	[sflag:s7] =	ssyncadd.s32 @!p0 $0xFFFFF380;
	s7 =	simm.s32 $0x0  }
0xd8: {  	v0 =	vld [tilespmem:s7+$0x18700];
	_ =	sdelay $0x5  }
0xd9: {  	v1 =	vld [tilespmem:s7+$0x18710];
	_ =	sdelay $0x1  }
0xda: {  	v0 =	vld.idx.msk [tilespmem:v0+s3+$0x0], $0xffff;
	_ =	sdelay $0x4  }
0xdb: {  	[tilespmem:s7+$0x1B900] =	vst v0;
	v0 =	vld [tilespmem:s7+$0x18720]  }
0xdc: {  	v1 =	vld.idx.msk [tilespmem:v1+s3+$0x0], $0xffff;
	_ =	sdelay $0x4  }
0xdd: {  	[tilespmem:s7+$0x1B910] =	vst v1;
	v1 =	vld [tilespmem:s7+$0x18730];
	_ =	sdelay $0x1  }
0xde: {  	v0 =	vld.idx.msk [tilespmem:v0+s3+$0x0], $0xffff;
	_ =	sdelay $0x4  }
0xdf: {  	[tilespmem:s7+$0x1B920] =	vst v0;
	v0 =	vld [tilespmem:s7+$0x18740]  }
0xe0: {  	v1 =	vld.idx.msk [tilespmem:v1+s3+$0x0], $0xffff;
	_ =	sdelay $0x4  }
0xe1: {  	[tilespmem:s7+$0x1B930] =	vst v1;
	v1 =	vld [tilespmem:s7+$0x18750];
	_ =	sdelay $0x1  }
0xe2: {  	v0 =	vld.idx.msk [tilespmem:v0+s3+$0x0], $0xffff;
	_ =	sdelay $0x4  }
0xe3: {  	v2 =	vld [tilespmem:s7+$0x18760];
	[tilespmem:s7+$0x1B940] =	vst v0  }
0xe4: {  	v0 =	vld.idx.msk [tilespmem:v1+s3+$0x0], $0xffff;
	_ =	sdelay $0x4  }
0xe5: {  	[tilespmem:s7+$0x1B950] =	vst v0;
	v0 =	vld [tilespmem:s7+$0x18770];
	_ =	sdelay $0x1  }
0xe6: {  	v1 =	vld.idx.msk [tilespmem:v2+s3+$0x0], $0xffff;
	_ =	sdelay $0x3  }
0xe7: {  	s10 =	simm.s32 $0x80;
	s12 =	simm.s32 $0x400  }
.LBB2_10:
0xe8: {  	p0 =	sne.s32 s12, $0x3000;
	v2 =	vld [tilespmem:s10+$0x18700];
	[tilespmem:s7+$0x1B960] =	vst v1  }
0xe9: {  	v0 =	vld.idx.msk [tilespmem:v0+s3+$0x0], $0xffff;
	_ =	sdelay $0x5  }
0xea: {  	v1 =	vld [tilespmem:s10+$0x18710];
	[tilespmem:s7+$0x1B970] =	vst v0;
	s7 =	smov.u32 s10  }
0xeb: {  	v0 =	vld.idx.msk [tilespmem:v2+s3+$0x0], $0xffff;
	_ =	sdelay $0x5  }
0xec: {  	[tilespmem:s7+$0x1B900] =	vst v0;
	v0 =	vld [tilespmem:s7+$0x18720]  }
0xed: {  	v1 =	vld.idx.msk [tilespmem:v1+s3+$0x0], $0xffff;
	_ =	sdelay $0x5  }
0xee: {  	[tilespmem:s7+$0x1B910] =	vst v1;
	v1 =	vld [tilespmem:s7+$0x18730]  }
0xef: {  	v0 =	vld.idx.msk [tilespmem:v0+s3+$0x0], $0xffff;
	_ =	sdelay $0x5  }
0xf0: {  	[tilespmem:s7+$0x1B920] =	vst v0;
	v0 =	vld [tilespmem:s7+$0x18740]  }
0xf1: {  	v1 =	vld.idx.msk [tilespmem:v1+s3+$0x0], $0xffff;
	_ =	sdelay $0x5  }
0xf2: {  	[tilespmem:s7+$0x1B930] =	vst v1;
	v1 =	vld [tilespmem:s7+$0x18750]  }
0xf3: {  	v0 =	vld.idx.msk [tilespmem:v0+s3+$0x0], $0xffff;
	_ =	sdelay $0x5  }
0xf4: {  	[tilespmem:s7+$0x1B940] =	vst v0;
	v2 =	vld [tilespmem:s7+$0x18760]  }
0xf5: {  	v0 =	vld.idx.msk [tilespmem:v1+s3+$0x0], $0xffff;
	_ =	sdelay $0x5  }
0xf6: {  	[tilespmem:s7+$0x1B950] =	vst v0;
	v0 =	vld [tilespmem:s7+$0x18770]  }
0xf7: {  	v1 =	vld.idx.msk [tilespmem:v2+s3+$0x0], $0xffff  }
.Ltmp7:
0xf8: {  	(pc) =	sbr.rel @p0 .LBB2_10-.Ltmp7, $2  }
0xf9: {  	_ =	sdelay $0x2  }
0xfa: {  	s10 =	sshra.s32 s12, $0x2;
	s12 =	sadd.s32 $0x200, s12  }
0xfb: {  	_ =	sdelay $0x1  }
0xfc: {  	v2 =	vld [tilespmem:s10+$0x18700]  }
0xfd: {  	[tilespmem:s7+$0x1B960] =	vst v1  }
0xfe: {  	v0 =	vld.idx.msk [tilespmem:v0+s3+$0x0], $0xffff;
	_ =	sdelay $0x3  }
0xff: {  	v1 =	vld [tilespmem:s10+$0x18710]  }
0x100: {  	[tilespmem:s7+$0x1B970] =	vst v0  }
0x101: {  	v0 =	vld.idx.msk [tilespmem:v2+s3+$0x0], $0xffff;
	_ =	sdelay $0x4  }
0x102: {  	[tilespmem:s10+$0x1B900] =	vst v0;
	v0 =	vld [tilespmem:s10+$0x18720]  }
0x103: {  	v1 =	vld.idx.msk [tilespmem:v1+s3+$0x0], $0xffff;
	_ =	sdelay $0x4  }
0x104: {  	[tilespmem:s10+$0x1B910] =	vst v1;
	v1 =	vld [tilespmem:s10+$0x18730];
	_ =	sdelay $0x1  }
0x105: {  	v0 =	vld.idx.msk [tilespmem:v0+s3+$0x0], $0xffff;
	_ =	sdelay $0x4  }
0x106: {  	[tilespmem:s10+$0x1B920] =	vst v0;
	v0 =	vld [tilespmem:s10+$0x18740]  }
0x107: {  	v1 =	vld.idx.msk [tilespmem:v1+s3+$0x0], $0xffff;
	_ =	sdelay $0x4  }
0x108: {  	[tilespmem:s10+$0x1B930] =	vst v1;
	v1 =	vld [tilespmem:s10+$0x18750];
	_ =	sdelay $0x1  }
0x109: {  	v0 =	vld.idx.msk [tilespmem:v0+s3+$0x0], $0xffff;
	_ =	sdelay $0x4  }
0x10a: {  	[tilespmem:s10+$0x1B940] =	vst v0;
	v0 =	vld [tilespmem:s10+$0x18760]  }
0x10b: {  	v1 =	vld.idx.msk [tilespmem:v1+s3+$0x0], $0xffff;
	_ =	sdelay $0x4  }
0x10c: {  	[tilespmem:s10+$0x1B950] =	vst v1;
	v1 =	vld [tilespmem:s10+$0x18770];
	_ =	sdelay $0x1  }
0x10d: {  	v0 =	vld.idx.msk [tilespmem:v0+s3+$0x0], $0xffff;
	_ =	sdelay $0x4  }
0x10e: {  	[tilespmem:s10+$0x1B960] =	vst v0  }
0x10f: {  	v0 =	vld.idx.msk [tilespmem:v1+s3+$0x0], $0xffff  }
0x110: {  	s7 =	smul.u32 $0xC800, s6;
	_ =	sdelay $0x1  }
0x111: {  	s12 =	sadd.s32 s18, s7  }
0x112: {  	p0 =	seq.s32 s6, $0x7;
	s12 =	sshrl.u32 s12, $0x3  }
0x113: {  	p1 =	seq.s32 @!p0 s6, $0x0;
	s14 =	sadd.s32 s1, s12;
	[tilespmem:s10+$0x1B970] =	vst v0;
	s10 =	smul.u32 @!p0 $0x1900, s6  }
0x114: {  	[hbm4b:s14+s22] =	stream.strided.scatter [tilespmem:s2], [sflag:$0x6], $0xC80, s23, s22, $0x38;
	[tilespmem:$0x1ED20] =	vst v63  }
0x115: {  	p1 =	por p0, !p1;
	_ =	swait.ge [sflag:s17], $0xC80;
	s10 =	sadd.s32 @!p0 s10, s11  }
0x116: {  	s12 =	simm.s32 @!p0 $0x0;
	[sflag:s17] =	ssyncset.done $0x0;
	s10 =	sshrl.u32 @!p0 s10, $0x3  }
0x117: {  	s14 =	simm.s32 @!p0 $0x18700;
	[sflag:s17] =	ssyncadd.s32 $0xFFFFF380;
	s10 =	sadd.s32 @!p0 s4, s10  }
0x118: {  	[tilespmem:s14], [sflag:$0x2] =	stream.linear.gather @!p0 [hbm4b:s10+s12], $0xC80, $0x38;
	[tilespmem:$0x1ED20] =	vst v63  }
0x119: {  	_ =	swait.ge @p1 [sflag:s21], $0xC80  }
0x11a: {  	[sflag:s21] =	ssyncset.done @p1 $0x0  }
0x11b: {  	s12 =	simm.s32 $0x0;
	[sflag:s21] =	ssyncadd.s32 @p1 $0xFFFFF380  }
0x11c: {  	v0 =	vld [tilespmem:s12+$0x19380];
	_ =	sdelay $0x5  }
0x11d: {  	v1 =	vld [tilespmem:s12+$0x19390];
	_ =	sdelay $0x1  }
0x11e: {  	v0 =	vld.idx.msk [tilespmem:v0+s3+$0x0], $0xffff;
	_ =	sdelay $0x4  }
0x11f: {  	[tilespmem:s12+$0x1C580] =	vst v0;
	v0 =	vld [tilespmem:s12+$0x193A0]  }
0x120: {  	v1 =	vld.idx.msk [tilespmem:v1+s3+$0x0], $0xffff;
	_ =	sdelay $0x4  }
0x121: {  	[tilespmem:s12+$0x1C590] =	vst v1;
	v1 =	vld [tilespmem:s12+$0x193B0];
	_ =	sdelay $0x1  }
0x122: {  	v0 =	vld.idx.msk [tilespmem:v0+s3+$0x0], $0xffff;
	_ =	sdelay $0x4  }
0x123: {  	[tilespmem:s12+$0x1C5A0] =	vst v0;
	v0 =	vld [tilespmem:s12+$0x193C0]  }
0x124: {  	v1 =	vld.idx.msk [tilespmem:v1+s3+$0x0], $0xffff;
	_ =	sdelay $0x4  }
0x125: {  	[tilespmem:s12+$0x1C5B0] =	vst v1;
	v1 =	vld [tilespmem:s12+$0x193D0];
	_ =	sdelay $0x1  }
0x126: {  	v0 =	vld.idx.msk [tilespmem:v0+s3+$0x0], $0xffff;
	_ =	sdelay $0x4  }
0x127: {  	v2 =	vld [tilespmem:s12+$0x193E0];
	[tilespmem:s12+$0x1C5C0] =	vst v0  }
0x128: {  	v0 =	vld.idx.msk [tilespmem:v1+s3+$0x0], $0xffff;
	_ =	sdelay $0x4  }
0x129: {  	[tilespmem:s12+$0x1C5D0] =	vst v0;
	v0 =	vld [tilespmem:s12+$0x193F0];
	_ =	sdelay $0x1  }
0x12a: {  	v1 =	vld.idx.msk [tilespmem:v2+s3+$0x0], $0xffff;
	_ =	sdelay $0x3  }
0x12b: {  	s14 =	simm.s32 $0x80;
	s10 =	simm.s32 $0x400  }
.LBB2_12:
0x12c: {  	p1 =	sne.s32 s10, $0x3000;
	v2 =	vld [tilespmem:s14+$0x19380];
	[tilespmem:s12+$0x1C5E0] =	vst v1  }
0x12d: {  	v0 =	vld.idx.msk [tilespmem:v0+s3+$0x0], $0xffff;
	_ =	sdelay $0x5  }
0x12e: {  	v1 =	vld [tilespmem:s14+$0x19390];
	[tilespmem:s12+$0x1C5F0] =	vst v0;
	s12 =	smov.u32 s14  }
0x12f: {  	v0 =	vld.idx.msk [tilespmem:v2+s3+$0x0], $0xffff;
	_ =	sdelay $0x5  }
0x130: {  	[tilespmem:s12+$0x1C580] =	vst v0;
	v0 =	vld [tilespmem:s12+$0x193A0]  }
0x131: {  	v1 =	vld.idx.msk [tilespmem:v1+s3+$0x0], $0xffff;
	_ =	sdelay $0x5  }
0x132: {  	[tilespmem:s12+$0x1C590] =	vst v1;
	v1 =	vld [tilespmem:s12+$0x193B0]  }
0x133: {  	v0 =	vld.idx.msk [tilespmem:v0+s3+$0x0], $0xffff;
	_ =	sdelay $0x5  }
0x134: {  	[tilespmem:s12+$0x1C5A0] =	vst v0;
	v0 =	vld [tilespmem:s12+$0x193C0]  }
0x135: {  	v1 =	vld.idx.msk [tilespmem:v1+s3+$0x0], $0xffff;
	_ =	sdelay $0x5  }
0x136: {  	[tilespmem:s12+$0x1C5B0] =	vst v1;
	v1 =	vld [tilespmem:s12+$0x193D0]  }
0x137: {  	v0 =	vld.idx.msk [tilespmem:v0+s3+$0x0], $0xffff;
	_ =	sdelay $0x5  }
0x138: {  	[tilespmem:s12+$0x1C5C0] =	vst v0;
	v2 =	vld [tilespmem:s12+$0x193E0]  }
0x139: {  	v0 =	vld.idx.msk [tilespmem:v1+s3+$0x0], $0xffff;
	_ =	sdelay $0x5  }
0x13a: {  	[tilespmem:s12+$0x1C5D0] =	vst v0;
	v0 =	vld [tilespmem:s12+$0x193F0]  }
0x13b: {  	v1 =	vld.idx.msk [tilespmem:v2+s3+$0x0], $0xffff  }
.Ltmp8:
0x13c: {  	(pc) =	sbr.rel @p1 .LBB2_12-.Ltmp8, $2  }
0x13d: {  	_ =	sdelay $0x2  }
0x13e: {  	s14 =	sshra.s32 s10, $0x2;
	s10 =	sadd.s32 $0x200, s10  }
0x13f: {  	_ =	sdelay $0x1  }
0x140: {  	v2 =	vld [tilespmem:s14+$0x19380]  }
0x141: {  	[tilespmem:s12+$0x1C5E0] =	vst v1  }
0x142: {  	v0 =	vld.idx.msk [tilespmem:v0+s3+$0x0], $0xffff;
	_ =	sdelay $0x3  }
0x143: {  	v1 =	vld [tilespmem:s14+$0x19390]  }
0x144: {  	[tilespmem:s12+$0x1C5F0] =	vst v0  }
0x145: {  	v0 =	vld.idx.msk [tilespmem:v2+s3+$0x0], $0xffff;
	_ =	sdelay $0x3  }
0x146: {  	v58 =	vld [tilespmem:s14+$0x193A0]  }
0x147: {  	[tilespmem:s14+$0x1C580] =	vst v0  }
0x148: {  	v1 =	vld.idx.msk [tilespmem:v1+s3+$0x0], $0xffff;
	_ =	sdelay $0x3  }
0x149: {  	v59 =	vld [tilespmem:s14+$0x193B0]  }
0x14a: {  	[tilespmem:s14+$0x1C590] =	vst v1  }
0x14b: {  	v0 =	vld.idx.msk [tilespmem:v58+s3+$0x0], $0xffff;
	_ =	sdelay $0x3  }
0x14c: {  	v60 =	vld [tilespmem:s14+$0x193C0]  }
0x14d: {  	[tilespmem:s14+$0x1C5A0] =	vst v0  }
0x14e: {  	v1 =	vld.idx.msk [tilespmem:v59+s3+$0x0], $0xffff;
	_ =	sdelay $0x3  }
0x14f: {  	v61 =	vld [tilespmem:s14+$0x193D0]  }
0x150: {  	[tilespmem:s14+$0x1C5B0] =	vst v1  }
0x151: {  	v0 =	vld.idx.msk [tilespmem:v60+s3+$0x0], $0xffff;
	_ =	sdelay $0x3  }
0x152: {  	v62 =	vld [tilespmem:s14+$0x193E0]  }
0x153: {  	[tilespmem:s14+$0x1C5C0] =	vst v0  }
0x154: {  	v1 =	vld.idx.msk [tilespmem:v61+s3+$0x0], $0xffff;
	_ =	sdelay $0x3  }
0x155: {  	v63 =	vld [tilespmem:s14+$0x193F0]  }
0x156: {  	[tilespmem:s14+$0x1C5D0] =	vst v1  }
0x157: {  	v0 =	vld.idx.msk [tilespmem:v62+s3+$0x0], $0xffff;
	_ =	sdelay $0x4  }
0x158: {  	[tilespmem:s14+$0x1C5E0] =	vst v0  }
0x159: {  	v0 =	vld.idx.msk [tilespmem:v63+s3+$0x0], $0xffff;
	_ =	sdelay $0x1  }
.Ltmp9:
0x15a: {  	_ = 	snop;
	(pc) =	sbr.rel @p0 .LBB2_15-.Ltmp9, $4  }
0x15b: {  	s7 =	sadd.s32 s7, s24  }
0x15c: {  	s7 =	sshrl.u32 s7, $0x3  }
0x15d: {  	s7 =	sadd.s32 s1, s7;
	[tilespmem:s14+$0x1C5F0] =	vst v0  }
0x15e: {  	[hbm4b:s7+s22] =	stream.strided.scatter [tilespmem:s19], [sflag:$0x7], $0xC80, s23, s22, $0x38;
	[tilespmem:$0x1ED20] =	vst v63  }
0x15f: {  	s7 =	smul.u32 $0x1900, s6  }
.Ltmp10:
0x160: {  	_ = 	snop;
	(pc) =	sbr.rel .LBB2_9-.Ltmp10, $4  }
0x161: {  	s7 =	sadd.s32 s7, s9  }
0x162: {  	s7 =	sshrl.u32 s7, $0x3  }
0x163: {  	s6 =	sadd.s32 $0x1, s6;
	s7 =	sadd.s32 s4, s7  }
0x164: {  	[tilespmem:s25], [sflag:$0x3] =	stream.linear.gather [hbm4b:s7+s3], $0xC80, $0x38;
	[tilespmem:$0x1ED20] =	vst v63  }
.LBB2_17:
0x165: {  	_ =	sfence.sel $0x180000  }
0x166: {  	[bflag:$0x0] =	sbarrier.arrive $0xFFFF  }
0x167: {  	_ =	strace $0x90000047  }
0x168: {  	s0 =	stileid.u32;
	[bflag:$0x2] =	sbarrier.arrive $0xFFFF  }
0x169: {  	p0 =	sne.s32 s0, $0x0;
	s0 =	rddreg [dreg:$0x2]  }
0x16a: {  	s0 =	sadd.s32 @!p0 $0x100000, s0  }
0x16b: {  	[sflag:s0] =	ssyncadd.tile.s32 @!p0 $0x1;
	_ =	shalt  }
.Lfunc_end2:
_tile_overlayer_lowered:
.L_overlay_start_2:
0x16c: {  	(tag) =	ssettag $0x2  }
0x16d: {  	s0 =	rddreg [dreg:$0x0];
	s2 =	stileid.u32  }
0x16e: {  	s1 =	rddreg [dreg:$0x1];
	p0 =	sne.s32 s2, $0x0  }
0x16f: {  	s3 =	rddreg [dreg:$0x2];
	[bflag:$0x3] =	sbarrier.arrive $0xFFFF;
	s2 =	simm.s32 @!p0 $0x1C0A  }
0x170: {  	[timem:s3], [sflag:s2] =	dma.local @!p0 [hbm:s0], s1  }
0x171: {  	s0 =	simm.s32 @!p0 $0xA  }
0x172: {  	_ =	swait.ge @!p0 [sflag:s0], s1  }
0x173: {  	s1 =	ssub.s32 @!p0 $0x0, s1;
	[sflag:s0] =	ssyncset.done @!p0 $0x0  }
0x174: {  	[sflag:s0] =	ssyncadd.s32 @!p0 s1  }
0x175: {  	[bflag:$0x3] =	sbarrier.arrive $0xFFFF  }
0x176: {  	_ =	shalt  }

</sc_bundles>
